<compile_context>
chip_gen: v7x
topology: tpu7x:2x2x1
jax: 0.10.2.dev20260603
libtpu: 0.0.44.dev20260713+nightly
codegen_flags: <defaults>
</compile_context>

<pallas_src>
import functools

import jax
import jax.numpy as jnp
from jax import lax
from jax.experimental import pallas as pl
from jax.experimental.pallas import tpu as pltpu
from jax.experimental.pallas import tpu_sc as plsc

_B, _N, _K, _C, _M, _OUT = 1, 100000, 16, 16, 16, 64


_NW = 32
_PER_W = (_N * _K) // _NW
_CH = 1000
_NCH = _PER_W // _CH
_NPAIR = _NCH // 2


def _sc_gather_body(idx_hbm, table_hbm, out_hbm, idx_v, rows_a, rows_b,
                    gsem, ssem_a, ssem_b):
    wid = lax.axis_index("s") * 2 + lax.axis_index("c")
    pltpu.sync_copy(idx_hbm.at[wid], idx_v)
    base = wid * _PER_W

    def gather(j, rows):
        pltpu.async_copy(table_hbm.at[idx_v.at[j]], rows, gsem).wait()

    def start_store(j, rows, ssem):
        pltpu.make_async_copy(rows, out_hbm.at[pl.ds(base + j * _CH, _CH)],
                              ssem).start()

    def wait_store(rows, ssem):
        pltpu.make_async_copy(rows, out_hbm.at[pl.ds(base, _CH)], ssem).wait()

    gather(0, rows_a)
    start_store(0, rows_a, ssem_a)
    gather(1, rows_b)
    start_store(1, rows_b, ssem_b)

    def pair(i, carry):
        wait_store(rows_a, ssem_a)
        gather(2 * i, rows_a)
        start_store(2 * i, rows_a, ssem_a)
        wait_store(rows_b, ssem_b)
        gather(2 * i + 1, rows_b)
        start_store(2 * i + 1, rows_b, ssem_b)
        return carry

    lax.fori_loop(1, _NPAIR, pair, 0)
    wait_store(rows_a, ssem_a)
    wait_store(rows_b, ssem_b)


_sc_gather = functools.partial(
    pl.kernel,
    out_type=jax.ShapeDtypeStruct((_N * _K, _C), jnp.float32),
    mesh=plsc.VectorSubcoreMesh(core_axis_name="c", subcore_axis_name="s"),
    scratch_types=[
        pltpu.VMEM((_NCH, _CH), jnp.int32),
        pltpu.VMEM((_CH, _C), jnp.float32),
        pltpu.VMEM((_CH, _C), jnp.float32),
        pltpu.SemaphoreType.DMA,
        pltpu.SemaphoreType.DMA,
        pltpu.SemaphoreType.DMA,
    ],
    compiler_params=pltpu.CompilerParams(use_tc_tiling_on_sc=False),
)(_sc_gather_body)



_BNL = 512
_GRID = -(-_N // _BNL)


def _tc_body(gt_ref, wt_ref, w2_ref, b_ref, ot_ref):
    quarters = []
    for q in range(4):
        accs = [jnp.zeros((_M, _BNL), jnp.float32) for _ in range(4)]
        for k in range(_K):
            wk = wt_ref[k * _M:(k + 1) * _M, :]
            for cc in range(4):
                grow = gt_ref[k * _C + q * 4 + cc, :]
                accs[cc] = accs[cc] + grow[None, :] * wk
        quarters.extend(accs)
    p = jnp.concatenate(quarters, axis=0)
    out_t = lax.dot_general(w2_ref[...], p, (((1,), (0,)), ((), ())),
                            preferred_element_type=jnp.float32)
    ot_ref[...] = out_t + b_ref[...]


_tc_call = pl.pallas_call(
    _tc_body,
    out_shape=jax.ShapeDtypeStruct((_OUT, _N), jnp.float32),
    grid=(_GRID,),
    in_specs=[
        pl.BlockSpec((_K * _C, _BNL), lambda i: (0, i)),
        pl.BlockSpec((_K * _M, _BNL), lambda i: (0, i)),
        pl.BlockSpec((_OUT, _K * _C), lambda i: (0, 0)),
        pl.BlockSpec((_OUT, _BNL), lambda i: (0, 0)),
    ],
    out_specs=pl.BlockSpec((_OUT, _BNL), lambda i: (0, i)),
)


def kernel(input_features, neighbor_inds, inverse_neighbors, inverse_k,
           inverse_idx, weightnet, linear_weight, linear_bias):
    table = input_features[0]
    idx = neighbor_inds[0].reshape(_NW, _NCH, _CH)
    gathered = _sc_gather(idx, table)
    g_t = gathered.reshape(_N, _K * _C).T
    w_t = weightnet[0].reshape(_N, _K * _M).T
    bias_t = jnp.tile(linear_bias[:, None], (1, _BNL))
    out_t = _tc_call(g_t, w_t, linear_weight, bias_t)
    return out_t.T[None]

# --- scband reference (transcript-rebuilt; emitter-appended) ---
"""Pipeline reference for scband-pconv-linear-opt-8778913153257 (READ-ONLY COPY).

The authoritative reference and input builder live on the scoring server;
editing this copy changes nothing except your own understanding.
"""

import jax, jax.numpy as jnp
import numpy as np

B, N, K, C, M, OUT = 1, 100000, 16, 16, 16, 64


def setup_inputs(seed: int = 0) -> dict:
    key = jax.random.key(seed)
    ks = jax.random.split(key, 8)
    input_features = jax.random.normal(ks[0], (B, N, C), dtype=jnp.float32)
    neighbor_inds = jax.random.randint(ks[1], (B, N, K), 0, N, dtype=jnp.int64 if jax.config.jax_enable_x64 else jnp.int32).astype(jnp.int32)
    inverse_neighbors = jax.random.randint(ks[2], (B, N * K), 0, N * K, dtype=jnp.int32)
    inverse_k = jnp.sort(jax.random.randint(ks[3], (B, N + 1), 0, N * K, dtype=jnp.int32), axis=-1)
    inverse_idx = jax.random.randint(ks[4], (B, N * K), 0, N * K, dtype=jnp.int32)
    weightnet = jax.random.normal(ks[5], (B, N, K, M), dtype=jnp.float32)
    linear_weight = jax.random.normal(ks[6], (OUT, C * M), dtype=jnp.float32) * (1.0 / np.sqrt(C * M))
    linear_bias = jax.random.normal(ks[7], (OUT,), dtype=jnp.float32) * 0.01
    return {
        "input_features": input_features,
        "neighbor_inds": neighbor_inds,
        "inverse_neighbors": inverse_neighbors,
        "inverse_k": inverse_k,
        "inverse_idx": inverse_idx,
        "weightnet": weightnet,
        "linear_weight": linear_weight,
        "linear_bias": linear_bias,
    }


def reference(input_features, neighbor_inds, inverse_neighbors, inverse_k, inverse_idx, weightnet, linear_weight, linear_bias):
    # Fused PConv + Linear forward.
    # 1) Gather neighbor features: gathered[b,n,k,c] = input_features[b, neighbor_inds[b,n,k], c]
    batch_idx = jnp.arange(B)[:, None, None]
    gathered = input_features[batch_idx, neighbor_inds]  # [B, N, K, C]
    # additional_features has 0 channels by default, so concat is a no-op.
    # 2) Per-point matmul: [C, K] @ [K, M] -> [C, M], flattened to C*M
    pconv_out = jnp.einsum("bnkc,bnkm->bncm", gathered, weightnet).reshape(B, N, C * M)
    # 3) Linear layer
    out = pconv_out @ linear_weight.T + linear_bias
    return out

if __name__ == "__main__":
    import jax
    _d = setup_inputs()
    print(jax.jit(kernel)(*tuple(_d.values())))

</pallas_src>

<mosaic_0001>
#map = affine_map<(d0, d1) -> (0, 0, 0)>
#map1 = affine_map<(d0, d1) -> (0, 0)>
module attributes {stable_mosaic.version = 14 : i64} {
  func.func @_sc_gather_body(%arg0: i32, %arg1: i32, %arg2: memref<32x50x1000xi32, #tpu.memory_space<hbm>>, %arg3: memref<100000x16xf32, #tpu.memory_space<hbm>>, %arg4: memref<1600000x16xf32, #tpu.memory_space<hbm>>, %arg5: memref<50x1000xi32, #tpu.memory_space<vmem>>, %arg6: memref<1000x16xf32, #tpu.memory_space<vmem>>, %arg7: memref<1000x16xf32, #tpu.memory_space<vmem>>, %arg8: memref<!tpu.dma_semaphore, #tpu.memory_space<semaphore_mem>>, %arg9: memref<!tpu.dma_semaphore, #tpu.memory_space<semaphore_mem>>, %arg10: memref<!tpu.dma_semaphore, #tpu.memory_space<semaphore_mem>>) attributes {dimension_semantics = [#tpu.dimension_semantics<core_parallel>, #tpu.dimension_semantics<subcore_parallel>], iteration_bounds = array<i64: 2, 16>, scalar_prefetch = 0 : i64, scratch_operands = 6 : i64, tpu.core_type = #tpu.core_type<sc_vector_subcore>, window_params = [{transform_indices = #map}, {transform_indices = #map1}, {transform_indices = #map1}]} {
    %mul3A = arith.constant 2 : i32
    %mul3A_0 = arith.muli %arg1, %mul3A : i32
    %add3A = arith.addi %mul3A_0, %arg0 : i32
    "tpu.region"() ({
      %run_scoped3A = tpu.sem_alloc : memref<!tpu.dma_semaphore, #tpu.memory_space<semaphore_mem>>
      %dma_start3A_54 = arith.constant 0 : i32
      %dma_start3A_55 = arith.constant 0 : i32
      %dma_start3A_56 = tpu.memref_slice %arg2[%add3A, %dma_start3A_54, %dma_start3A_55] : memref<32x50x1000xi32, #tpu.memory_space<hbm>> -> memref<1x50x1000xi32, #tpu.memory_space<hbm>>
      %dma_start3A_57 = tpu.memref_squeeze %dma_start3A_56 : memref<1x50x1000xi32, #tpu.memory_space<hbm>> -> memref<50x1000xi32, #tpu.memory_space<hbm>>
      %dma_start3A_58 = arith.constant 0 : i32
      %dma_start3A_59 = arith.constant 0 : i32
      %dma_start3A_60 = tpu.memref_slice %arg2[%add3A, %dma_start3A_58, %dma_start3A_59] : memref<32x50x1000xi32, #tpu.memory_space<hbm>> -> memref<1x50x1000xi32, #tpu.memory_space<hbm>>
      %dma_start3A_61 = tpu.memref_squeeze %dma_start3A_60 : memref<1x50x1000xi32, #tpu.memory_space<hbm>> -> memref<50x1000xi32, #tpu.memory_space<hbm>>
      tpu.enqueue_dma source(%dma_start3A_61 : memref<50x1000xi32, #tpu.memory_space<hbm>>) target(%arg5 : memref<50x1000xi32, #tpu.memory_space<vmem>>) target_semaphore(%run_scoped3A : memref<!tpu.dma_semaphore, #tpu.memory_space<semaphore_mem>>)
      %dma_wait3A_62 = arith.constant 0 : i32
      %dma_wait3A_63 = arith.constant 0 : i32
      %dma_wait3A_64 = tpu.memref_slice %arg2[%add3A, %dma_wait3A_62, %dma_wait3A_63] : memref<32x50x1000xi32, #tpu.memory_space<hbm>> -> memref<1x50x1000xi32, #tpu.memory_space<hbm>>
      %dma_wait3A_65 = tpu.memref_squeeze %dma_wait3A_64 : memref<1x50x1000xi32, #tpu.memory_space<hbm>> -> memref<50x1000xi32, #tpu.memory_space<hbm>>
      %dma_wait3A_66 = arith.constant 0 : i32
      %dma_wait3A_67 = arith.constant 0 : i32
      %dma_wait3A_68 = tpu.memref_slice %arg2[%add3A, %dma_wait3A_66, %dma_wait3A_67] : memref<32x50x1000xi32, #tpu.memory_space<hbm>> -> memref<1x50x1000xi32, #tpu.memory_space<hbm>>
      %dma_wait3A_69 = tpu.memref_squeeze %dma_wait3A_68 : memref<1x50x1000xi32, #tpu.memory_space<hbm>> -> memref<50x1000xi32, #tpu.memory_space<hbm>>
      tpu.wait_dma2 semaphore(%run_scoped3A : memref<!tpu.dma_semaphore, #tpu.memory_space<semaphore_mem>>) src(%dma_wait3A_69 : memref<50x1000xi32, #tpu.memory_space<hbm>>) dst(%arg5 : memref<50x1000xi32, #tpu.memory_space<vmem>>)
      tpu.yield
    }) : () -> ()
    %mul3A_1 = arith.constant 50000 : i32
    %mul3A_2 = arith.muli %add3A, %mul3A_1 : i32
    %dma_start3A = arith.constant 0 : i32
    %dma_start3A_3 = arith.constant 0 : i32
    %dma_start3A_4 = tpu.memref_slice %arg5[%dma_start3A, %dma_start3A_3] : memref<50x1000xi32, #tpu.memory_space<vmem>> -> memref<1x1000xi32, #tpu.memory_space<vmem>>
    %dma_start3A_5 = tpu.memref_squeeze %dma_start3A_4 : memref<1x1000xi32, #tpu.memory_space<vmem>> -> memref<1000xi32, #tpu.memory_space<vmem>>
    %dma_start3A_6 = arith.constant 0 : i32
    %dma_start3A_7 = arith.constant 0 : i32
    %dma_start3A_8 = tpu.memref_slice %arg3[%dma_start3A_6, %dma_start3A_7] : memref<100000x16xf32, #tpu.memory_space<hbm>> -> memref<100000x16xf32, #tpu.memory_space<hbm>>
    tpu.enqueue_indirect_dma source(%dma_start3A_8 : memref<100000x16xf32, #tpu.memory_space<hbm>>) target(%arg6 : memref<1000x16xf32, #tpu.memory_space<vmem>>) offsets(%dma_start3A_5 : memref<1000xi32, #tpu.memory_space<vmem>>) semaphore(%arg8 : memref<!tpu.dma_semaphore, #tpu.memory_space<semaphore_mem>>)
    %dma_wait3A = arith.constant 0 : i32
    %dma_wait3A_9 = arith.constant 0 : i32
    %dma_wait3A_10 = tpu.memref_slice %arg5[%dma_wait3A, %dma_wait3A_9] : memref<50x1000xi32, #tpu.memory_space<vmem>> -> memref<1x1000xi32, #tpu.memory_space<vmem>>
    %dma_wait3A_11 = tpu.memref_squeeze %dma_wait3A_10 : memref<1x1000xi32, #tpu.memory_space<vmem>> -> memref<1000xi32, #tpu.memory_space<vmem>>
    %dma_wait3A_12 = arith.constant 0 : i32
    %dma_wait3A_13 = arith.constant 0 : i32
    %dma_wait3A_14 = tpu.memref_slice %arg3[%dma_wait3A_12, %dma_wait3A_13] : memref<100000x16xf32, #tpu.memory_space<hbm>> -> memref<100000x16xf32, #tpu.memory_space<hbm>>
    tpu.wait_indirect_dma semaphore(%arg8 : memref<!tpu.dma_semaphore, #tpu.memory_space<semaphore_mem>>) src(%dma_wait3A_14 : memref<100000x16xf32, #tpu.memory_space<hbm>>) dst(%arg6 : memref<1000x16xf32, #tpu.memory_space<vmem>>)
    %add3A_15 = arith.constant 0 : i32
    %add3A_16 = arith.addi %mul3A_2, %add3A_15 : i32
    %dma_start3A_17 = arith.constant 0 : i32
    %dma_start3A_18 = tpu.memref_slice %arg4[%add3A_16, %dma_start3A_17] : memref<1600000x16xf32, #tpu.memory_space<hbm>> -> memref<1000x16xf32, #tpu.memory_space<hbm>>
    %dma_start3A_19 = arith.constant 0 : i32
    %dma_start3A_20 = tpu.memref_slice %arg4[%add3A_16, %dma_start3A_19] : memref<1600000x16xf32, #tpu.memory_space<hbm>> -> memref<1000x16xf32, #tpu.memory_space<hbm>>
    tpu.enqueue_dma source(%arg6 : memref<1000x16xf32, #tpu.memory_space<vmem>>) target(%dma_start3A_20 : memref<1000x16xf32, #tpu.memory_space<hbm>>) target_semaphore(%arg9 : memref<!tpu.dma_semaphore, #tpu.memory_space<semaphore_mem>>)
    %dma_start3A_21 = arith.constant 1 : i32
    %dma_start3A_22 = arith.constant 0 : i32
    %dma_start3A_23 = tpu.memref_slice %arg5[%dma_start3A_21, %dma_start3A_22] : memref<50x1000xi32, #tpu.memory_space<vmem>> -> memref<1x1000xi32, #tpu.memory_space<vmem>>
    %dma_start3A_24 = tpu.memref_squeeze %dma_start3A_23 : memref<1x1000xi32, #tpu.memory_space<vmem>> -> memref<1000xi32, #tpu.memory_space<vmem>>
    %dma_start3A_25 = arith.constant 0 : i32
    %dma_start3A_26 = arith.constant 0 : i32
    %dma_start3A_27 = tpu.memref_slice %arg3[%dma_start3A_25, %dma_start3A_26] : memref<100000x16xf32, #tpu.memory_space<hbm>> -> memref<100000x16xf32, #tpu.memory_space<hbm>>
    tpu.enqueue_indirect_dma source(%dma_start3A_27 : memref<100000x16xf32, #tpu.memory_space<hbm>>) target(%arg7 : memref<1000x16xf32, #tpu.memory_space<vmem>>) offsets(%dma_start3A_24 : memref<1000xi32, #tpu.memory_space<vmem>>) semaphore(%arg8 : memref<!tpu.dma_semaphore, #tpu.memory_space<semaphore_mem>>)
    %dma_wait3A_28 = arith.constant 1 : i32
    %dma_wait3A_29 = arith.constant 0 : i32
    %dma_wait3A_30 = tpu.memref_slice %arg5[%dma_wait3A_28, %dma_wait3A_29] : memref<50x1000xi32, #tpu.memory_space<vmem>> -> memref<1x1000xi32, #tpu.memory_space<vmem>>
    %dma_wait3A_31 = tpu.memref_squeeze %dma_wait3A_30 : memref<1x1000xi32, #tpu.memory_space<vmem>> -> memref<1000xi32, #tpu.memory_space<vmem>>
    %dma_wait3A_32 = arith.constant 0 : i32
    %dma_wait3A_33 = arith.constant 0 : i32
    %dma_wait3A_34 = tpu.memref_slice %arg3[%dma_wait3A_32, %dma_wait3A_33] : memref<100000x16xf32, #tpu.memory_space<hbm>> -> memref<100000x16xf32, #tpu.memory_space<hbm>>
    tpu.wait_indirect_dma semaphore(%arg8 : memref<!tpu.dma_semaphore, #tpu.memory_space<semaphore_mem>>) src(%dma_wait3A_34 : memref<100000x16xf32, #tpu.memory_space<hbm>>) dst(%arg7 : memref<1000x16xf32, #tpu.memory_space<vmem>>)
    %add3A_35 = arith.constant 1000 : i32
    %add3A_36 = arith.addi %mul3A_2, %add3A_35 : i32
    %dma_start3A_37 = arith.constant 0 : i32
    %dma_start3A_38 = tpu.memref_slice %arg4[%add3A_36, %dma_start3A_37] : memref<1600000x16xf32, #tpu.memory_space<hbm>> -> memref<1000x16xf32, #tpu.memory_space<hbm>>
    %dma_start3A_39 = arith.constant 0 : i32
    %dma_start3A_40 = tpu.memref_slice %arg4[%add3A_36, %dma_start3A_39] : memref<1600000x16xf32, #tpu.memory_space<hbm>> -> memref<1000x16xf32, #tpu.memory_space<hbm>>
    tpu.enqueue_dma source(%arg7 : memref<1000x16xf32, #tpu.memory_space<vmem>>) target(%dma_start3A_40 : memref<1000x16xf32, #tpu.memory_space<hbm>>) target_semaphore(%arg10 : memref<!tpu.dma_semaphore, #tpu.memory_space<semaphore_mem>>)
    %scan3A = arith.constant 0 : i32
    %scan3A_41 = arith.constant 1 : i32
    %scan3A_42 = arith.constant 24 : i32
    %scan3A_43 = arith.addi %scan3A_41, %scan3A_42 : i32
    %scan3A_44 = arith.constant 1 : i32
    scf.for %scan3A_54 = %scan3A_41 to %scan3A_43 step %scan3A_44  : i32 {
      %dma_wait3A_55 = arith.constant 0 : i32
      %dma_wait3A_56 = tpu.memref_slice %arg4[%mul3A_2, %dma_wait3A_55] : memref<1600000x16xf32, #tpu.memory_space<hbm>> -> memref<1000x16xf32, #tpu.memory_space<hbm>>
      %dma_wait3A_57 = arith.constant 0 : i32
      %dma_wait3A_58 = tpu.memref_slice %arg4[%mul3A_2, %dma_wait3A_57] : memref<1600000x16xf32, #tpu.memory_space<hbm>> -> memref<1000x16xf32, #tpu.memory_space<hbm>>
      tpu.wait_dma2 semaphore(%arg9 : memref<!tpu.dma_semaphore, #tpu.memory_space<semaphore_mem>>) src(%arg6 : memref<1000x16xf32, #tpu.memory_space<vmem>>) dst(%dma_wait3A_58 : memref<1000x16xf32, #tpu.memory_space<hbm>>)
      %mul3A_59 = arith.constant 2 : i32
      %mul3A_60 = arith.muli %mul3A_59, %scan3A_54 : i32
      %dma_start3A_61 = arith.constant 0 : i32
      %dma_start3A_62 = tpu.memref_slice %arg5[%mul3A_60, %dma_start3A_61] : memref<50x1000xi32, #tpu.memory_space<vmem>> -> memref<1x1000xi32, #tpu.memory_space<vmem>>
      %dma_start3A_63 = tpu.memref_squeeze %dma_start3A_62 : memref<1x1000xi32, #tpu.memory_space<vmem>> -> memref<1000xi32, #tpu.memory_space<vmem>>
      %dma_start3A_64 = arith.constant 0 : i32
      %dma_start3A_65 = arith.constant 0 : i32
      %dma_start3A_66 = tpu.memref_slice %arg3[%dma_start3A_64, %dma_start3A_65] : memref<100000x16xf32, #tpu.memory_space<hbm>> -> memref<100000x16xf32, #tpu.memory_space<hbm>>
      tpu.enqueue_indirect_dma source(%dma_start3A_66 : memref<100000x16xf32, #tpu.memory_space<hbm>>) target(%arg6 : memref<1000x16xf32, #tpu.memory_space<vmem>>) offsets(%dma_start3A_63 : memref<1000xi32, #tpu.memory_space<vmem>>) semaphore(%arg8 : memref<!tpu.dma_semaphore, #tpu.memory_space<semaphore_mem>>)
      %dma_wait3A_67 = arith.constant 0 : i32
      %dma_wait3A_68 = tpu.memref_slice %arg5[%mul3A_60, %dma_wait3A_67] : memref<50x1000xi32, #tpu.memory_space<vmem>> -> memref<1x1000xi32, #tpu.memory_space<vmem>>
      %dma_wait3A_69 = tpu.memref_squeeze %dma_wait3A_68 : memref<1x1000xi32, #tpu.memory_space<vmem>> -> memref<1000xi32, #tpu.memory_space<vmem>>
      %dma_wait3A_70 = arith.constant 0 : i32
      %dma_wait3A_71 = arith.constant 0 : i32
      %dma_wait3A_72 = tpu.memref_slice %arg3[%dma_wait3A_70, %dma_wait3A_71] : memref<100000x16xf32, #tpu.memory_space<hbm>> -> memref<100000x16xf32, #tpu.memory_space<hbm>>
      tpu.wait_indirect_dma semaphore(%arg8 : memref<!tpu.dma_semaphore, #tpu.memory_space<semaphore_mem>>) src(%dma_wait3A_72 : memref<100000x16xf32, #tpu.memory_space<hbm>>) dst(%arg6 : memref<1000x16xf32, #tpu.memory_space<vmem>>)
      %mul3A_73 = arith.constant 2 : i32
      %mul3A_74 = arith.muli %mul3A_73, %scan3A_54 : i32
      %mul3A_75 = arith.constant 1000 : i32
      %mul3A_76 = arith.muli %mul3A_74, %mul3A_75 : i32
      %add3A_77 = arith.addi %mul3A_2, %mul3A_76 : i32
      %dma_start3A_78 = arith.constant 0 : i32
      %dma_start3A_79 = tpu.memref_slice %arg4[%add3A_77, %dma_start3A_78] : memref<1600000x16xf32, #tpu.memory_space<hbm>> -> memref<1000x16xf32, #tpu.memory_space<hbm>>
      %dma_start3A_80 = arith.constant 0 : i32
      %dma_start3A_81 = tpu.memref_slice %arg4[%add3A_77, %dma_start3A_80] : memref<1600000x16xf32, #tpu.memory_space<hbm>> -> memref<1000x16xf32, #tpu.memory_space<hbm>>
      tpu.enqueue_dma source(%arg6 : memref<1000x16xf32, #tpu.memory_space<vmem>>) target(%dma_start3A_81 : memref<1000x16xf32, #tpu.memory_space<hbm>>) target_semaphore(%arg9 : memref<!tpu.dma_semaphore, #tpu.memory_space<semaphore_mem>>)
      %dma_wait3A_82 = arith.constant 0 : i32
      %dma_wait3A_83 = tpu.memref_slice %arg4[%mul3A_2, %dma_wait3A_82] : memref<1600000x16xf32, #tpu.memory_space<hbm>> -> memref<1000x16xf32, #tpu.memory_space<hbm>>
      %dma_wait3A_84 = arith.constant 0 : i32
      %dma_wait3A_85 = tpu.memref_slice %arg4[%mul3A_2, %dma_wait3A_84] : memref<1600000x16xf32, #tpu.memory_space<hbm>> -> memref<1000x16xf32, #tpu.memory_space<hbm>>
      tpu.wait_dma2 semaphore(%arg10 : memref<!tpu.dma_semaphore, #tpu.memory_space<semaphore_mem>>) src(%arg7 : memref<1000x16xf32, #tpu.memory_space<vmem>>) dst(%dma_wait3A_85 : memref<1000x16xf32, #tpu.memory_space<hbm>>)
      %mul3A_86 = arith.constant 2 : i32
      %mul3A_87 = arith.muli %mul3A_86, %scan3A_54 : i32
      %add3A_88 = arith.constant 1 : i32
      %add3A_89 = arith.addi %mul3A_87, %add3A_88 : i32
      %dma_start3A_90 = arith.constant 0 : i32
      %dma_start3A_91 = tpu.memref_slice %arg5[%add3A_89, %dma_start3A_90] : memref<50x1000xi32, #tpu.memory_space<vmem>> -> memref<1x1000xi32, #tpu.memory_space<vmem>>
      %dma_start3A_92 = tpu.memref_squeeze %dma_start3A_91 : memref<1x1000xi32, #tpu.memory_space<vmem>> -> memref<1000xi32, #tpu.memory_space<vmem>>
      %dma_start3A_93 = arith.constant 0 : i32
      %dma_start3A_94 = arith.constant 0 : i32
      %dma_start3A_95 = tpu.memref_slice %arg3[%dma_start3A_93, %dma_start3A_94] : memref<100000x16xf32, #tpu.memory_space<hbm>> -> memref<100000x16xf32, #tpu.memory_space<hbm>>
      tpu.enqueue_indirect_dma source(%dma_start3A_95 : memref<100000x16xf32, #tpu.memory_space<hbm>>) target(%arg7 : memref<1000x16xf32, #tpu.memory_space<vmem>>) offsets(%dma_start3A_92 : memref<1000xi32, #tpu.memory_space<vmem>>) semaphore(%arg8 : memref<!tpu.dma_semaphore, #tpu.memory_space<semaphore_mem>>)
      %dma_wait3A_96 = arith.constant 0 : i32
      %dma_wait3A_97 = tpu.memref_slice %arg5[%add3A_89, %dma_wait3A_96] : memref<50x1000xi32, #tpu.memory_space<vmem>> -> memref<1x1000xi32, #tpu.memory_space<vmem>>
      %dma_wait3A_98 = tpu.memref_squeeze %dma_wait3A_97 : memref<1x1000xi32, #tpu.memory_space<vmem>> -> memref<1000xi32, #tpu.memory_space<vmem>>
      %dma_wait3A_99 = arith.constant 0 : i32
      %dma_wait3A_100 = arith.constant 0 : i32
      %dma_wait3A_101 = tpu.memref_slice %arg3[%dma_wait3A_99, %dma_wait3A_100] : memref<100000x16xf32, #tpu.memory_space<hbm>> -> memref<100000x16xf32, #tpu.memory_space<hbm>>
      tpu.wait_indirect_dma semaphore(%arg8 : memref<!tpu.dma_semaphore, #tpu.memory_space<semaphore_mem>>) src(%dma_wait3A_101 : memref<100000x16xf32, #tpu.memory_space<hbm>>) dst(%arg7 : memref<1000x16xf32, #tpu.memory_space<vmem>>)
      %mul3A_102 = arith.constant 2 : i32
      %mul3A_103 = arith.muli %mul3A_102, %scan3A_54 : i32
      %add3A_104 = arith.constant 1 : i32
      %add3A_105 = arith.addi %mul3A_103, %add3A_104 : i32
      %mul3A_106 = arith.constant 1000 : i32
      %mul3A_107 = arith.muli %add3A_105, %mul3A_106 : i32
      %add3A_108 = arith.addi %mul3A_2, %mul3A_107 : i32
      %dma_start3A_109 = arith.constant 0 : i32
      %dma_start3A_110 = tpu.memref_slice %arg4[%add3A_108, %dma_start3A_109] : memref<1600000x16xf32, #tpu.memory_space<hbm>> -> memref<1000x16xf32, #tpu.memory_space<hbm>>
      %dma_start3A_111 = arith.constant 0 : i32
      %dma_start3A_112 = tpu.memref_slice %arg4[%add3A_108, %dma_start3A_111] : memref<1600000x16xf32, #tpu.memory_space<hbm>> -> memref<1000x16xf32, #tpu.memory_space<hbm>>
      tpu.enqueue_dma source(%arg7 : memref<1000x16xf32, #tpu.memory_space<vmem>>) target(%dma_start3A_112 : memref<1000x16xf32, #tpu.memory_space<hbm>>) target_semaphore(%arg10 : memref<!tpu.dma_semaphore, #tpu.memory_space<semaphore_mem>>)
    }
    %scan3A_45 = arith.constant 24 : i32
    %dma_wait3A_46 = arith.constant 0 : i32
    %dma_wait3A_47 = tpu.memref_slice %arg4[%mul3A_2, %dma_wait3A_46] : memref<1600000x16xf32, #tpu.memory_space<hbm>> -> memref<1000x16xf32, #tpu.memory_space<hbm>>
    %dma_wait3A_48 = arith.constant 0 : i32
    %dma_wait3A_49 = tpu.memref_slice %arg4[%mul3A_2, %dma_wait3A_48] : memref<1600000x16xf32, #tpu.memory_space<hbm>> -> memref<1000x16xf32, #tpu.memory_space<hbm>>
    tpu.wait_dma2 semaphore(%arg9 : memref<!tpu.dma_semaphore, #tpu.memory_space<semaphore_mem>>) src(%arg6 : memref<1000x16xf32, #tpu.memory_space<vmem>>) dst(%dma_wait3A_49 : memref<1000x16xf32, #tpu.memory_space<hbm>>)
    %dma_wait3A_50 = arith.constant 0 : i32
    %dma_wait3A_51 = tpu.memref_slice %arg4[%mul3A_2, %dma_wait3A_50] : memref<1600000x16xf32, #tpu.memory_space<hbm>> -> memref<1000x16xf32, #tpu.memory_space<hbm>>
    %dma_wait3A_52 = arith.constant 0 : i32
    %dma_wait3A_53 = tpu.memref_slice %arg4[%mul3A_2, %dma_wait3A_52] : memref<1600000x16xf32, #tpu.memory_space<hbm>> -> memref<1000x16xf32, #tpu.memory_space<hbm>>
    tpu.wait_dma2 semaphore(%arg10 : memref<!tpu.dma_semaphore, #tpu.memory_space<semaphore_mem>>) src(%arg7 : memref<1000x16xf32, #tpu.memory_space<vmem>>) dst(%dma_wait3A_53 : memref<1000x16xf32, #tpu.memory_space<hbm>>)
    return
  }
}

module attributes {stable_mosaic.version = 14 : i64} {
  func.func @_tc_body(%arg0: i32, %arg1: memref<256x512xf32, #tpu.memory_space<vmem>>, %arg2: memref<256x512xf32, #tpu.memory_space<vmem>>, %arg3: memref<64x256xf32, #tpu.memory_space<vmem>>, %arg4: memref<64x512xf32, #tpu.memory_space<vmem>>, %arg5: memref<64x512xf32, #tpu.memory_space<vmem>>) attributes {dimension_semantics = [#tpu.dimension_semantics<arbitrary>], iteration_bounds = array<i64: 196>, scalar_prefetch = 0 : i64, scratch_operands = 0 : i64, tpu.core_type = #tpu.core_type<tc>, window_params = [{transform_indices = @transform_0, window_bounds = array<i64: 256, 512>}, {transform_indices = @transform_1, window_bounds = array<i64: 256, 512>}, {pipeline_mode = #tpu.pipeline_mode<synchronous>, transform_indices = @transform_2, window_bounds = array<i64: 64, 256>}, {pipeline_mode = #tpu.pipeline_mode<synchronous>, transform_indices = @transform_3, window_bounds = array<i64: 64, 512>}, {transform_indices = @transform_4, window_bounds = array<i64: 64, 512>}]} {
    %broadcast_in_dim3A = arith.constant 0.000000e+00 : f32
    %broadcast_in_dim3A_0 = vector.broadcast %broadcast_in_dim3A : f32 to vector<16x512xf32>
    %broadcast_in_dim3A_1 = arith.constant 0.000000e+00 : f32
    %broadcast_in_dim3A_2 = vector.broadcast %broadcast_in_dim3A_1 : f32 to vector<16x512xf32>
    %broadcast_in_dim3A_3 = arith.constant 0.000000e+00 : f32
    %broadcast_in_dim3A_4 = vector.broadcast %broadcast_in_dim3A_3 : f32 to vector<16x512xf32>
    %broadcast_in_dim3A_5 = arith.constant 0.000000e+00 : f32
    %broadcast_in_dim3A_6 = vector.broadcast %broadcast_in_dim3A_5 : f32 to vector<16x512xf32>
    %get3A = arith.constant 0 : index
    %get3A_7 = arith.constant 0 : index
    %get3A_8 = vector.load %arg2[%get3A, %get3A_7] : memref<256x512xf32, #tpu.memory_space<vmem>>, vector<16x512xf32>
    %get3A_9 = arith.constant 0 : index
    %get3A_10 = arith.constant 0 : index
    %get3A_11 = vector.load %arg1[%get3A_9, %get3A_10] : memref<256x512xf32, #tpu.memory_space<vmem>>, vector<1x512xf32>
    %get3A_12 = vector.shape_cast %get3A_11 : vector<1x512xf32> to vector<512xf32>
    %broadcast_in_dim3A_13 = vector.shape_cast %get3A_12 : vector<512xf32> to vector<1x512xf32>
    %mul3A = vector.broadcast %broadcast_in_dim3A_13 : vector<1x512xf32> to vector<16x512xf32>
    %mul3A_14 = arith.mulf %mul3A, %get3A_8 : vector<16x512xf32>
    %add3A = arith.addf %broadcast_in_dim3A_0, %mul3A_14 : vector<16x512xf32>
    %get3A_15 = arith.constant 1 : index
    %get3A_16 = arith.constant 0 : index
    %get3A_17 = vector.load %arg1[%get3A_15, %get3A_16] : memref<256x512xf32, #tpu.memory_space<vmem>>, vector<1x512xf32>
    %get3A_18 = vector.shape_cast %get3A_17 : vector<1x512xf32> to vector<512xf32>
    %broadcast_in_dim3A_19 = vector.shape_cast %get3A_18 : vector<512xf32> to vector<1x512xf32>
    %mul3A_20 = vector.broadcast %broadcast_in_dim3A_19 : vector<1x512xf32> to vector<16x512xf32>
    %mul3A_21 = arith.mulf %mul3A_20, %get3A_8 : vector<16x512xf32>
    %add3A_22 = arith.addf %broadcast_in_dim3A_2, %mul3A_21 : vector<16x512xf32>
    %get3A_23 = arith.constant 2 : index
    %get3A_24 = arith.constant 0 : index
    %get3A_25 = vector.load %arg1[%get3A_23, %get3A_24] : memref<256x512xf32, #tpu.memory_space<vmem>>, vector<1x512xf32>
    %get3A_26 = vector.shape_cast %get3A_25 : vector<1x512xf32> to vector<512xf32>
    %broadcast_in_dim3A_27 = vector.shape_cast %get3A_26 : vector<512xf32> to vector<1x512xf32>
    %mul3A_28 = vector.broadcast %broadcast_in_dim3A_27 : vector<1x512xf32> to vector<16x512xf32>
    %mul3A_29 = arith.mulf %mul3A_28, %get3A_8 : vector<16x512xf32>
    %add3A_30 = arith.addf %broadcast_in_dim3A_4, %mul3A_29 : vector<16x512xf32>
    %get3A_31 = arith.constant 3 : index
    %get3A_32 = arith.constant 0 : index
    %get3A_33 = vector.load %arg1[%get3A_31, %get3A_32] : memref<256x512xf32, #tpu.memory_space<vmem>>, vector<1x512xf32>
    %get3A_34 = vector.shape_cast %get3A_33 : vector<1x512xf32> to vector<512xf32>
    %broadcast_in_dim3A_35 = vector.shape_cast %get3A_34 : vector<512xf32> to vector<1x512xf32>
    %mul3A_36 = vector.broadcast %broadcast_in_dim3A_35 : vector<1x512xf32> to vector<16x512xf32>
    %mul3A_37 = arith.mulf %mul3A_36, %get3A_8 : vector<16x512xf32>
    %add3A_38 = arith.addf %broadcast_in_dim3A_6, %mul3A_37 : vector<16x512xf32>
    %get3A_39 = arith.constant 16 : index
    %get3A_40 = arith.constant 0 : index
    %get3A_41 = vector.load %arg2[%get3A_39, %get3A_40] : memref<256x512xf32, #tpu.memory_space<vmem>>, vector<16x512xf32>
    %get3A_42 = arith.constant 16 : index
    %get3A_43 = arith.constant 0 : index
    %get3A_44 = vector.load %arg1[%get3A_42, %get3A_43] : memref<256x512xf32, #tpu.memory_space<vmem>>, vector<1x512xf32>
    %get3A_45 = vector.shape_cast %get3A_44 : vector<1x512xf32> to vector<512xf32>
    %broadcast_in_dim3A_46 = vector.shape_cast %get3A_45 : vector<512xf32> to vector<1x512xf32>
    %mul3A_47 = vector.broadcast %broadcast_in_dim3A_46 : vector<1x512xf32> to vector<16x512xf32>
    %mul3A_48 = arith.mulf %mul3A_47, %get3A_41 : vector<16x512xf32>
    %add3A_49 = arith.addf %add3A, %mul3A_48 : vector<16x512xf32>
    %get3A_50 = arith.constant 17 : index
    %get3A_51 = arith.constant 0 : index
    %get3A_52 = vector.load %arg1[%get3A_50, %get3A_51] : memref<256x512xf32, #tpu.memory_space<vmem>>, vector<1x512xf32>
    %get3A_53 = vector.shape_cast %get3A_52 : vector<1x512xf32> to vector<512xf32>
    %broadcast_in_dim3A_54 = vector.shape_cast %get3A_53 : vector<512xf32> to vector<1x512xf32>
    %mul3A_55 = vector.broadcast %broadcast_in_dim3A_54 : vector<1x512xf32> to vector<16x512xf32>
    %mul3A_56 = arith.mulf %mul3A_55, %get3A_41 : vector<16x512xf32>
    %add3A_57 = arith.addf %add3A_22, %mul3A_56 : vector<16x512xf32>
    %get3A_58 = arith.constant 18 : index
    %get3A_59 = arith.constant 0 : index
    %get3A_60 = vector.load %arg1[%get3A_58, %get3A_59] : memref<256x512xf32, #tpu.memory_space<vmem>>, vector<1x512xf32>
    %get3A_61 = vector.shape_cast %get3A_60 : vector<1x512xf32> to vector<512xf32>
    %broadcast_in_dim3A_62 = vector.shape_cast %get3A_61 : vector<512xf32> to vector<1x512xf32>
    %mul3A_63 = vector.broadcast %broadcast_in_dim3A_62 : vector<1x512xf32> to vector<16x512xf32>
    %mul3A_64 = arith.mulf %mul3A_63, %get3A_41 : vector<16x512xf32>
    %add3A_65 = arith.addf %add3A_30, %mul3A_64 : vector<16x512xf32>
    %get3A_66 = arith.constant 19 : index
    %get3A_67 = arith.constant 0 : index
    %get3A_68 = vector.load %arg1[%get3A_66, %get3A_67] : memref<256x512xf32, #tpu.memory_space<vmem>>, vector<1x512xf32>
    %get3A_69 = vector.shape_cast %get3A_68 : vector<1x512xf32> to vector<512xf32>
    %broadcast_in_dim3A_70 = vector.shape_cast %get3A_69 : vector<512xf32> to vector<1x512xf32>
    %mul3A_71 = vector.broadcast %broadcast_in_dim3A_70 : vector<1x512xf32> to vector<16x512xf32>
    %mul3A_72 = arith.mulf %mul3A_71, %get3A_41 : vector<16x512xf32>
    %add3A_73 = arith.addf %add3A_38, %mul3A_72 : vector<16x512xf32>
    %get3A_74 = arith.constant 32 : index
    %get3A_75 = arith.constant 0 : index
    %get3A_76 = vector.load %arg2[%get3A_74, %get3A_75] : memref<256x512xf32, #tpu.memory_space<vmem>>, vector<16x512xf32>
    %get3A_77 = arith.constant 32 : index
    %get3A_78 = arith.constant 0 : index
    %get3A_79 = vector.load %arg1[%get3A_77, %get3A_78] : memref<256x512xf32, #tpu.memory_space<vmem>>, vector<1x512xf32>
    %get3A_80 = vector.shape_cast %get3A_79 : vector<1x512xf32> to vector<512xf32>
    %broadcast_in_dim3A_81 = vector.shape_cast %get3A_80 : vector<512xf32> to vector<1x512xf32>
    %mul3A_82 = vector.broadcast %broadcast_in_dim3A_81 : vector<1x512xf32> to vector<16x512xf32>
    %mul3A_83 = arith.mulf %mul3A_82, %get3A_76 : vector<16x512xf32>
    %add3A_84 = arith.addf %add3A_49, %mul3A_83 : vector<16x512xf32>
    %get3A_85 = arith.constant 33 : index
    %get3A_86 = arith.constant 0 : index
    %get3A_87 = vector.load %arg1[%get3A_85, %get3A_86] : memref<256x512xf32, #tpu.memory_space<vmem>>, vector<1x512xf32>
    %get3A_88 = vector.shape_cast %get3A_87 : vector<1x512xf32> to vector<512xf32>
    %broadcast_in_dim3A_89 = vector.shape_cast %get3A_88 : vector<512xf32> to vector<1x512xf32>
    %mul3A_90 = vector.broadcast %broadcast_in_dim3A_89 : vector<1x512xf32> to vector<16x512xf32>
    %mul3A_91 = arith.mulf %mul3A_90, %get3A_76 : vector<16x512xf32>
    %add3A_92 = arith.addf %add3A_57, %mul3A_91 : vector<16x512xf32>
    %get3A_93 = arith.constant 34 : index
    %get3A_94 = arith.constant 0 : index
    %get3A_95 = vector.load %arg1[%get3A_93, %get3A_94] : memref<256x512xf32, #tpu.memory_space<vmem>>, vector<1x512xf32>
    %get3A_96 = vector.shape_cast %get3A_95 : vector<1x512xf32> to vector<512xf32>
    %broadcast_in_dim3A_97 = vector.shape_cast %get3A_96 : vector<512xf32> to vector<1x512xf32>
    %mul3A_98 = vector.broadcast %broadcast_in_dim3A_97 : vector<1x512xf32> to vector<16x512xf32>
    %mul3A_99 = arith.mulf %mul3A_98, %get3A_76 : vector<16x512xf32>
    %add3A_100 = arith.addf %add3A_65, %mul3A_99 : vector<16x512xf32>
    %get3A_101 = arith.constant 35 : index
    %get3A_102 = arith.constant 0 : index
    %get3A_103 = vector.load %arg1[%get3A_101, %get3A_102] : memref<256x512xf32, #tpu.memory_space<vmem>>, vector<1x512xf32>
    %get3A_104 = vector.shape_cast %get3A_103 : vector<1x512xf32> to vector<512xf32>
    %broadcast_in_dim3A_105 = vector.shape_cast %get3A_104 : vector<512xf32> to vector<1x512xf32>
    %mul3A_106 = vector.broadcast %broadcast_in_dim3A_105 : vector<1x512xf32> to vector<16x512xf32>
    %mul3A_107 = arith.mulf %mul3A_106, %get3A_76 : vector<16x512xf32>
    %add3A_108 = arith.addf %add3A_73, %mul3A_107 : vector<16x512xf32>
    %get3A_109 = arith.constant 48 : index
    %get3A_110 = arith.constant 0 : index
    %get3A_111 = vector.load %arg2[%get3A_109, %get3A_110] : memref<256x512xf32, #tpu.memory_space<vmem>>, vector<16x512xf32>
    %get3A_112 = arith.constant 48 : index
    %get3A_113 = arith.constant 0 : index
    %get3A_114 = vector.load %arg1[%get3A_112, %get3A_113] : memref<256x512xf32, #tpu.memory_space<vmem>>, vector<1x512xf32>
    %get3A_115 = vector.shape_cast %get3A_114 : vector<1x512xf32> to vector<512xf32>
    %broadcast_in_dim3A_116 = vector.shape_cast %get3A_115 : vector<512xf32> to vector<1x512xf32>
    %mul3A_117 = vector.broadcast %broadcast_in_dim3A_116 : vector<1x512xf32> to vector<16x512xf32>
    %mul3A_118 = arith.mulf %mul3A_117, %get3A_111 : vector<16x512xf32>
    %add3A_119 = arith.addf %add3A_84, %mul3A_118 : vector<16x512xf32>
    %get3A_120 = arith.constant 49 : index
    %get3A_121 = arith.constant 0 : index
    %get3A_122 = vector.load %arg1[%get3A_120, %get3A_121] : memref<256x512xf32, #tpu.memory_space<vmem>>, vector<1x512xf32>
    %get3A_123 = vector.shape_cast %get3A_122 : vector<1x512xf32> to vector<512xf32>
    %broadcast_in_dim3A_124 = vector.shape_cast %get3A_123 : vector<512xf32> to vector<1x512xf32>
    %mul3A_125 = vector.broadcast %broadcast_in_dim3A_124 : vector<1x512xf32> to vector<16x512xf32>
    %mul3A_126 = arith.mulf %mul3A_125, %get3A_111 : vector<16x512xf32>
    %add3A_127 = arith.addf %add3A_92, %mul3A_126 : vector<16x512xf32>
    %get3A_128 = arith.constant 50 : index
    %get3A_129 = arith.constant 0 : index
    %get3A_130 = vector.load %arg1[%get3A_128, %get3A_129] : memref<256x512xf32, #tpu.memory_space<vmem>>, vector<1x512xf32>
    %get3A_131 = vector.shape_cast %get3A_130 : vector<1x512xf32> to vector<512xf32>
    %broadcast_in_dim3A_132 = vector.shape_cast %get3A_131 : vector<512xf32> to vector<1x512xf32>
    %mul3A_133 = vector.broadcast %broadcast_in_dim3A_132 : vector<1x512xf32> to vector<16x512xf32>
    %mul3A_134 = arith.mulf %mul3A_133, %get3A_111 : vector<16x512xf32>
    %add3A_135 = arith.addf %add3A_100, %mul3A_134 : vector<16x512xf32>
    %get3A_136 = arith.constant 51 : index
    %get3A_137 = arith.constant 0 : index
    %get3A_138 = vector.load %arg1[%get3A_136, %get3A_137] : memref<256x512xf32, #tpu.memory_space<vmem>>, vector<1x512xf32>
    %get3A_139 = vector.shape_cast %get3A_138 : vector<1x512xf32> to vector<512xf32>
    %broadcast_in_dim3A_140 = vector.shape_cast %get3A_139 : vector<512xf32> to vector<1x512xf32>
    %mul3A_141 = vector.broadcast %broadcast_in_dim3A_140 : vector<1x512xf32> to vector<16x512xf32>
    %mul3A_142 = arith.mulf %mul3A_141, %get3A_111 : vector<16x512xf32>
    %add3A_143 = arith.addf %add3A_108, %mul3A_142 : vector<16x512xf32>
    %get3A_144 = arith.constant 64 : index
    %get3A_145 = arith.constant 0 : index
    %get3A_146 = vector.load %arg2[%get3A_144, %get3A_145] : memref<256x512xf32, #tpu.memory_space<vmem>>, vector<16x512xf32>
    %get3A_147 = arith.constant 64 : index
    %get3A_148 = arith.constant 0 : index
    %get3A_149 = vector.load %arg1[%get3A_147, %get3A_148] : memref<256x512xf32, #tpu.memory_space<vmem>>, vector<1x512xf32>
    %get3A_150 = vector.shape_cast %get3A_149 : vector<1x512xf32> to vector<512xf32>
    %broadcast_in_dim3A_151 = vector.shape_cast %get3A_150 : vector<512xf32> to vector<1x512xf32>
    %mul3A_152 = vector.broadcast %broadcast_in_dim3A_151 : vector<1x512xf32> to vector<16x512xf32>
    %mul3A_153 = arith.mulf %mul3A_152, %get3A_146 : vector<16x512xf32>
    %add3A_154 = arith.addf %add3A_119, %mul3A_153 : vector<16x512xf32>
    %get3A_155 = arith.constant 65 : index
    %get3A_156 = arith.constant 0 : index
    %get3A_157 = vector.load %arg1[%get3A_155, %get3A_156] : memref<256x512xf32, #tpu.memory_space<vmem>>, vector<1x512xf32>
    %get3A_158 = vector.shape_cast %get3A_157 : vector<1x512xf32> to vector<512xf32>
    %broadcast_in_dim3A_159 = vector.shape_cast %get3A_158 : vector<512xf32> to vector<1x512xf32>
    %mul3A_160 = vector.broadcast %broadcast_in_dim3A_159 : vector<1x512xf32> to vector<16x512xf32>
    %mul3A_161 = arith.mulf %mul3A_160, %get3A_146 : vector<16x512xf32>
    %add3A_162 = arith.addf %add3A_127, %mul3A_161 : vector<16x512xf32>
    %get3A_163 = arith.constant 66 : index
    %get3A_164 = arith.constant 0 : index
    %get3A_165 = vector.load %arg1[%get3A_163, %get3A_164] : memref<256x512xf32, #tpu.memory_space<vmem>>, vector<1x512xf32>
    %get3A_166 = vector.shape_cast %get3A_165 : vector<1x512xf32> to vector<512xf32>
    %broadcast_in_dim3A_167 = vector.shape_cast %get3A_166 : vector<512xf32> to vector<1x512xf32>
    %mul3A_168 = vector.broadcast %broadcast_in_dim3A_167 : vector<1x512xf32> to vector<16x512xf32>
    %mul3A_169 = arith.mulf %mul3A_168, %get3A_146 : vector<16x512xf32>
    %add3A_170 = arith.addf %add3A_135, %mul3A_169 : vector<16x512xf32>
    %get3A_171 = arith.constant 67 : index
    %get3A_172 = arith.constant 0 : index
    %get3A_173 = vector.load %arg1[%get3A_171, %get3A_172] : memref<256x512xf32, #tpu.memory_space<vmem>>, vector<1x512xf32>
    %get3A_174 = vector.shape_cast %get3A_173 : vector<1x512xf32> to vector<512xf32>
    %broadcast_in_dim3A_175 = vector.shape_cast %get3A_174 : vector<512xf32> to vector<1x512xf32>
    %mul3A_176 = vector.broadcast %broadcast_in_dim3A_175 : vector<1x512xf32> to vector<16x512xf32>
    %mul3A_177 = arith.mulf %mul3A_176, %get3A_146 : vector<16x512xf32>
    %add3A_178 = arith.addf %add3A_143, %mul3A_177 : vector<16x512xf32>
    %get3A_179 = arith.constant 80 : index
    %get3A_180 = arith.constant 0 : index
    %get3A_181 = vector.load %arg2[%get3A_179, %get3A_180] : memref<256x512xf32, #tpu.memory_space<vmem>>, vector<16x512xf32>
    %get3A_182 = arith.constant 80 : index
    %get3A_183 = arith.constant 0 : index
    %get3A_184 = vector.load %arg1[%get3A_182, %get3A_183] : memref<256x512xf32, #tpu.memory_space<vmem>>, vector<1x512xf32>
    %get3A_185 = vector.shape_cast %get3A_184 : vector<1x512xf32> to vector<512xf32>
    %broadcast_in_dim3A_186 = vector.shape_cast %get3A_185 : vector<512xf32> to vector<1x512xf32>
    %mul3A_187 = vector.broadcast %broadcast_in_dim3A_186 : vector<1x512xf32> to vector<16x512xf32>
    %mul3A_188 = arith.mulf %mul3A_187, %get3A_181 : vector<16x512xf32>
    %add3A_189 = arith.addf %add3A_154, %mul3A_188 : vector<16x512xf32>
    %get3A_190 = arith.constant 81 : index
    %get3A_191 = arith.constant 0 : index
    %get3A_192 = vector.load %arg1[%get3A_190, %get3A_191] : memref<256x512xf32, #tpu.memory_space<vmem>>, vector<1x512xf32>
    %get3A_193 = vector.shape_cast %get3A_192 : vector<1x512xf32> to vector<512xf32>
    %broadcast_in_dim3A_194 = vector.shape_cast %get3A_193 : vector<512xf32> to vector<1x512xf32>
    %mul3A_195 = vector.broadcast %broadcast_in_dim3A_194 : vector<1x512xf32> to vector<16x512xf32>
    %mul3A_196 = arith.mulf %mul3A_195, %get3A_181 : vector<16x512xf32>
    %add3A_197 = arith.addf %add3A_162, %mul3A_196 : vector<16x512xf32>
    %get3A_198 = arith.constant 82 : index
    %get3A_199 = arith.constant 0 : index
    %get3A_200 = vector.load %arg1[%get3A_198, %get3A_199] : memref<256x512xf32, #tpu.memory_space<vmem>>, vector<1x512xf32>
    %get3A_201 = vector.shape_cast %get3A_200 : vector<1x512xf32> to vector<512xf32>
    %broadcast_in_dim3A_202 = vector.shape_cast %get3A_201 : vector<512xf32> to vector<1x512xf32>
    %mul3A_203 = vector.broadcast %broadcast_in_dim3A_202 : vector<1x512xf32> to vector<16x512xf32>
    %mul3A_204 = arith.mulf %mul3A_203, %get3A_181 : vector<16x512xf32>
    %add3A_205 = arith.addf %add3A_170, %mul3A_204 : vector<16x512xf32>
    %get3A_206 = arith.constant 83 : index
    %get3A_207 = arith.constant 0 : index
    %get3A_208 = vector.load %arg1[%get3A_206, %get3A_207] : memref<256x512xf32, #tpu.memory_space<vmem>>, vector<1x512xf32>
    %get3A_209 = vector.shape_cast %get3A_208 : vector<1x512xf32> to vector<512xf32>
    %broadcast_in_dim3A_210 = vector.shape_cast %get3A_209 : vector<512xf32> to vector<1x512xf32>
    %mul3A_211 = vector.broadcast %broadcast_in_dim3A_210 : vector<1x512xf32> to vector<16x512xf32>
    %mul3A_212 = arith.mulf %mul3A_211, %get3A_181 : vector<16x512xf32>
    %add3A_213 = arith.addf %add3A_178, %mul3A_212 : vector<16x512xf32>
    %get3A_214 = arith.constant 96 : index
    %get3A_215 = arith.constant 0 : index
    %get3A_216 = vector.load %arg2[%get3A_214, %get3A_215] : memref<256x512xf32, #tpu.memory_space<vmem>>, vector<16x512xf32>
    %get3A_217 = arith.constant 96 : index
    %get3A_218 = arith.constant 0 : index
    %get3A_219 = vector.load %arg1[%get3A_217, %get3A_218] : memref<256x512xf32, #tpu.memory_space<vmem>>, vector<1x512xf32>
    %get3A_220 = vector.shape_cast %get3A_219 : vector<1x512xf32> to vector<512xf32>
    %broadcast_in_dim3A_221 = vector.shape_cast %get3A_220 : vector<512xf32> to vector<1x512xf32>
    %mul3A_222 = vector.broadcast %broadcast_in_dim3A_221 : vector<1x512xf32> to vector<16x512xf32>
    %mul3A_223 = arith.mulf %mul3A_222, %get3A_216 : vector<16x512xf32>
    %add3A_224 = arith.addf %add3A_189, %mul3A_223 : vector<16x512xf32>
    %get3A_225 = arith.constant 97 : index
    %get3A_226 = arith.constant 0 : index
    %get3A_227 = vector.load %arg1[%get3A_225, %get3A_226] : memref<256x512xf32, #tpu.memory_space<vmem>>, vector<1x512xf32>
    %get3A_228 = vector.shape_cast %get3A_227 : vector<1x512xf32> to vector<512xf32>
    %broadcast_in_dim3A_229 = vector.shape_cast %get3A_228 : vector<512xf32> to vector<1x512xf32>
    %mul3A_230 = vector.broadcast %broadcast_in_dim3A_229 : vector<1x512xf32> to vector<16x512xf32>
    %mul3A_231 = arith.mulf %mul3A_230, %get3A_216 : vector<16x512xf32>
    %add3A_232 = arith.addf %add3A_197, %mul3A_231 : vector<16x512xf32>
    %get3A_233 = arith.constant 98 : index
    %get3A_234 = arith.constant 0 : index
    %get3A_235 = vector.load %arg1[%get3A_233, %get3A_234] : memref<256x512xf32, #tpu.memory_space<vmem>>, vector<1x512xf32>
    %get3A_236 = vector.shape_cast %get3A_235 : vector<1x512xf32> to vector<512xf32>
    %broadcast_in_dim3A_237 = vector.shape_cast %get3A_236 : vector<512xf32> to vector<1x512xf32>
    %mul3A_238 = vector.broadcast %broadcast_in_dim3A_237 : vector<1x512xf32> to vector<16x512xf32>
    %mul3A_239 = arith.mulf %mul3A_238, %get3A_216 : vector<16x512xf32>
    %add3A_240 = arith.addf %add3A_205, %mul3A_239 : vector<16x512xf32>
    %get3A_241 = arith.constant 99 : index
    %get3A_242 = arith.constant 0 : index
    %get3A_243 = vector.load %arg1[%get3A_241, %get3A_242] : memref<256x512xf32, #tpu.memory_space<vmem>>, vector<1x512xf32>
    %get3A_244 = vector.shape_cast %get3A_243 : vector<1x512xf32> to vector<512xf32>
    %broadcast_in_dim3A_245 = vector.shape_cast %get3A_244 : vector<512xf32> to vector<1x512xf32>
    %mul3A_246 = vector.broadcast %broadcast_in_dim3A_245 : vector<1x512xf32> to vector<16x512xf32>
    %mul3A_247 = arith.mulf %mul3A_246, %get3A_216 : vector<16x512xf32>
    %add3A_248 = arith.addf %add3A_213, %mul3A_247 : vector<16x512xf32>
    %get3A_249 = arith.constant 112 : index
    %get3A_250 = arith.constant 0 : index
    %get3A_251 = vector.load %arg2[%get3A_249, %get3A_250] : memref<256x512xf32, #tpu.memory_space<vmem>>, vector<16x512xf32>
    %get3A_252 = arith.constant 112 : index
    %get3A_253 = arith.constant 0 : index
    %get3A_254 = vector.load %arg1[%get3A_252, %get3A_253] : memref<256x512xf32, #tpu.memory_space<vmem>>, vector<1x512xf32>
    %get3A_255 = vector.shape_cast %get3A_254 : vector<1x512xf32> to vector<512xf32>
    %broadcast_in_dim3A_256 = vector.shape_cast %get3A_255 : vector<512xf32> to vector<1x512xf32>
    %mul3A_257 = vector.broadcast %broadcast_in_dim3A_256 : vector<1x512xf32> to vector<16x512xf32>
    %mul3A_258 = arith.mulf %mul3A_257, %get3A_251 : vector<16x512xf32>
    %add3A_259 = arith.addf %add3A_224, %mul3A_258 : vector<16x512xf32>
    %get3A_260 = arith.constant 113 : index
    %get3A_261 = arith.constant 0 : index
    %get3A_262 = vector.load %arg1[%get3A_260, %get3A_261] : memref<256x512xf32, #tpu.memory_space<vmem>>, vector<1x512xf32>
    %get3A_263 = vector.shape_cast %get3A_262 : vector<1x512xf32> to vector<512xf32>
    %broadcast_in_dim3A_264 = vector.shape_cast %get3A_263 : vector<512xf32> to vector<1x512xf32>
    %mul3A_265 = vector.broadcast %broadcast_in_dim3A_264 : vector<1x512xf32> to vector<16x512xf32>
    %mul3A_266 = arith.mulf %mul3A_265, %get3A_251 : vector<16x512xf32>
    %add3A_267 = arith.addf %add3A_232, %mul3A_266 : vector<16x512xf32>
    %get3A_268 = arith.constant 114 : index
    %get3A_269 = arith.constant 0 : index
    %get3A_270 = vector.load %arg1[%get3A_268, %get3A_269] : memref<256x512xf32, #tpu.memory_space<vmem>>, vector<1x512xf32>
    %get3A_271 = vector.shape_cast %get3A_270 : vector<1x512xf32> to vector<512xf32>
    %broadcast_in_dim3A_272 = vector.shape_cast %get3A_271 : vector<512xf32> to vector<1x512xf32>
    %mul3A_273 = vector.broadcast %broadcast_in_dim3A_272 : vector<1x512xf32> to vector<16x512xf32>
    %mul3A_274 = arith.mulf %mul3A_273, %get3A_251 : vector<16x512xf32>
    %add3A_275 = arith.addf %add3A_240, %mul3A_274 : vector<16x512xf32>
    %get3A_276 = arith.constant 115 : index
    %get3A_277 = arith.constant 0 : index
    %get3A_278 = vector.load %arg1[%get3A_276, %get3A_277] : memref<256x512xf32, #tpu.memory_space<vmem>>, vector<1x512xf32>
    %get3A_279 = vector.shape_cast %get3A_278 : vector<1x512xf32> to vector<512xf32>
    %broadcast_in_dim3A_280 = vector.shape_cast %get3A_279 : vector<512xf32> to vector<1x512xf32>
    %mul3A_281 = vector.broadcast %broadcast_in_dim3A_280 : vector<1x512xf32> to vector<16x512xf32>
    %mul3A_282 = arith.mulf %mul3A_281, %get3A_251 : vector<16x512xf32>
    %add3A_283 = arith.addf %add3A_248, %mul3A_282 : vector<16x512xf32>
    %get3A_284 = arith.constant 128 : index
    %get3A_285 = arith.constant 0 : index
    %get3A_286 = vector.load %arg2[%get3A_284, %get3A_285] : memref<256x512xf32, #tpu.memory_space<vmem>>, vector<16x512xf32>
    %get3A_287 = arith.constant 128 : index
    %get3A_288 = arith.constant 0 : index
    %get3A_289 = vector.load %arg1[%get3A_287, %get3A_288] : memref<256x512xf32, #tpu.memory_space<vmem>>, vector<1x512xf32>
    %get3A_290 = vector.shape_cast %get3A_289 : vector<1x512xf32> to vector<512xf32>
    %broadcast_in_dim3A_291 = vector.shape_cast %get3A_290 : vector<512xf32> to vector<1x512xf32>
    %mul3A_292 = vector.broadcast %broadcast_in_dim3A_291 : vector<1x512xf32> to vector<16x512xf32>
    %mul3A_293 = arith.mulf %mul3A_292, %get3A_286 : vector<16x512xf32>
    %add3A_294 = arith.addf %add3A_259, %mul3A_293 : vector<16x512xf32>
    %get3A_295 = arith.constant 129 : index
    %get3A_296 = arith.constant 0 : index
    %get3A_297 = vector.load %arg1[%get3A_295, %get3A_296] : memref<256x512xf32, #tpu.memory_space<vmem>>, vector<1x512xf32>
    %get3A_298 = vector.shape_cast %get3A_297 : vector<1x512xf32> to vector<512xf32>
    %broadcast_in_dim3A_299 = vector.shape_cast %get3A_298 : vector<512xf32> to vector<1x512xf32>
    %mul3A_300 = vector.broadcast %broadcast_in_dim3A_299 : vector<1x512xf32> to vector<16x512xf32>
    %mul3A_301 = arith.mulf %mul3A_300, %get3A_286 : vector<16x512xf32>
    %add3A_302 = arith.addf %add3A_267, %mul3A_301 : vector<16x512xf32>
    %get3A_303 = arith.constant 130 : index
    %get3A_304 = arith.constant 0 : index
    %get3A_305 = vector.load %arg1[%get3A_303, %get3A_304] : memref<256x512xf32, #tpu.memory_space<vmem>>, vector<1x512xf32>
    %get3A_306 = vector.shape_cast %get3A_305 : vector<1x512xf32> to vector<512xf32>
    %broadcast_in_dim3A_307 = vector.shape_cast %get3A_306 : vector<512xf32> to vector<1x512xf32>
    %mul3A_308 = vector.broadcast %broadcast_in_dim3A_307 : vector<1x512xf32> to vector<16x512xf32>
    %mul3A_309 = arith.mulf %mul3A_308, %get3A_286 : vector<16x512xf32>
    %add3A_310 = arith.addf %add3A_275, %mul3A_309 : vector<16x512xf32>
    %get3A_311 = arith.constant 131 : index
    %get3A_312 = arith.constant 0 : index
    %get3A_313 = vector.load %arg1[%get3A_311, %get3A_312] : memref<256x512xf32, #tpu.memory_space<vmem>>, vector<1x512xf32>
    %get3A_314 = vector.shape_cast %get3A_313 : vector<1x512xf32> to vector<512xf32>
    %broadcast_in_dim3A_315 = vector.shape_cast %get3A_314 : vector<512xf32> to vector<1x512xf32>
    %mul3A_316 = vector.broadcast %broadcast_in_dim3A_315 : vector<1x512xf32> to vector<16x512xf32>
    %mul3A_317 = arith.mulf %mul3A_316, %get3A_286 : vector<16x512xf32>
    %add3A_318 = arith.addf %add3A_283, %mul3A_317 : vector<16x512xf32>
    %get3A_319 = arith.constant 144 : index
    %get3A_320 = arith.constant 0 : index
    %get3A_321 = vector.load %arg2[%get3A_319, %get3A_320] : memref<256x512xf32, #tpu.memory_space<vmem>>, vector<16x512xf32>
    %get3A_322 = arith.constant 144 : index
    %get3A_323 = arith.constant 0 : index
    %get3A_324 = vector.load %arg1[%get3A_322, %get3A_323] : memref<256x512xf32, #tpu.memory_space<vmem>>, vector<1x512xf32>
    %get3A_325 = vector.shape_cast %get3A_324 : vector<1x512xf32> to vector<512xf32>
    %broadcast_in_dim3A_326 = vector.shape_cast %get3A_325 : vector<512xf32> to vector<1x512xf32>
    %mul3A_327 = vector.broadcast %broadcast_in_dim3A_326 : vector<1x512xf32> to vector<16x512xf32>
    %mul3A_328 = arith.mulf %mul3A_327, %get3A_321 : vector<16x512xf32>
    %add3A_329 = arith.addf %add3A_294, %mul3A_328 : vector<16x512xf32>
    %get3A_330 = arith.constant 145 : index
    %get3A_331 = arith.constant 0 : index
    %get3A_332 = vector.load %arg1[%get3A_330, %get3A_331] : memref<256x512xf32, #tpu.memory_space<vmem>>, vector<1x512xf32>
    %get3A_333 = vector.shape_cast %get3A_332 : vector<1x512xf32> to vector<512xf32>
    %broadcast_in_dim3A_334 = vector.shape_cast %get3A_333 : vector<512xf32> to vector<1x512xf32>
    %mul3A_335 = vector.broadcast %broadcast_in_dim3A_334 : vector<1x512xf32> to vector<16x512xf32>
    %mul3A_336 = arith.mulf %mul3A_335, %get3A_321 : vector<16x512xf32>
    %add3A_337 = arith.addf %add3A_302, %mul3A_336 : vector<16x512xf32>
    %get3A_338 = arith.constant 146 : index
    %get3A_339 = arith.constant 0 : index
    %get3A_340 = vector.load %arg1[%get3A_338, %get3A_339] : memref<256x512xf32, #tpu.memory_space<vmem>>, vector<1x512xf32>
    %get3A_341 = vector.shape_cast %get3A_340 : vector<1x512xf32> to vector<512xf32>
    %broadcast_in_dim3A_342 = vector.shape_cast %get3A_341 : vector<512xf32> to vector<1x512xf32>
    %mul3A_343 = vector.broadcast %broadcast_in_dim3A_342 : vector<1x512xf32> to vector<16x512xf32>
    %mul3A_344 = arith.mulf %mul3A_343, %get3A_321 : vector<16x512xf32>
    %add3A_345 = arith.addf %add3A_310, %mul3A_344 : vector<16x512xf32>
    %get3A_346 = arith.constant 147 : index
    %get3A_347 = arith.constant 0 : index
    %get3A_348 = vector.load %arg1[%get3A_346, %get3A_347] : memref<256x512xf32, #tpu.memory_space<vmem>>, vector<1x512xf32>
    %get3A_349 = vector.shape_cast %get3A_348 : vector<1x512xf32> to vector<512xf32>
    %broadcast_in_dim3A_350 = vector.shape_cast %get3A_349 : vector<512xf32> to vector<1x512xf32>
    %mul3A_351 = vector.broadcast %broadcast_in_dim3A_350 : vector<1x512xf32> to vector<16x512xf32>
    %mul3A_352 = arith.mulf %mul3A_351, %get3A_321 : vector<16x512xf32>
    %add3A_353 = arith.addf %add3A_318, %mul3A_352 : vector<16x512xf32>
    %get3A_354 = arith.constant 160 : index
    %get3A_355 = arith.constant 0 : index
    %get3A_356 = vector.load %arg2[%get3A_354, %get3A_355] : memref<256x512xf32, #tpu.memory_space<vmem>>, vector<16x512xf32>
    %get3A_357 = arith.constant 160 : index
    %get3A_358 = arith.constant 0 : index
    %get3A_359 = vector.load %arg1[%get3A_357, %get3A_358] : memref<256x512xf32, #tpu.memory_space<vmem>>, vector<1x512xf32>
    %get3A_360 = vector.shape_cast %get3A_359 : vector<1x512xf32> to vector<512xf32>
    %broadcast_in_dim3A_361 = vector.shape_cast %get3A_360 : vector<512xf32> to vector<1x512xf32>
    %mul3A_362 = vector.broadcast %broadcast_in_dim3A_361 : vector<1x512xf32> to vector<16x512xf32>
    %mul3A_363 = arith.mulf %mul3A_362, %get3A_356 : vector<16x512xf32>
    %add3A_364 = arith.addf %add3A_329, %mul3A_363 : vector<16x512xf32>
    %get3A_365 = arith.constant 161 : index
    %get3A_366 = arith.constant 0 : index
    %get3A_367 = vector.load %arg1[%get3A_365, %get3A_366] : memref<256x512xf32, #tpu.memory_space<vmem>>, vector<1x512xf32>
    %get3A_368 = vector.shape_cast %get3A_367 : vector<1x512xf32> to vector<512xf32>
    %broadcast_in_dim3A_369 = vector.shape_cast %get3A_368 : vector<512xf32> to vector<1x512xf32>
    %mul3A_370 = vector.broadcast %broadcast_in_dim3A_369 : vector<1x512xf32> to vector<16x512xf32>
    %mul3A_371 = arith.mulf %mul3A_370, %get3A_356 : vector<16x512xf32>
    %add3A_372 = arith.addf %add3A_337, %mul3A_371 : vector<16x512xf32>
    %get3A_373 = arith.constant 162 : index
    %get3A_374 = arith.constant 0 : index
    %get3A_375 = vector.load %arg1[%get3A_373, %get3A_374] : memref<256x512xf32, #tpu.memory_space<vmem>>, vector<1x512xf32>
    %get3A_376 = vector.shape_cast %get3A_375 : vector<1x512xf32> to vector<512xf32>
    %broadcast_in_dim3A_377 = vector.shape_cast %get3A_376 : vector<512xf32> to vector<1x512xf32>
    %mul3A_378 = vector.broadcast %broadcast_in_dim3A_377 : vector<1x512xf32> to vector<16x512xf32>
    %mul3A_379 = arith.mulf %mul3A_378, %get3A_356 : vector<16x512xf32>
    %add3A_380 = arith.addf %add3A_345, %mul3A_379 : vector<16x512xf32>
    %get3A_381 = arith.constant 163 : index
    %get3A_382 = arith.constant 0 : index
    %get3A_383 = vector.load %arg1[%get3A_381, %get3A_382] : memref<256x512xf32, #tpu.memory_space<vmem>>, vector<1x512xf32>
    %get3A_384 = vector.shape_cast %get3A_383 : vector<1x512xf32> to vector<512xf32>
    %broadcast_in_dim3A_385 = vector.shape_cast %get3A_384 : vector<512xf32> to vector<1x512xf32>
    %mul3A_386 = vector.broadcast %broadcast_in_dim3A_385 : vector<1x512xf32> to vector<16x512xf32>
    %mul3A_387 = arith.mulf %mul3A_386, %get3A_356 : vector<16x512xf32>
    %add3A_388 = arith.addf %add3A_353, %mul3A_387 : vector<16x512xf32>
    %get3A_389 = arith.constant 176 : index
    %get3A_390 = arith.constant 0 : index
    %get3A_391 = vector.load %arg2[%get3A_389, %get3A_390] : memref<256x512xf32, #tpu.memory_space<vmem>>, vector<16x512xf32>
    %get3A_392 = arith.constant 176 : index
    %get3A_393 = arith.constant 0 : index
    %get3A_394 = vector.load %arg1[%get3A_392, %get3A_393] : memref<256x512xf32, #tpu.memory_space<vmem>>, vector<1x512xf32>
    %get3A_395 = vector.shape_cast %get3A_394 : vector<1x512xf32> to vector<512xf32>
    %broadcast_in_dim3A_396 = vector.shape_cast %get3A_395 : vector<512xf32> to vector<1x512xf32>
    %mul3A_397 = vector.broadcast %broadcast_in_dim3A_396 : vector<1x512xf32> to vector<16x512xf32>
    %mul3A_398 = arith.mulf %mul3A_397, %get3A_391 : vector<16x512xf32>
    %add3A_399 = arith.addf %add3A_364, %mul3A_398 : vector<16x512xf32>
    %get3A_400 = arith.constant 177 : index
    %get3A_401 = arith.constant 0 : index
    %get3A_402 = vector.load %arg1[%get3A_400, %get3A_401] : memref<256x512xf32, #tpu.memory_space<vmem>>, vector<1x512xf32>
    %get3A_403 = vector.shape_cast %get3A_402 : vector<1x512xf32> to vector<512xf32>
    %broadcast_in_dim3A_404 = vector.shape_cast %get3A_403 : vector<512xf32> to vector<1x512xf32>
    %mul3A_405 = vector.broadcast %broadcast_in_dim3A_404 : vector<1x512xf32> to vector<16x512xf32>
    %mul3A_406 = arith.mulf %mul3A_405, %get3A_391 : vector<16x512xf32>
    %add3A_407 = arith.addf %add3A_372, %mul3A_406 : vector<16x512xf32>
    %get3A_408 = arith.constant 178 : index
    %get3A_409 = arith.constant 0 : index
    %get3A_410 = vector.load %arg1[%get3A_408, %get3A_409] : memref<256x512xf32, #tpu.memory_space<vmem>>, vector<1x512xf32>
    %get3A_411 = vector.shape_cast %get3A_410 : vector<1x512xf32> to vector<512xf32>
    %broadcast_in_dim3A_412 = vector.shape_cast %get3A_411 : vector<512xf32> to vector<1x512xf32>
    %mul3A_413 = vector.broadcast %broadcast_in_dim3A_412 : vector<1x512xf32> to vector<16x512xf32>
    %mul3A_414 = arith.mulf %mul3A_413, %get3A_391 : vector<16x512xf32>
    %add3A_415 = arith.addf %add3A_380, %mul3A_414 : vector<16x512xf32>
    %get3A_416 = arith.constant 179 : index
    %get3A_417 = arith.constant 0 : index
    %get3A_418 = vector.load %arg1[%get3A_416, %get3A_417] : memref<256x512xf32, #tpu.memory_space<vmem>>, vector<1x512xf32>
    %get3A_419 = vector.shape_cast %get3A_418 : vector<1x512xf32> to vector<512xf32>
    %broadcast_in_dim3A_420 = vector.shape_cast %get3A_419 : vector<512xf32> to vector<1x512xf32>
    %mul3A_421 = vector.broadcast %broadcast_in_dim3A_420 : vector<1x512xf32> to vector<16x512xf32>
    %mul3A_422 = arith.mulf %mul3A_421, %get3A_391 : vector<16x512xf32>
    %add3A_423 = arith.addf %add3A_388, %mul3A_422 : vector<16x512xf32>
    %get3A_424 = arith.constant 192 : index
    %get3A_425 = arith.constant 0 : index
    %get3A_426 = vector.load %arg2[%get3A_424, %get3A_425] : memref<256x512xf32, #tpu.memory_space<vmem>>, vector<16x512xf32>
    %get3A_427 = arith.constant 192 : index
    %get3A_428 = arith.constant 0 : index
    %get3A_429 = vector.load %arg1[%get3A_427, %get3A_428] : memref<256x512xf32, #tpu.memory_space<vmem>>, vector<1x512xf32>
    %get3A_430 = vector.shape_cast %get3A_429 : vector<1x512xf32> to vector<512xf32>
    %broadcast_in_dim3A_431 = vector.shape_cast %get3A_430 : vector<512xf32> to vector<1x512xf32>
    %mul3A_432 = vector.broadcast %broadcast_in_dim3A_431 : vector<1x512xf32> to vector<16x512xf32>
    %mul3A_433 = arith.mulf %mul3A_432, %get3A_426 : vector<16x512xf32>
    %add3A_434 = arith.addf %add3A_399, %mul3A_433 : vector<16x512xf32>
    %get3A_435 = arith.constant 193 : index
    %get3A_436 = arith.constant 0 : index
    %get3A_437 = vector.load %arg1[%get3A_435, %get3A_436] : memref<256x512xf32, #tpu.memory_space<vmem>>, vector<1x512xf32>
    %get3A_438 = vector.shape_cast %get3A_437 : vector<1x512xf32> to vector<512xf32>
    %broadcast_in_dim3A_439 = vector.shape_cast %get3A_438 : vector<512xf32> to vector<1x512xf32>
    %mul3A_440 = vector.broadcast %broadcast_in_dim3A_439 : vector<1x512xf32> to vector<16x512xf32>
    %mul3A_441 = arith.mulf %mul3A_440, %get3A_426 : vector<16x512xf32>
    %add3A_442 = arith.addf %add3A_407, %mul3A_441 : vector<16x512xf32>
    %get3A_443 = arith.constant 194 : index
    %get3A_444 = arith.constant 0 : index
    %get3A_445 = vector.load %arg1[%get3A_443, %get3A_444] : memref<256x512xf32, #tpu.memory_space<vmem>>, vector<1x512xf32>
    %get3A_446 = vector.shape_cast %get3A_445 : vector<1x512xf32> to vector<512xf32>
    %broadcast_in_dim3A_447 = vector.shape_cast %get3A_446 : vector<512xf32> to vector<1x512xf32>
    %mul3A_448 = vector.broadcast %broadcast_in_dim3A_447 : vector<1x512xf32> to vector<16x512xf32>
    %mul3A_449 = arith.mulf %mul3A_448, %get3A_426 : vector<16x512xf32>
    %add3A_450 = arith.addf %add3A_415, %mul3A_449 : vector<16x512xf32>
    %get3A_451 = arith.constant 195 : index
    %get3A_452 = arith.constant 0 : index
    %get3A_453 = vector.load %arg1[%get3A_451, %get3A_452] : memref<256x512xf32, #tpu.memory_space<vmem>>, vector<1x512xf32>
    %get3A_454 = vector.shape_cast %get3A_453 : vector<1x512xf32> to vector<512xf32>
    %broadcast_in_dim3A_455 = vector.shape_cast %get3A_454 : vector<512xf32> to vector<1x512xf32>
    %mul3A_456 = vector.broadcast %broadcast_in_dim3A_455 : vector<1x512xf32> to vector<16x512xf32>
    %mul3A_457 = arith.mulf %mul3A_456, %get3A_426 : vector<16x512xf32>
    %add3A_458 = arith.addf %add3A_423, %mul3A_457 : vector<16x512xf32>
    %get3A_459 = arith.constant 208 : index
    %get3A_460 = arith.constant 0 : index
    %get3A_461 = vector.load %arg2[%get3A_459, %get3A_460] : memref<256x512xf32, #tpu.memory_space<vmem>>, vector<16x512xf32>
    %get3A_462 = arith.constant 208 : index
    %get3A_463 = arith.constant 0 : index
    %get3A_464 = vector.load %arg1[%get3A_462, %get3A_463] : memref<256x512xf32, #tpu.memory_space<vmem>>, vector<1x512xf32>
    %get3A_465 = vector.shape_cast %get3A_464 : vector<1x512xf32> to vector<512xf32>
    %broadcast_in_dim3A_466 = vector.shape_cast %get3A_465 : vector<512xf32> to vector<1x512xf32>
    %mul3A_467 = vector.broadcast %broadcast_in_dim3A_466 : vector<1x512xf32> to vector<16x512xf32>
    %mul3A_468 = arith.mulf %mul3A_467, %get3A_461 : vector<16x512xf32>
    %add3A_469 = arith.addf %add3A_434, %mul3A_468 : vector<16x512xf32>
    %get3A_470 = arith.constant 209 : index
    %get3A_471 = arith.constant 0 : index
    %get3A_472 = vector.load %arg1[%get3A_470, %get3A_471] : memref<256x512xf32, #tpu.memory_space<vmem>>, vector<1x512xf32>
    %get3A_473 = vector.shape_cast %get3A_472 : vector<1x512xf32> to vector<512xf32>
    %broadcast_in_dim3A_474 = vector.shape_cast %get3A_473 : vector<512xf32> to vector<1x512xf32>
    %mul3A_475 = vector.broadcast %broadcast_in_dim3A_474 : vector<1x512xf32> to vector<16x512xf32>
    %mul3A_476 = arith.mulf %mul3A_475, %get3A_461 : vector<16x512xf32>
    %add3A_477 = arith.addf %add3A_442, %mul3A_476 : vector<16x512xf32>
    %get3A_478 = arith.constant 210 : index
    %get3A_479 = arith.constant 0 : index
    %get3A_480 = vector.load %arg1[%get3A_478, %get3A_479] : memref<256x512xf32, #tpu.memory_space<vmem>>, vector<1x512xf32>
    %get3A_481 = vector.shape_cast %get3A_480 : vector<1x512xf32> to vector<512xf32>
    %broadcast_in_dim3A_482 = vector.shape_cast %get3A_481 : vector<512xf32> to vector<1x512xf32>
    %mul3A_483 = vector.broadcast %broadcast_in_dim3A_482 : vector<1x512xf32> to vector<16x512xf32>
    %mul3A_484 = arith.mulf %mul3A_483, %get3A_461 : vector<16x512xf32>
    %add3A_485 = arith.addf %add3A_450, %mul3A_484 : vector<16x512xf32>
    %get3A_486 = arith.constant 211 : index
    %get3A_487 = arith.constant 0 : index
    %get3A_488 = vector.load %arg1[%get3A_486, %get3A_487] : memref<256x512xf32, #tpu.memory_space<vmem>>, vector<1x512xf32>
    %get3A_489 = vector.shape_cast %get3A_488 : vector<1x512xf32> to vector<512xf32>
    %broadcast_in_dim3A_490 = vector.shape_cast %get3A_489 : vector<512xf32> to vector<1x512xf32>
    %mul3A_491 = vector.broadcast %broadcast_in_dim3A_490 : vector<1x512xf32> to vector<16x512xf32>
    %mul3A_492 = arith.mulf %mul3A_491, %get3A_461 : vector<16x512xf32>
    %add3A_493 = arith.addf %add3A_458, %mul3A_492 : vector<16x512xf32>
    %get3A_494 = arith.constant 224 : index
    %get3A_495 = arith.constant 0 : index
    %get3A_496 = vector.load %arg2[%get3A_494, %get3A_495] : memref<256x512xf32, #tpu.memory_space<vmem>>, vector<16x512xf32>
    %get3A_497 = arith.constant 224 : index
    %get3A_498 = arith.constant 0 : index
    %get3A_499 = vector.load %arg1[%get3A_497, %get3A_498] : memref<256x512xf32, #tpu.memory_space<vmem>>, vector<1x512xf32>
    %get3A_500 = vector.shape_cast %get3A_499 : vector<1x512xf32> to vector<512xf32>
    %broadcast_in_dim3A_501 = vector.shape_cast %get3A_500 : vector<512xf32> to vector<1x512xf32>
    %mul3A_502 = vector.broadcast %broadcast_in_dim3A_501 : vector<1x512xf32> to vector<16x512xf32>
    %mul3A_503 = arith.mulf %mul3A_502, %get3A_496 : vector<16x512xf32>
    %add3A_504 = arith.addf %add3A_469, %mul3A_503 : vector<16x512xf32>
    %get3A_505 = arith.constant 225 : index
    %get3A_506 = arith.constant 0 : index
    %get3A_507 = vector.load %arg1[%get3A_505, %get3A_506] : memref<256x512xf32, #tpu.memory_space<vmem>>, vector<1x512xf32>
    %get3A_508 = vector.shape_cast %get3A_507 : vector<1x512xf32> to vector<512xf32>
    %broadcast_in_dim3A_509 = vector.shape_cast %get3A_508 : vector<512xf32> to vector<1x512xf32>
    %mul3A_510 = vector.broadcast %broadcast_in_dim3A_509 : vector<1x512xf32> to vector<16x512xf32>
    %mul3A_511 = arith.mulf %mul3A_510, %get3A_496 : vector<16x512xf32>
    %add3A_512 = arith.addf %add3A_477, %mul3A_511 : vector<16x512xf32>
    %get3A_513 = arith.constant 226 : index
    %get3A_514 = arith.constant 0 : index
    %get3A_515 = vector.load %arg1[%get3A_513, %get3A_514] : memref<256x512xf32, #tpu.memory_space<vmem>>, vector<1x512xf32>
    %get3A_516 = vector.shape_cast %get3A_515 : vector<1x512xf32> to vector<512xf32>
    %broadcast_in_dim3A_517 = vector.shape_cast %get3A_516 : vector<512xf32> to vector<1x512xf32>
    %mul3A_518 = vector.broadcast %broadcast_in_dim3A_517 : vector<1x512xf32> to vector<16x512xf32>
    %mul3A_519 = arith.mulf %mul3A_518, %get3A_496 : vector<16x512xf32>
    %add3A_520 = arith.addf %add3A_485, %mul3A_519 : vector<16x512xf32>
    %get3A_521 = arith.constant 227 : index
    %get3A_522 = arith.constant 0 : index
    %get3A_523 = vector.load %arg1[%get3A_521, %get3A_522] : memref<256x512xf32, #tpu.memory_space<vmem>>, vector<1x512xf32>
    %get3A_524 = vector.shape_cast %get3A_523 : vector<1x512xf32> to vector<512xf32>
    %broadcast_in_dim3A_525 = vector.shape_cast %get3A_524 : vector<512xf32> to vector<1x512xf32>
    %mul3A_526 = vector.broadcast %broadcast_in_dim3A_525 : vector<1x512xf32> to vector<16x512xf32>
    %mul3A_527 = arith.mulf %mul3A_526, %get3A_496 : vector<16x512xf32>
    %add3A_528 = arith.addf %add3A_493, %mul3A_527 : vector<16x512xf32>
    %get3A_529 = arith.constant 240 : index
    %get3A_530 = arith.constant 0 : index
    %get3A_531 = vector.load %arg2[%get3A_529, %get3A_530] : memref<256x512xf32, #tpu.memory_space<vmem>>, vector<16x512xf32>
    %get3A_532 = arith.constant 240 : index
    %get3A_533 = arith.constant 0 : index
    %get3A_534 = vector.load %arg1[%get3A_532, %get3A_533] : memref<256x512xf32, #tpu.memory_space<vmem>>, vector<1x512xf32>
    %get3A_535 = vector.shape_cast %get3A_534 : vector<1x512xf32> to vector<512xf32>
    %broadcast_in_dim3A_536 = vector.shape_cast %get3A_535 : vector<512xf32> to vector<1x512xf32>
    %mul3A_537 = vector.broadcast %broadcast_in_dim3A_536 : vector<1x512xf32> to vector<16x512xf32>
    %mul3A_538 = arith.mulf %mul3A_537, %get3A_531 : vector<16x512xf32>
    %add3A_539 = arith.addf %add3A_504, %mul3A_538 : vector<16x512xf32>
    %get3A_540 = arith.constant 241 : index
    %get3A_541 = arith.constant 0 : index
    %get3A_542 = vector.load %arg1[%get3A_540, %get3A_541] : memref<256x512xf32, #tpu.memory_space<vmem>>, vector<1x512xf32>
    %get3A_543 = vector.shape_cast %get3A_542 : vector<1x512xf32> to vector<512xf32>
    %broadcast_in_dim3A_544 = vector.shape_cast %get3A_543 : vector<512xf32> to vector<1x512xf32>
    %mul3A_545 = vector.broadcast %broadcast_in_dim3A_544 : vector<1x512xf32> to vector<16x512xf32>
    %mul3A_546 = arith.mulf %mul3A_545, %get3A_531 : vector<16x512xf32>
    %add3A_547 = arith.addf %add3A_512, %mul3A_546 : vector<16x512xf32>
    %get3A_548 = arith.constant 242 : index
    %get3A_549 = arith.constant 0 : index
    %get3A_550 = vector.load %arg1[%get3A_548, %get3A_549] : memref<256x512xf32, #tpu.memory_space<vmem>>, vector<1x512xf32>
    %get3A_551 = vector.shape_cast %get3A_550 : vector<1x512xf32> to vector<512xf32>
    %broadcast_in_dim3A_552 = vector.shape_cast %get3A_551 : vector<512xf32> to vector<1x512xf32>
    %mul3A_553 = vector.broadcast %broadcast_in_dim3A_552 : vector<1x512xf32> to vector<16x512xf32>
    %mul3A_554 = arith.mulf %mul3A_553, %get3A_531 : vector<16x512xf32>
    %add3A_555 = arith.addf %add3A_520, %mul3A_554 : vector<16x512xf32>
    %get3A_556 = arith.constant 243 : index
    %get3A_557 = arith.constant 0 : index
    %get3A_558 = vector.load %arg1[%get3A_556, %get3A_557] : memref<256x512xf32, #tpu.memory_space<vmem>>, vector<1x512xf32>
    %get3A_559 = vector.shape_cast %get3A_558 : vector<1x512xf32> to vector<512xf32>
    %broadcast_in_dim3A_560 = vector.shape_cast %get3A_559 : vector<512xf32> to vector<1x512xf32>
    %mul3A_561 = vector.broadcast %broadcast_in_dim3A_560 : vector<1x512xf32> to vector<16x512xf32>
    %mul3A_562 = arith.mulf %mul3A_561, %get3A_531 : vector<16x512xf32>
    %add3A_563 = arith.addf %add3A_528, %mul3A_562 : vector<16x512xf32>
    %broadcast_in_dim3A_564 = arith.constant 0.000000e+00 : f32
    %broadcast_in_dim3A_565 = vector.broadcast %broadcast_in_dim3A_564 : f32 to vector<16x512xf32>
    %broadcast_in_dim3A_566 = arith.constant 0.000000e+00 : f32
    %broadcast_in_dim3A_567 = vector.broadcast %broadcast_in_dim3A_566 : f32 to vector<16x512xf32>
    %broadcast_in_dim3A_568 = arith.constant 0.000000e+00 : f32
    %broadcast_in_dim3A_569 = vector.broadcast %broadcast_in_dim3A_568 : f32 to vector<16x512xf32>
    %broadcast_in_dim3A_570 = arith.constant 0.000000e+00 : f32
    %broadcast_in_dim3A_571 = vector.broadcast %broadcast_in_dim3A_570 : f32 to vector<16x512xf32>
    %get3A_572 = arith.constant 0 : index
    %get3A_573 = arith.constant 0 : index
    %get3A_574 = vector.load %arg2[%get3A_572, %get3A_573] : memref<256x512xf32, #tpu.memory_space<vmem>>, vector<16x512xf32>
    %get3A_575 = arith.constant 4 : index
    %get3A_576 = arith.constant 0 : index
    %get3A_577 = vector.load %arg1[%get3A_575, %get3A_576] : memref<256x512xf32, #tpu.memory_space<vmem>>, vector<1x512xf32>
    %get3A_578 = vector.shape_cast %get3A_577 : vector<1x512xf32> to vector<512xf32>
    %broadcast_in_dim3A_579 = vector.shape_cast %get3A_578 : vector<512xf32> to vector<1x512xf32>
    %mul3A_580 = vector.broadcast %broadcast_in_dim3A_579 : vector<1x512xf32> to vector<16x512xf32>
    %mul3A_581 = arith.mulf %mul3A_580, %get3A_574 : vector<16x512xf32>
    %add3A_582 = arith.addf %broadcast_in_dim3A_565, %mul3A_581 : vector<16x512xf32>
    %get3A_583 = arith.constant 5 : index
    %get3A_584 = arith.constant 0 : index
    %get3A_585 = vector.load %arg1[%get3A_583, %get3A_584] : memref<256x512xf32, #tpu.memory_space<vmem>>, vector<1x512xf32>
    %get3A_586 = vector.shape_cast %get3A_585 : vector<1x512xf32> to vector<512xf32>
    %broadcast_in_dim3A_587 = vector.shape_cast %get3A_586 : vector<512xf32> to vector<1x512xf32>
    %mul3A_588 = vector.broadcast %broadcast_in_dim3A_587 : vector<1x512xf32> to vector<16x512xf32>
    %mul3A_589 = arith.mulf %mul3A_588, %get3A_574 : vector<16x512xf32>
    %add3A_590 = arith.addf %broadcast_in_dim3A_567, %mul3A_589 : vector<16x512xf32>
    %get3A_591 = arith.constant 6 : index
    %get3A_592 = arith.constant 0 : index
    %get3A_593 = vector.load %arg1[%get3A_591, %get3A_592] : memref<256x512xf32, #tpu.memory_space<vmem>>, vector<1x512xf32>
    %get3A_594 = vector.shape_cast %get3A_593 : vector<1x512xf32> to vector<512xf32>
    %broadcast_in_dim3A_595 = vector.shape_cast %get3A_594 : vector<512xf32> to vector<1x512xf32>
    %mul3A_596 = vector.broadcast %broadcast_in_dim3A_595 : vector<1x512xf32> to vector<16x512xf32>
    %mul3A_597 = arith.mulf %mul3A_596, %get3A_574 : vector<16x512xf32>
    %add3A_598 = arith.addf %broadcast_in_dim3A_569, %mul3A_597 : vector<16x512xf32>
    %get3A_599 = arith.constant 7 : index
    %get3A_600 = arith.constant 0 : index
    %get3A_601 = vector.load %arg1[%get3A_599, %get3A_600] : memref<256x512xf32, #tpu.memory_space<vmem>>, vector<1x512xf32>
    %get3A_602 = vector.shape_cast %get3A_601 : vector<1x512xf32> to vector<512xf32>
    %broadcast_in_dim3A_603 = vector.shape_cast %get3A_602 : vector<512xf32> to vector<1x512xf32>
    %mul3A_604 = vector.broadcast %broadcast_in_dim3A_603 : vector<1x512xf32> to vector<16x512xf32>
    %mul3A_605 = arith.mulf %mul3A_604, %get3A_574 : vector<16x512xf32>
    %add3A_606 = arith.addf %broadcast_in_dim3A_571, %mul3A_605 : vector<16x512xf32>
    %get3A_607 = arith.constant 16 : index
    %get3A_608 = arith.constant 0 : index
    %get3A_609 = vector.load %arg2[%get3A_607, %get3A_608] : memref<256x512xf32, #tpu.memory_space<vmem>>, vector<16x512xf32>
    %get3A_610 = arith.constant 20 : index
    %get3A_611 = arith.constant 0 : index
    %get3A_612 = vector.load %arg1[%get3A_610, %get3A_611] : memref<256x512xf32, #tpu.memory_space<vmem>>, vector<1x512xf32>
    %get3A_613 = vector.shape_cast %get3A_612 : vector<1x512xf32> to vector<512xf32>
    %broadcast_in_dim3A_614 = vector.shape_cast %get3A_613 : vector<512xf32> to vector<1x512xf32>
    %mul3A_615 = vector.broadcast %broadcast_in_dim3A_614 : vector<1x512xf32> to vector<16x512xf32>
    %mul3A_616 = arith.mulf %mul3A_615, %get3A_609 : vector<16x512xf32>
    %add3A_617 = arith.addf %add3A_582, %mul3A_616 : vector<16x512xf32>
    %get3A_618 = arith.constant 21 : index
    %get3A_619 = arith.constant 0 : index
    %get3A_620 = vector.load %arg1[%get3A_618, %get3A_619] : memref<256x512xf32, #tpu.memory_space<vmem>>, vector<1x512xf32>
    %get3A_621 = vector.shape_cast %get3A_620 : vector<1x512xf32> to vector<512xf32>
    %broadcast_in_dim3A_622 = vector.shape_cast %get3A_621 : vector<512xf32> to vector<1x512xf32>
    %mul3A_623 = vector.broadcast %broadcast_in_dim3A_622 : vector<1x512xf32> to vector<16x512xf32>
    %mul3A_624 = arith.mulf %mul3A_623, %get3A_609 : vector<16x512xf32>
    %add3A_625 = arith.addf %add3A_590, %mul3A_624 : vector<16x512xf32>
    %get3A_626 = arith.constant 22 : index
    %get3A_627 = arith.constant 0 : index
    %get3A_628 = vector.load %arg1[%get3A_626, %get3A_627] : memref<256x512xf32, #tpu.memory_space<vmem>>, vector<1x512xf32>
    %get3A_629 = vector.shape_cast %get3A_628 : vector<1x512xf32> to vector<512xf32>
    %broadcast_in_dim3A_630 = vector.shape_cast %get3A_629 : vector<512xf32> to vector<1x512xf32>
    %mul3A_631 = vector.broadcast %broadcast_in_dim3A_630 : vector<1x512xf32> to vector<16x512xf32>
    %mul3A_632 = arith.mulf %mul3A_631, %get3A_609 : vector<16x512xf32>
    %add3A_633 = arith.addf %add3A_598, %mul3A_632 : vector<16x512xf32>
    %get3A_634 = arith.constant 23 : index
    %get3A_635 = arith.constant 0 : index
    %get3A_636 = vector.load %arg1[%get3A_634, %get3A_635] : memref<256x512xf32, #tpu.memory_space<vmem>>, vector<1x512xf32>
    %get3A_637 = vector.shape_cast %get3A_636 : vector<1x512xf32> to vector<512xf32>
    %broadcast_in_dim3A_638 = vector.shape_cast %get3A_637 : vector<512xf32> to vector<1x512xf32>
    %mul3A_639 = vector.broadcast %broadcast_in_dim3A_638 : vector<1x512xf32> to vector<16x512xf32>
    %mul3A_640 = arith.mulf %mul3A_639, %get3A_609 : vector<16x512xf32>
    %add3A_641 = arith.addf %add3A_606, %mul3A_640 : vector<16x512xf32>
    %get3A_642 = arith.constant 32 : index
    %get3A_643 = arith.constant 0 : index
    %get3A_644 = vector.load %arg2[%get3A_642, %get3A_643] : memref<256x512xf32, #tpu.memory_space<vmem>>, vector<16x512xf32>
    %get3A_645 = arith.constant 36 : index
    %get3A_646 = arith.constant 0 : index
    %get3A_647 = vector.load %arg1[%get3A_645, %get3A_646] : memref<256x512xf32, #tpu.memory_space<vmem>>, vector<1x512xf32>
    %get3A_648 = vector.shape_cast %get3A_647 : vector<1x512xf32> to vector<512xf32>
    %broadcast_in_dim3A_649 = vector.shape_cast %get3A_648 : vector<512xf32> to vector<1x512xf32>
    %mul3A_650 = vector.broadcast %broadcast_in_dim3A_649 : vector<1x512xf32> to vector<16x512xf32>
    %mul3A_651 = arith.mulf %mul3A_650, %get3A_644 : vector<16x512xf32>
    %add3A_652 = arith.addf %add3A_617, %mul3A_651 : vector<16x512xf32>
    %get3A_653 = arith.constant 37 : index
    %get3A_654 = arith.constant 0 : index
    %get3A_655 = vector.load %arg1[%get3A_653, %get3A_654] : memref<256x512xf32, #tpu.memory_space<vmem>>, vector<1x512xf32>
    %get3A_656 = vector.shape_cast %get3A_655 : vector<1x512xf32> to vector<512xf32>
    %broadcast_in_dim3A_657 = vector.shape_cast %get3A_656 : vector<512xf32> to vector<1x512xf32>
    %mul3A_658 = vector.broadcast %broadcast_in_dim3A_657 : vector<1x512xf32> to vector<16x512xf32>
    %mul3A_659 = arith.mulf %mul3A_658, %get3A_644 : vector<16x512xf32>
    %add3A_660 = arith.addf %add3A_625, %mul3A_659 : vector<16x512xf32>
    %get3A_661 = arith.constant 38 : index
    %get3A_662 = arith.constant 0 : index
    %get3A_663 = vector.load %arg1[%get3A_661, %get3A_662] : memref<256x512xf32, #tpu.memory_space<vmem>>, vector<1x512xf32>
    %get3A_664 = vector.shape_cast %get3A_663 : vector<1x512xf32> to vector<512xf32>
    %broadcast_in_dim3A_665 = vector.shape_cast %get3A_664 : vector<512xf32> to vector<1x512xf32>
    %mul3A_666 = vector.broadcast %broadcast_in_dim3A_665 : vector<1x512xf32> to vector<16x512xf32>
    %mul3A_667 = arith.mulf %mul3A_666, %get3A_644 : vector<16x512xf32>
    %add3A_668 = arith.addf %add3A_633, %mul3A_667 : vector<16x512xf32>
    %get3A_669 = arith.constant 39 : index
    %get3A_670 = arith.constant 0 : index
    %get3A_671 = vector.load %arg1[%get3A_669, %get3A_670] : memref<256x512xf32, #tpu.memory_space<vmem>>, vector<1x512xf32>
    %get3A_672 = vector.shape_cast %get3A_671 : vector<1x512xf32> to vector<512xf32>
    %broadcast_in_dim3A_673 = vector.shape_cast %get3A_672 : vector<512xf32> to vector<1x512xf32>
    %mul3A_674 = vector.broadcast %broadcast_in_dim3A_673 : vector<1x512xf32> to vector<16x512xf32>
    %mul3A_675 = arith.mulf %mul3A_674, %get3A_644 : vector<16x512xf32>
    %add3A_676 = arith.addf %add3A_641, %mul3A_675 : vector<16x512xf32>
    %get3A_677 = arith.constant 48 : index
    %get3A_678 = arith.constant 0 : index
    %get3A_679 = vector.load %arg2[%get3A_677, %get3A_678] : memref<256x512xf32, #tpu.memory_space<vmem>>, vector<16x512xf32>
    %get3A_680 = arith.constant 52 : index
    %get3A_681 = arith.constant 0 : index
    %get3A_682 = vector.load %arg1[%get3A_680, %get3A_681] : memref<256x512xf32, #tpu.memory_space<vmem>>, vector<1x512xf32>
    %get3A_683 = vector.shape_cast %get3A_682 : vector<1x512xf32> to vector<512xf32>
    %broadcast_in_dim3A_684 = vector.shape_cast %get3A_683 : vector<512xf32> to vector<1x512xf32>
    %mul3A_685 = vector.broadcast %broadcast_in_dim3A_684 : vector<1x512xf32> to vector<16x512xf32>
    %mul3A_686 = arith.mulf %mul3A_685, %get3A_679 : vector<16x512xf32>
    %add3A_687 = arith.addf %add3A_652, %mul3A_686 : vector<16x512xf32>
    %get3A_688 = arith.constant 53 : index
    %get3A_689 = arith.constant 0 : index
    %get3A_690 = vector.load %arg1[%get3A_688, %get3A_689] : memref<256x512xf32, #tpu.memory_space<vmem>>, vector<1x512xf32>
    %get3A_691 = vector.shape_cast %get3A_690 : vector<1x512xf32> to vector<512xf32>
    %broadcast_in_dim3A_692 = vector.shape_cast %get3A_691 : vector<512xf32> to vector<1x512xf32>
    %mul3A_693 = vector.broadcast %broadcast_in_dim3A_692 : vector<1x512xf32> to vector<16x512xf32>
    %mul3A_694 = arith.mulf %mul3A_693, %get3A_679 : vector<16x512xf32>
    %add3A_695 = arith.addf %add3A_660, %mul3A_694 : vector<16x512xf32>
    %get3A_696 = arith.constant 54 : index
    %get3A_697 = arith.constant 0 : index
    %get3A_698 = vector.load %arg1[%get3A_696, %get3A_697] : memref<256x512xf32, #tpu.memory_space<vmem>>, vector<1x512xf32>
    %get3A_699 = vector.shape_cast %get3A_698 : vector<1x512xf32> to vector<512xf32>
    %broadcast_in_dim3A_700 = vector.shape_cast %get3A_699 : vector<512xf32> to vector<1x512xf32>
    %mul3A_701 = vector.broadcast %broadcast_in_dim3A_700 : vector<1x512xf32> to vector<16x512xf32>
    %mul3A_702 = arith.mulf %mul3A_701, %get3A_679 : vector<16x512xf32>
    %add3A_703 = arith.addf %add3A_668, %mul3A_702 : vector<16x512xf32>
    %get3A_704 = arith.constant 55 : index
    %get3A_705 = arith.constant 0 : index
    %get3A_706 = vector.load %arg1[%get3A_704, %get3A_705] : memref<256x512xf32, #tpu.memory_space<vmem>>, vector<1x512xf32>
    %get3A_707 = vector.shape_cast %get3A_706 : vector<1x512xf32> to vector<512xf32>
    %broadcast_in_dim3A_708 = vector.shape_cast %get3A_707 : vector<512xf32> to vector<1x512xf32>
    %mul3A_709 = vector.broadcast %broadcast_in_dim3A_708 : vector<1x512xf32> to vector<16x512xf32>
    %mul3A_710 = arith.mulf %mul3A_709, %get3A_679 : vector<16x512xf32>
    %add3A_711 = arith.addf %add3A_676, %mul3A_710 : vector<16x512xf32>
    %get3A_712 = arith.constant 64 : index
    %get3A_713 = arith.constant 0 : index
    %get3A_714 = vector.load %arg2[%get3A_712, %get3A_713] : memref<256x512xf32, #tpu.memory_space<vmem>>, vector<16x512xf32>
    %get3A_715 = arith.constant 68 : index
    %get3A_716 = arith.constant 0 : index
    %get3A_717 = vector.load %arg1[%get3A_715, %get3A_716] : memref<256x512xf32, #tpu.memory_space<vmem>>, vector<1x512xf32>
    %get3A_718 = vector.shape_cast %get3A_717 : vector<1x512xf32> to vector<512xf32>
    %broadcast_in_dim3A_719 = vector.shape_cast %get3A_718 : vector<512xf32> to vector<1x512xf32>
    %mul3A_720 = vector.broadcast %broadcast_in_dim3A_719 : vector<1x512xf32> to vector<16x512xf32>
    %mul3A_721 = arith.mulf %mul3A_720, %get3A_714 : vector<16x512xf32>
    %add3A_722 = arith.addf %add3A_687, %mul3A_721 : vector<16x512xf32>
    %get3A_723 = arith.constant 69 : index
    %get3A_724 = arith.constant 0 : index
    %get3A_725 = vector.load %arg1[%get3A_723, %get3A_724] : memref<256x512xf32, #tpu.memory_space<vmem>>, vector<1x512xf32>
    %get3A_726 = vector.shape_cast %get3A_725 : vector<1x512xf32> to vector<512xf32>
    %broadcast_in_dim3A_727 = vector.shape_cast %get3A_726 : vector<512xf32> to vector<1x512xf32>
    %mul3A_728 = vector.broadcast %broadcast_in_dim3A_727 : vector<1x512xf32> to vector<16x512xf32>
    %mul3A_729 = arith.mulf %mul3A_728, %get3A_714 : vector<16x512xf32>
    %add3A_730 = arith.addf %add3A_695, %mul3A_729 : vector<16x512xf32>
    %get3A_731 = arith.constant 70 : index
    %get3A_732 = arith.constant 0 : index
    %get3A_733 = vector.load %arg1[%get3A_731, %get3A_732] : memref<256x512xf32, #tpu.memory_space<vmem>>, vector<1x512xf32>
    %get3A_734 = vector.shape_cast %get3A_733 : vector<1x512xf32> to vector<512xf32>
    %broadcast_in_dim3A_735 = vector.shape_cast %get3A_734 : vector<512xf32> to vector<1x512xf32>
    %mul3A_736 = vector.broadcast %broadcast_in_dim3A_735 : vector<1x512xf32> to vector<16x512xf32>
    %mul3A_737 = arith.mulf %mul3A_736, %get3A_714 : vector<16x512xf32>
    %add3A_738 = arith.addf %add3A_703, %mul3A_737 : vector<16x512xf32>
    %get3A_739 = arith.constant 71 : index
    %get3A_740 = arith.constant 0 : index
    %get3A_741 = vector.load %arg1[%get3A_739, %get3A_740] : memref<256x512xf32, #tpu.memory_space<vmem>>, vector<1x512xf32>
    %get3A_742 = vector.shape_cast %get3A_741 : vector<1x512xf32> to vector<512xf32>
    %broadcast_in_dim3A_743 = vector.shape_cast %get3A_742 : vector<512xf32> to vector<1x512xf32>
    %mul3A_744 = vector.broadcast %broadcast_in_dim3A_743 : vector<1x512xf32> to vector<16x512xf32>
    %mul3A_745 = arith.mulf %mul3A_744, %get3A_714 : vector<16x512xf32>
    %add3A_746 = arith.addf %add3A_711, %mul3A_745 : vector<16x512xf32>
    %get3A_747 = arith.constant 80 : index
    %get3A_748 = arith.constant 0 : index
    %get3A_749 = vector.load %arg2[%get3A_747, %get3A_748] : memref<256x512xf32, #tpu.memory_space<vmem>>, vector<16x512xf32>
    %get3A_750 = arith.constant 84 : index
    %get3A_751 = arith.constant 0 : index
    %get3A_752 = vector.load %arg1[%get3A_750, %get3A_751] : memref<256x512xf32, #tpu.memory_space<vmem>>, vector<1x512xf32>
    %get3A_753 = vector.shape_cast %get3A_752 : vector<1x512xf32> to vector<512xf32>
    %broadcast_in_dim3A_754 = vector.shape_cast %get3A_753 : vector<512xf32> to vector<1x512xf32>
    %mul3A_755 = vector.broadcast %broadcast_in_dim3A_754 : vector<1x512xf32> to vector<16x512xf32>
    %mul3A_756 = arith.mulf %mul3A_755, %get3A_749 : vector<16x512xf32>
    %add3A_757 = arith.addf %add3A_722, %mul3A_756 : vector<16x512xf32>
    %get3A_758 = arith.constant 85 : index
    %get3A_759 = arith.constant 0 : index
    %get3A_760 = vector.load %arg1[%get3A_758, %get3A_759] : memref<256x512xf32, #tpu.memory_space<vmem>>, vector<1x512xf32>
    %get3A_761 = vector.shape_cast %get3A_760 : vector<1x512xf32> to vector<512xf32>
    %broadcast_in_dim3A_762 = vector.shape_cast %get3A_761 : vector<512xf32> to vector<1x512xf32>
    %mul3A_763 = vector.broadcast %broadcast_in_dim3A_762 : vector<1x512xf32> to vector<16x512xf32>
    %mul3A_764 = arith.mulf %mul3A_763, %get3A_749 : vector<16x512xf32>
    %add3A_765 = arith.addf %add3A_730, %mul3A_764 : vector<16x512xf32>
    %get3A_766 = arith.constant 86 : index
    %get3A_767 = arith.constant 0 : index
    %get3A_768 = vector.load %arg1[%get3A_766, %get3A_767] : memref<256x512xf32, #tpu.memory_space<vmem>>, vector<1x512xf32>
    %get3A_769 = vector.shape_cast %get3A_768 : vector<1x512xf32> to vector<512xf32>
    %broadcast_in_dim3A_770 = vector.shape_cast %get3A_769 : vector<512xf32> to vector<1x512xf32>
    %mul3A_771 = vector.broadcast %broadcast_in_dim3A_770 : vector<1x512xf32> to vector<16x512xf32>
    %mul3A_772 = arith.mulf %mul3A_771, %get3A_749 : vector<16x512xf32>
    %add3A_773 = arith.addf %add3A_738, %mul3A_772 : vector<16x512xf32>
    %get3A_774 = arith.constant 87 : index
    %get3A_775 = arith.constant 0 : index
    %get3A_776 = vector.load %arg1[%get3A_774, %get3A_775] : memref<256x512xf32, #tpu.memory_space<vmem>>, vector<1x512xf32>
    %get3A_777 = vector.shape_cast %get3A_776 : vector<1x512xf32> to vector<512xf32>
    %broadcast_in_dim3A_778 = vector.shape_cast %get3A_777 : vector<512xf32> to vector<1x512xf32>
    %mul3A_779 = vector.broadcast %broadcast_in_dim3A_778 : vector<1x512xf32> to vector<16x512xf32>
    %mul3A_780 = arith.mulf %mul3A_779, %get3A_749 : vector<16x512xf32>
    %add3A_781 = arith.addf %add3A_746, %mul3A_780 : vector<16x512xf32>
    %get3A_782 = arith.constant 96 : index
    %get3A_783 = arith.constant 0 : index
    %get3A_784 = vector.load %arg2[%get3A_782, %get3A_783] : memref<256x512xf32, #tpu.memory_space<vmem>>, vector<16x512xf32>
    %get3A_785 = arith.constant 100 : index
    %get3A_786 = arith.constant 0 : index
    %get3A_787 = vector.load %arg1[%get3A_785, %get3A_786] : memref<256x512xf32, #tpu.memory_space<vmem>>, vector<1x512xf32>
    %get3A_788 = vector.shape_cast %get3A_787 : vector<1x512xf32> to vector<512xf32>
    %broadcast_in_dim3A_789 = vector.shape_cast %get3A_788 : vector<512xf32> to vector<1x512xf32>
    %mul3A_790 = vector.broadcast %broadcast_in_dim3A_789 : vector<1x512xf32> to vector<16x512xf32>
    %mul3A_791 = arith.mulf %mul3A_790, %get3A_784 : vector<16x512xf32>
    %add3A_792 = arith.addf %add3A_757, %mul3A_791 : vector<16x512xf32>
    %get3A_793 = arith.constant 101 : index
    %get3A_794 = arith.constant 0 : index
    %get3A_795 = vector.load %arg1[%get3A_793, %get3A_794] : memref<256x512xf32, #tpu.memory_space<vmem>>, vector<1x512xf32>
    %get3A_796 = vector.shape_cast %get3A_795 : vector<1x512xf32> to vector<512xf32>
    %broadcast_in_dim3A_797 = vector.shape_cast %get3A_796 : vector<512xf32> to vector<1x512xf32>
    %mul3A_798 = vector.broadcast %broadcast_in_dim3A_797 : vector<1x512xf32> to vector<16x512xf32>
    %mul3A_799 = arith.mulf %mul3A_798, %get3A_784 : vector<16x512xf32>
    %add3A_800 = arith.addf %add3A_765, %mul3A_799 : vector<16x512xf32>
    %get3A_801 = arith.constant 102 : index
    %get3A_802 = arith.constant 0 : index
    %get3A_803 = vector.load %arg1[%get3A_801, %get3A_802] : memref<256x512xf32, #tpu.memory_space<vmem>>, vector<1x512xf32>
    %get3A_804 = vector.shape_cast %get3A_803 : vector<1x512xf32> to vector<512xf32>
    %broadcast_in_dim3A_805 = vector.shape_cast %get3A_804 : vector<512xf32> to vector<1x512xf32>
    %mul3A_806 = vector.broadcast %broadcast_in_dim3A_805 : vector<1x512xf32> to vector<16x512xf32>
    %mul3A_807 = arith.mulf %mul3A_806, %get3A_784 : vector<16x512xf32>
    %add3A_808 = arith.addf %add3A_773, %mul3A_807 : vector<16x512xf32>
    %get3A_809 = arith.constant 103 : index
    %get3A_810 = arith.constant 0 : index
    %get3A_811 = vector.load %arg1[%get3A_809, %get3A_810] : memref<256x512xf32, #tpu.memory_space<vmem>>, vector<1x512xf32>
    %get3A_812 = vector.shape_cast %get3A_811 : vector<1x512xf32> to vector<512xf32>
    %broadcast_in_dim3A_813 = vector.shape_cast %get3A_812 : vector<512xf32> to vector<1x512xf32>
    %mul3A_814 = vector.broadcast %broadcast_in_dim3A_813 : vector<1x512xf32> to vector<16x512xf32>
    %mul3A_815 = arith.mulf %mul3A_814, %get3A_784 : vector<16x512xf32>
    %add3A_816 = arith.addf %add3A_781, %mul3A_815 : vector<16x512xf32>
    %get3A_817 = arith.constant 112 : index
    %get3A_818 = arith.constant 0 : index
    %get3A_819 = vector.load %arg2[%get3A_817, %get3A_818] : memref<256x512xf32, #tpu.memory_space<vmem>>, vector<16x512xf32>
    %get3A_820 = arith.constant 116 : index
    %get3A_821 = arith.constant 0 : index
    %get3A_822 = vector.load %arg1[%get3A_820, %get3A_821] : memref<256x512xf32, #tpu.memory_space<vmem>>, vector<1x512xf32>
    %get3A_823 = vector.shape_cast %get3A_822 : vector<1x512xf32> to vector<512xf32>
    %broadcast_in_dim3A_824 = vector.shape_cast %get3A_823 : vector<512xf32> to vector<1x512xf32>
    %mul3A_825 = vector.broadcast %broadcast_in_dim3A_824 : vector<1x512xf32> to vector<16x512xf32>
    %mul3A_826 = arith.mulf %mul3A_825, %get3A_819 : vector<16x512xf32>
    %add3A_827 = arith.addf %add3A_792, %mul3A_826 : vector<16x512xf32>
    %get3A_828 = arith.constant 117 : index
    %get3A_829 = arith.constant 0 : index
    %get3A_830 = vector.load %arg1[%get3A_828, %get3A_829] : memref<256x512xf32, #tpu.memory_space<vmem>>, vector<1x512xf32>
    %get3A_831 = vector.shape_cast %get3A_830 : vector<1x512xf32> to vector<512xf32>
    %broadcast_in_dim3A_832 = vector.shape_cast %get3A_831 : vector<512xf32> to vector<1x512xf32>
    %mul3A_833 = vector.broadcast %broadcast_in_dim3A_832 : vector<1x512xf32> to vector<16x512xf32>
    %mul3A_834 = arith.mulf %mul3A_833, %get3A_819 : vector<16x512xf32>
    %add3A_835 = arith.addf %add3A_800, %mul3A_834 : vector<16x512xf32>
    %get3A_836 = arith.constant 118 : index
    %get3A_837 = arith.constant 0 : index
    %get3A_838 = vector.load %arg1[%get3A_836, %get3A_837] : memref<256x512xf32, #tpu.memory_space<vmem>>, vector<1x512xf32>
    %get3A_839 = vector.shape_cast %get3A_838 : vector<1x512xf32> to vector<512xf32>
    %broadcast_in_dim3A_840 = vector.shape_cast %get3A_839 : vector<512xf32> to vector<1x512xf32>
    %mul3A_841 = vector.broadcast %broadcast_in_dim3A_840 : vector<1x512xf32> to vector<16x512xf32>
    %mul3A_842 = arith.mulf %mul3A_841, %get3A_819 : vector<16x512xf32>
    %add3A_843 = arith.addf %add3A_808, %mul3A_842 : vector<16x512xf32>
    %get3A_844 = arith.constant 119 : index
    %get3A_845 = arith.constant 0 : index
    %get3A_846 = vector.load %arg1[%get3A_844, %get3A_845] : memref<256x512xf32, #tpu.memory_space<vmem>>, vector<1x512xf32>
    %get3A_847 = vector.shape_cast %get3A_846 : vector<1x512xf32> to vector<512xf32>
    %broadcast_in_dim3A_848 = vector.shape_cast %get3A_847 : vector<512xf32> to vector<1x512xf32>
    %mul3A_849 = vector.broadcast %broadcast_in_dim3A_848 : vector<1x512xf32> to vector<16x512xf32>
    %mul3A_850 = arith.mulf %mul3A_849, %get3A_819 : vector<16x512xf32>
    %add3A_851 = arith.addf %add3A_816, %mul3A_850 : vector<16x512xf32>
    %get3A_852 = arith.constant 128 : index
    %get3A_853 = arith.constant 0 : index
    %get3A_854 = vector.load %arg2[%get3A_852, %get3A_853] : memref<256x512xf32, #tpu.memory_space<vmem>>, vector<16x512xf32>
    %get3A_855 = arith.constant 132 : index
    %get3A_856 = arith.constant 0 : index
    %get3A_857 = vector.load %arg1[%get3A_855, %get3A_856] : memref<256x512xf32, #tpu.memory_space<vmem>>, vector<1x512xf32>
    %get3A_858 = vector.shape_cast %get3A_857 : vector<1x512xf32> to vector<512xf32>
    %broadcast_in_dim3A_859 = vector.shape_cast %get3A_858 : vector<512xf32> to vector<1x512xf32>
    %mul3A_860 = vector.broadcast %broadcast_in_dim3A_859 : vector<1x512xf32> to vector<16x512xf32>
    %mul3A_861 = arith.mulf %mul3A_860, %get3A_854 : vector<16x512xf32>
    %add3A_862 = arith.addf %add3A_827, %mul3A_861 : vector<16x512xf32>
    %get3A_863 = arith.constant 133 : index
    %get3A_864 = arith.constant 0 : index
    %get3A_865 = vector.load %arg1[%get3A_863, %get3A_864] : memref<256x512xf32, #tpu.memory_space<vmem>>, vector<1x512xf32>
    %get3A_866 = vector.shape_cast %get3A_865 : vector<1x512xf32> to vector<512xf32>
    %broadcast_in_dim3A_867 = vector.shape_cast %get3A_866 : vector<512xf32> to vector<1x512xf32>
    %mul3A_868 = vector.broadcast %broadcast_in_dim3A_867 : vector<1x512xf32> to vector<16x512xf32>
    %mul3A_869 = arith.mulf %mul3A_868, %get3A_854 : vector<16x512xf32>
    %add3A_870 = arith.addf %add3A_835, %mul3A_869 : vector<16x512xf32>
    %get3A_871 = arith.constant 134 : index
    %get3A_872 = arith.constant 0 : index
    %get3A_873 = vector.load %arg1[%get3A_871, %get3A_872] : memref<256x512xf32, #tpu.memory_space<vmem>>, vector<1x512xf32>
    %get3A_874 = vector.shape_cast %get3A_873 : vector<1x512xf32> to vector<512xf32>
    %broadcast_in_dim3A_875 = vector.shape_cast %get3A_874 : vector<512xf32> to vector<1x512xf32>
    %mul3A_876 = vector.broadcast %broadcast_in_dim3A_875 : vector<1x512xf32> to vector<16x512xf32>
    %mul3A_877 = arith.mulf %mul3A_876, %get3A_854 : vector<16x512xf32>
    %add3A_878 = arith.addf %add3A_843, %mul3A_877 : vector<16x512xf32>
    %get3A_879 = arith.constant 135 : index
    %get3A_880 = arith.constant 0 : index
    %get3A_881 = vector.load %arg1[%get3A_879, %get3A_880] : memref<256x512xf32, #tpu.memory_space<vmem>>, vector<1x512xf32>
    %get3A_882 = vector.shape_cast %get3A_881 : vector<1x512xf32> to vector<512xf32>
    %broadcast_in_dim3A_883 = vector.shape_cast %get3A_882 : vector<512xf32> to vector<1x512xf32>
    %mul3A_884 = vector.broadcast %broadcast_in_dim3A_883 : vector<1x512xf32> to vector<16x512xf32>
    %mul3A_885 = arith.mulf %mul3A_884, %get3A_854 : vector<16x512xf32>
    %add3A_886 = arith.addf %add3A_851, %mul3A_885 : vector<16x512xf32>
    %get3A_887 = arith.constant 144 : index
    %get3A_888 = arith.constant 0 : index
    %get3A_889 = vector.load %arg2[%get3A_887, %get3A_888] : memref<256x512xf32, #tpu.memory_space<vmem>>, vector<16x512xf32>
    %get3A_890 = arith.constant 148 : index
    %get3A_891 = arith.constant 0 : index
    %get3A_892 = vector.load %arg1[%get3A_890, %get3A_891] : memref<256x512xf32, #tpu.memory_space<vmem>>, vector<1x512xf32>
    %get3A_893 = vector.shape_cast %get3A_892 : vector<1x512xf32> to vector<512xf32>
    %broadcast_in_dim3A_894 = vector.shape_cast %get3A_893 : vector<512xf32> to vector<1x512xf32>
    %mul3A_895 = vector.broadcast %broadcast_in_dim3A_894 : vector<1x512xf32> to vector<16x512xf32>
    %mul3A_896 = arith.mulf %mul3A_895, %get3A_889 : vector<16x512xf32>
    %add3A_897 = arith.addf %add3A_862, %mul3A_896 : vector<16x512xf32>
    %get3A_898 = arith.constant 149 : index
    %get3A_899 = arith.constant 0 : index
    %get3A_900 = vector.load %arg1[%get3A_898, %get3A_899] : memref<256x512xf32, #tpu.memory_space<vmem>>, vector<1x512xf32>
    %get3A_901 = vector.shape_cast %get3A_900 : vector<1x512xf32> to vector<512xf32>
    %broadcast_in_dim3A_902 = vector.shape_cast %get3A_901 : vector<512xf32> to vector<1x512xf32>
    %mul3A_903 = vector.broadcast %broadcast_in_dim3A_902 : vector<1x512xf32> to vector<16x512xf32>
    %mul3A_904 = arith.mulf %mul3A_903, %get3A_889 : vector<16x512xf32>
    %add3A_905 = arith.addf %add3A_870, %mul3A_904 : vector<16x512xf32>
    %get3A_906 = arith.constant 150 : index
    %get3A_907 = arith.constant 0 : index
    %get3A_908 = vector.load %arg1[%get3A_906, %get3A_907] : memref<256x512xf32, #tpu.memory_space<vmem>>, vector<1x512xf32>
    %get3A_909 = vector.shape_cast %get3A_908 : vector<1x512xf32> to vector<512xf32>
    %broadcast_in_dim3A_910 = vector.shape_cast %get3A_909 : vector<512xf32> to vector<1x512xf32>
    %mul3A_911 = vector.broadcast %broadcast_in_dim3A_910 : vector<1x512xf32> to vector<16x512xf32>
    %mul3A_912 = arith.mulf %mul3A_911, %get3A_889 : vector<16x512xf32>
    %add3A_913 = arith.addf %add3A_878, %mul3A_912 : vector<16x512xf32>
    %get3A_914 = arith.constant 151 : index
    %get3A_915 = arith.constant 0 : index
    %get3A_916 = vector.load %arg1[%get3A_914, %get3A_915] : memref<256x512xf32, #tpu.memory_space<vmem>>, vector<1x512xf32>
    %get3A_917 = vector.shape_cast %get3A_916 : vector<1x512xf32> to vector<512xf32>
    %broadcast_in_dim3A_918 = vector.shape_cast %get3A_917 : vector<512xf32> to vector<1x512xf32>
    %mul3A_919 = vector.broadcast %broadcast_in_dim3A_918 : vector<1x512xf32> to vector<16x512xf32>
    %mul3A_920 = arith.mulf %mul3A_919, %get3A_889 : vector<16x512xf32>
    %add3A_921 = arith.addf %add3A_886, %mul3A_920 : vector<16x512xf32>
    %get3A_922 = arith.constant 160 : index
    %get3A_923 = arith.constant 0 : index
    %get3A_924 = vector.load %arg2[%get3A_922, %get3A_923] : memref<256x512xf32, #tpu.memory_space<vmem>>, vector<16x512xf32>
    %get3A_925 = arith.constant 164 : index
    %get3A_926 = arith.constant 0 : index
    %get3A_927 = vector.load %arg1[%get3A_925, %get3A_926] : memref<256x512xf32, #tpu.memory_space<vmem>>, vector<1x512xf32>
    %get3A_928 = vector.shape_cast %get3A_927 : vector<1x512xf32> to vector<512xf32>
    %broadcast_in_dim3A_929 = vector.shape_cast %get3A_928 : vector<512xf32> to vector<1x512xf32>
    %mul3A_930 = vector.broadcast %broadcast_in_dim3A_929 : vector<1x512xf32> to vector<16x512xf32>
    %mul3A_931 = arith.mulf %mul3A_930, %get3A_924 : vector<16x512xf32>
    %add3A_932 = arith.addf %add3A_897, %mul3A_931 : vector<16x512xf32>
    %get3A_933 = arith.constant 165 : index
    %get3A_934 = arith.constant 0 : index
    %get3A_935 = vector.load %arg1[%get3A_933, %get3A_934] : memref<256x512xf32, #tpu.memory_space<vmem>>, vector<1x512xf32>
    %get3A_936 = vector.shape_cast %get3A_935 : vector<1x512xf32> to vector<512xf32>
    %broadcast_in_dim3A_937 = vector.shape_cast %get3A_936 : vector<512xf32> to vector<1x512xf32>
    %mul3A_938 = vector.broadcast %broadcast_in_dim3A_937 : vector<1x512xf32> to vector<16x512xf32>
    %mul3A_939 = arith.mulf %mul3A_938, %get3A_924 : vector<16x512xf32>
    %add3A_940 = arith.addf %add3A_905, %mul3A_939 : vector<16x512xf32>
    %get3A_941 = arith.constant 166 : index
    %get3A_942 = arith.constant 0 : index
    %get3A_943 = vector.load %arg1[%get3A_941, %get3A_942] : memref<256x512xf32, #tpu.memory_space<vmem>>, vector<1x512xf32>
    %get3A_944 = vector.shape_cast %get3A_943 : vector<1x512xf32> to vector<512xf32>
    %broadcast_in_dim3A_945 = vector.shape_cast %get3A_944 : vector<512xf32> to vector<1x512xf32>
    %mul3A_946 = vector.broadcast %broadcast_in_dim3A_945 : vector<1x512xf32> to vector<16x512xf32>
    %mul3A_947 = arith.mulf %mul3A_946, %get3A_924 : vector<16x512xf32>
    %add3A_948 = arith.addf %add3A_913, %mul3A_947 : vector<16x512xf32>
    %get3A_949 = arith.constant 167 : index
    %get3A_950 = arith.constant 0 : index
    %get3A_951 = vector.load %arg1[%get3A_949, %get3A_950] : memref<256x512xf32, #tpu.memory_space<vmem>>, vector<1x512xf32>
    %get3A_952 = vector.shape_cast %get3A_951 : vector<1x512xf32> to vector<512xf32>
    %broadcast_in_dim3A_953 = vector.shape_cast %get3A_952 : vector<512xf32> to vector<1x512xf32>
    %mul3A_954 = vector.broadcast %broadcast_in_dim3A_953 : vector<1x512xf32> to vector<16x512xf32>
    %mul3A_955 = arith.mulf %mul3A_954, %get3A_924 : vector<16x512xf32>
    %add3A_956 = arith.addf %add3A_921, %mul3A_955 : vector<16x512xf32>
    %get3A_957 = arith.constant 176 : index
    %get3A_958 = arith.constant 0 : index
    %get3A_959 = vector.load %arg2[%get3A_957, %get3A_958] : memref<256x512xf32, #tpu.memory_space<vmem>>, vector<16x512xf32>
    %get3A_960 = arith.constant 180 : index
    %get3A_961 = arith.constant 0 : index
    %get3A_962 = vector.load %arg1[%get3A_960, %get3A_961] : memref<256x512xf32, #tpu.memory_space<vmem>>, vector<1x512xf32>
    %get3A_963 = vector.shape_cast %get3A_962 : vector<1x512xf32> to vector<512xf32>
    %broadcast_in_dim3A_964 = vector.shape_cast %get3A_963 : vector<512xf32> to vector<1x512xf32>
    %mul3A_965 = vector.broadcast %broadcast_in_dim3A_964 : vector<1x512xf32> to vector<16x512xf32>
    %mul3A_966 = arith.mulf %mul3A_965, %get3A_959 : vector<16x512xf32>
    %add3A_967 = arith.addf %add3A_932, %mul3A_966 : vector<16x512xf32>
    %get3A_968 = arith.constant 181 : index
    %get3A_969 = arith.constant 0 : index
    %get3A_970 = vector.load %arg1[%get3A_968, %get3A_969] : memref<256x512xf32, #tpu.memory_space<vmem>>, vector<1x512xf32>
    %get3A_971 = vector.shape_cast %get3A_970 : vector<1x512xf32> to vector<512xf32>
    %broadcast_in_dim3A_972 = vector.shape_cast %get3A_971 : vector<512xf32> to vector<1x512xf32>
    %mul3A_973 = vector.broadcast %broadcast_in_dim3A_972 : vector<1x512xf32> to vector<16x512xf32>
    %mul3A_974 = arith.mulf %mul3A_973, %get3A_959 : vector<16x512xf32>
    %add3A_975 = arith.addf %add3A_940, %mul3A_974 : vector<16x512xf32>
    %get3A_976 = arith.constant 182 : index
    %get3A_977 = arith.constant 0 : index
    %get3A_978 = vector.load %arg1[%get3A_976, %get3A_977] : memref<256x512xf32, #tpu.memory_space<vmem>>, vector<1x512xf32>
    %get3A_979 = vector.shape_cast %get3A_978 : vector<1x512xf32> to vector<512xf32>
    %broadcast_in_dim3A_980 = vector.shape_cast %get3A_979 : vector<512xf32> to vector<1x512xf32>
    %mul3A_981 = vector.broadcast %broadcast_in_dim3A_980 : vector<1x512xf32> to vector<16x512xf32>
    %mul3A_982 = arith.mulf %mul3A_981, %get3A_959 : vector<16x512xf32>
    %add3A_983 = arith.addf %add3A_948, %mul3A_982 : vector<16x512xf32>
    %get3A_984 = arith.constant 183 : index
    %get3A_985 = arith.constant 0 : index
    %get3A_986 = vector.load %arg1[%get3A_984, %get3A_985] : memref<256x512xf32, #tpu.memory_space<vmem>>, vector<1x512xf32>
    %get3A_987 = vector.shape_cast %get3A_986 : vector<1x512xf32> to vector<512xf32>
    %broadcast_in_dim3A_988 = vector.shape_cast %get3A_987 : vector<512xf32> to vector<1x512xf32>
    %mul3A_989 = vector.broadcast %broadcast_in_dim3A_988 : vector<1x512xf32> to vector<16x512xf32>
    %mul3A_990 = arith.mulf %mul3A_989, %get3A_959 : vector<16x512xf32>
    %add3A_991 = arith.addf %add3A_956, %mul3A_990 : vector<16x512xf32>
    %get3A_992 = arith.constant 192 : index
    %get3A_993 = arith.constant 0 : index
    %get3A_994 = vector.load %arg2[%get3A_992, %get3A_993] : memref<256x512xf32, #tpu.memory_space<vmem>>, vector<16x512xf32>
    %get3A_995 = arith.constant 196 : index
    %get3A_996 = arith.constant 0 : index
    %get3A_997 = vector.load %arg1[%get3A_995, %get3A_996] : memref<256x512xf32, #tpu.memory_space<vmem>>, vector<1x512xf32>
    %get3A_998 = vector.shape_cast %get3A_997 : vector<1x512xf32> to vector<512xf32>
    %broadcast_in_dim3A_999 = vector.shape_cast %get3A_998 : vector<512xf32> to vector<1x512xf32>
    %mul3A_1000 = vector.broadcast %broadcast_in_dim3A_999 : vector<1x512xf32> to vector<16x512xf32>
    %mul3A_1001 = arith.mulf %mul3A_1000, %get3A_994 : vector<16x512xf32>
    %add3A_1002 = arith.addf %add3A_967, %mul3A_1001 : vector<16x512xf32>
    %get3A_1003 = arith.constant 197 : index
    %get3A_1004 = arith.constant 0 : index
    %get3A_1005 = vector.load %arg1[%get3A_1003, %get3A_1004] : memref<256x512xf32, #tpu.memory_space<vmem>>, vector<1x512xf32>
    %get3A_1006 = vector.shape_cast %get3A_1005 : vector<1x512xf32> to vector<512xf32>
    %broadcast_in_dim3A_1007 = vector.shape_cast %get3A_1006 : vector<512xf32> to vector<1x512xf32>
    %mul3A_1008 = vector.broadcast %broadcast_in_dim3A_1007 : vector<1x512xf32> to vector<16x512xf32>
    %mul3A_1009 = arith.mulf %mul3A_1008, %get3A_994 : vector<16x512xf32>
    %add3A_1010 = arith.addf %add3A_975, %mul3A_1009 : vector<16x512xf32>
    %get3A_1011 = arith.constant 198 : index
    %get3A_1012 = arith.constant 0 : index
    %get3A_1013 = vector.load %arg1[%get3A_1011, %get3A_1012] : memref<256x512xf32, #tpu.memory_space<vmem>>, vector<1x512xf32>
    %get3A_1014 = vector.shape_cast %get3A_1013 : vector<1x512xf32> to vector<512xf32>
    %broadcast_in_dim3A_1015 = vector.shape_cast %get3A_1014 : vector<512xf32> to vector<1x512xf32>
    %mul3A_1016 = vector.broadcast %broadcast_in_dim3A_1015 : vector<1x512xf32> to vector<16x512xf32>
    %mul3A_1017 = arith.mulf %mul3A_1016, %get3A_994 : vector<16x512xf32>
    %add3A_1018 = arith.addf %add3A_983, %mul3A_1017 : vector<16x512xf32>
    %get3A_1019 = arith.constant 199 : index
    %get3A_1020 = arith.constant 0 : index
    %get3A_1021 = vector.load %arg1[%get3A_1019, %get3A_1020] : memref<256x512xf32, #tpu.memory_space<vmem>>, vector<1x512xf32>
    %get3A_1022 = vector.shape_cast %get3A_1021 : vector<1x512xf32> to vector<512xf32>
    %broadcast_in_dim3A_1023 = vector.shape_cast %get3A_1022 : vector<512xf32> to vector<1x512xf32>
    %mul3A_1024 = vector.broadcast %broadcast_in_dim3A_1023 : vector<1x512xf32> to vector<16x512xf32>
    %mul3A_1025 = arith.mulf %mul3A_1024, %get3A_994 : vector<16x512xf32>
    %add3A_1026 = arith.addf %add3A_991, %mul3A_1025 : vector<16x512xf32>
    %get3A_1027 = arith.constant 208 : index
    %get3A_1028 = arith.constant 0 : index
    %get3A_1029 = vector.load %arg2[%get3A_1027, %get3A_1028] : memref<256x512xf32, #tpu.memory_space<vmem>>, vector<16x512xf32>
    %get3A_1030 = arith.constant 212 : index
    %get3A_1031 = arith.constant 0 : index
    %get3A_1032 = vector.load %arg1[%get3A_1030, %get3A_1031] : memref<256x512xf32, #tpu.memory_space<vmem>>, vector<1x512xf32>
    %get3A_1033 = vector.shape_cast %get3A_1032 : vector<1x512xf32> to vector<512xf32>
    %broadcast_in_dim3A_1034 = vector.shape_cast %get3A_1033 : vector<512xf32> to vector<1x512xf32>
    %mul3A_1035 = vector.broadcast %broadcast_in_dim3A_1034 : vector<1x512xf32> to vector<16x512xf32>
    %mul3A_1036 = arith.mulf %mul3A_1035, %get3A_1029 : vector<16x512xf32>
    %add3A_1037 = arith.addf %add3A_1002, %mul3A_1036 : vector<16x512xf32>
    %get3A_1038 = arith.constant 213 : index
    %get3A_1039 = arith.constant 0 : index
    %get3A_1040 = vector.load %arg1[%get3A_1038, %get3A_1039] : memref<256x512xf32, #tpu.memory_space<vmem>>, vector<1x512xf32>
    %get3A_1041 = vector.shape_cast %get3A_1040 : vector<1x512xf32> to vector<512xf32>
    %broadcast_in_dim3A_1042 = vector.shape_cast %get3A_1041 : vector<512xf32> to vector<1x512xf32>
    %mul3A_1043 = vector.broadcast %broadcast_in_dim3A_1042 : vector<1x512xf32> to vector<16x512xf32>
    %mul3A_1044 = arith.mulf %mul3A_1043, %get3A_1029 : vector<16x512xf32>
    %add3A_1045 = arith.addf %add3A_1010, %mul3A_1044 : vector<16x512xf32>
    %get3A_1046 = arith.constant 214 : index
    %get3A_1047 = arith.constant 0 : index
    %get3A_1048 = vector.load %arg1[%get3A_1046, %get3A_1047] : memref<256x512xf32, #tpu.memory_space<vmem>>, vector<1x512xf32>
    %get3A_1049 = vector.shape_cast %get3A_1048 : vector<1x512xf32> to vector<512xf32>
    %broadcast_in_dim3A_1050 = vector.shape_cast %get3A_1049 : vector<512xf32> to vector<1x512xf32>
    %mul3A_1051 = vector.broadcast %broadcast_in_dim3A_1050 : vector<1x512xf32> to vector<16x512xf32>
    %mul3A_1052 = arith.mulf %mul3A_1051, %get3A_1029 : vector<16x512xf32>
    %add3A_1053 = arith.addf %add3A_1018, %mul3A_1052 : vector<16x512xf32>
    %get3A_1054 = arith.constant 215 : index
    %get3A_1055 = arith.constant 0 : index
    %get3A_1056 = vector.load %arg1[%get3A_1054, %get3A_1055] : memref<256x512xf32, #tpu.memory_space<vmem>>, vector<1x512xf32>
    %get3A_1057 = vector.shape_cast %get3A_1056 : vector<1x512xf32> to vector<512xf32>
    %broadcast_in_dim3A_1058 = vector.shape_cast %get3A_1057 : vector<512xf32> to vector<1x512xf32>
    %mul3A_1059 = vector.broadcast %broadcast_in_dim3A_1058 : vector<1x512xf32> to vector<16x512xf32>
    %mul3A_1060 = arith.mulf %mul3A_1059, %get3A_1029 : vector<16x512xf32>
    %add3A_1061 = arith.addf %add3A_1026, %mul3A_1060 : vector<16x512xf32>
    %get3A_1062 = arith.constant 224 : index
    %get3A_1063 = arith.constant 0 : index
    %get3A_1064 = vector.load %arg2[%get3A_1062, %get3A_1063] : memref<256x512xf32, #tpu.memory_space<vmem>>, vector<16x512xf32>
    %get3A_1065 = arith.constant 228 : index
    %get3A_1066 = arith.constant 0 : index
    %get3A_1067 = vector.load %arg1[%get3A_1065, %get3A_1066] : memref<256x512xf32, #tpu.memory_space<vmem>>, vector<1x512xf32>
    %get3A_1068 = vector.shape_cast %get3A_1067 : vector<1x512xf32> to vector<512xf32>
    %broadcast_in_dim3A_1069 = vector.shape_cast %get3A_1068 : vector<512xf32> to vector<1x512xf32>
    %mul3A_1070 = vector.broadcast %broadcast_in_dim3A_1069 : vector<1x512xf32> to vector<16x512xf32>
    %mul3A_1071 = arith.mulf %mul3A_1070, %get3A_1064 : vector<16x512xf32>
    %add3A_1072 = arith.addf %add3A_1037, %mul3A_1071 : vector<16x512xf32>
    %get3A_1073 = arith.constant 229 : index
    %get3A_1074 = arith.constant 0 : index
    %get3A_1075 = vector.load %arg1[%get3A_1073, %get3A_1074] : memref<256x512xf32, #tpu.memory_space<vmem>>, vector<1x512xf32>
    %get3A_1076 = vector.shape_cast %get3A_1075 : vector<1x512xf32> to vector<512xf32>
    %broadcast_in_dim3A_1077 = vector.shape_cast %get3A_1076 : vector<512xf32> to vector<1x512xf32>
    %mul3A_1078 = vector.broadcast %broadcast_in_dim3A_1077 : vector<1x512xf32> to vector<16x512xf32>
    %mul3A_1079 = arith.mulf %mul3A_1078, %get3A_1064 : vector<16x512xf32>
    %add3A_1080 = arith.addf %add3A_1045, %mul3A_1079 : vector<16x512xf32>
    %get3A_1081 = arith.constant 230 : index
    %get3A_1082 = arith.constant 0 : index
    %get3A_1083 = vector.load %arg1[%get3A_1081, %get3A_1082] : memref<256x512xf32, #tpu.memory_space<vmem>>, vector<1x512xf32>
    %get3A_1084 = vector.shape_cast %get3A_1083 : vector<1x512xf32> to vector<512xf32>
    %broadcast_in_dim3A_1085 = vector.shape_cast %get3A_1084 : vector<512xf32> to vector<1x512xf32>
    %mul3A_1086 = vector.broadcast %broadcast_in_dim3A_1085 : vector<1x512xf32> to vector<16x512xf32>
    %mul3A_1087 = arith.mulf %mul3A_1086, %get3A_1064 : vector<16x512xf32>
    %add3A_1088 = arith.addf %add3A_1053, %mul3A_1087 : vector<16x512xf32>
    %get3A_1089 = arith.constant 231 : index
    %get3A_1090 = arith.constant 0 : index
    %get3A_1091 = vector.load %arg1[%get3A_1089, %get3A_1090] : memref<256x512xf32, #tpu.memory_space<vmem>>, vector<1x512xf32>
    %get3A_1092 = vector.shape_cast %get3A_1091 : vector<1x512xf32> to vector<512xf32>
    %broadcast_in_dim3A_1093 = vector.shape_cast %get3A_1092 : vector<512xf32> to vector<1x512xf32>
    %mul3A_1094 = vector.broadcast %broadcast_in_dim3A_1093 : vector<1x512xf32> to vector<16x512xf32>
    %mul3A_1095 = arith.mulf %mul3A_1094, %get3A_1064 : vector<16x512xf32>
    %add3A_1096 = arith.addf %add3A_1061, %mul3A_1095 : vector<16x512xf32>
    %get3A_1097 = arith.constant 240 : index
    %get3A_1098 = arith.constant 0 : index
    %get3A_1099 = vector.load %arg2[%get3A_1097, %get3A_1098] : memref<256x512xf32, #tpu.memory_space<vmem>>, vector<16x512xf32>
    %get3A_1100 = arith.constant 244 : index
    %get3A_1101 = arith.constant 0 : index
    %get3A_1102 = vector.load %arg1[%get3A_1100, %get3A_1101] : memref<256x512xf32, #tpu.memory_space<vmem>>, vector<1x512xf32>
    %get3A_1103 = vector.shape_cast %get3A_1102 : vector<1x512xf32> to vector<512xf32>
    %broadcast_in_dim3A_1104 = vector.shape_cast %get3A_1103 : vector<512xf32> to vector<1x512xf32>
    %mul3A_1105 = vector.broadcast %broadcast_in_dim3A_1104 : vector<1x512xf32> to vector<16x512xf32>
    %mul3A_1106 = arith.mulf %mul3A_1105, %get3A_1099 : vector<16x512xf32>
    %add3A_1107 = arith.addf %add3A_1072, %mul3A_1106 : vector<16x512xf32>
    %get3A_1108 = arith.constant 245 : index
    %get3A_1109 = arith.constant 0 : index
    %get3A_1110 = vector.load %arg1[%get3A_1108, %get3A_1109] : memref<256x512xf32, #tpu.memory_space<vmem>>, vector<1x512xf32>
    %get3A_1111 = vector.shape_cast %get3A_1110 : vector<1x512xf32> to vector<512xf32>
    %broadcast_in_dim3A_1112 = vector.shape_cast %get3A_1111 : vector<512xf32> to vector<1x512xf32>
    %mul3A_1113 = vector.broadcast %broadcast_in_dim3A_1112 : vector<1x512xf32> to vector<16x512xf32>
    %mul3A_1114 = arith.mulf %mul3A_1113, %get3A_1099 : vector<16x512xf32>
    %add3A_1115 = arith.addf %add3A_1080, %mul3A_1114 : vector<16x512xf32>
    %get3A_1116 = arith.constant 246 : index
    %get3A_1117 = arith.constant 0 : index
    %get3A_1118 = vector.load %arg1[%get3A_1116, %get3A_1117] : memref<256x512xf32, #tpu.memory_space<vmem>>, vector<1x512xf32>
    %get3A_1119 = vector.shape_cast %get3A_1118 : vector<1x512xf32> to vector<512xf32>
    %broadcast_in_dim3A_1120 = vector.shape_cast %get3A_1119 : vector<512xf32> to vector<1x512xf32>
    %mul3A_1121 = vector.broadcast %broadcast_in_dim3A_1120 : vector<1x512xf32> to vector<16x512xf32>
    %mul3A_1122 = arith.mulf %mul3A_1121, %get3A_1099 : vector<16x512xf32>
    %add3A_1123 = arith.addf %add3A_1088, %mul3A_1122 : vector<16x512xf32>
    %get3A_1124 = arith.constant 247 : index
    %get3A_1125 = arith.constant 0 : index
    %get3A_1126 = vector.load %arg1[%get3A_1124, %get3A_1125] : memref<256x512xf32, #tpu.memory_space<vmem>>, vector<1x512xf32>
    %get3A_1127 = vector.shape_cast %get3A_1126 : vector<1x512xf32> to vector<512xf32>
    %broadcast_in_dim3A_1128 = vector.shape_cast %get3A_1127 : vector<512xf32> to vector<1x512xf32>
    %mul3A_1129 = vector.broadcast %broadcast_in_dim3A_1128 : vector<1x512xf32> to vector<16x512xf32>
    %mul3A_1130 = arith.mulf %mul3A_1129, %get3A_1099 : vector<16x512xf32>
    %add3A_1131 = arith.addf %add3A_1096, %mul3A_1130 : vector<16x512xf32>
    %broadcast_in_dim3A_1132 = arith.constant 0.000000e+00 : f32
    %broadcast_in_dim3A_1133 = vector.broadcast %broadcast_in_dim3A_1132 : f32 to vector<16x512xf32>
    %broadcast_in_dim3A_1134 = arith.constant 0.000000e+00 : f32
    %broadcast_in_dim3A_1135 = vector.broadcast %broadcast_in_dim3A_1134 : f32 to vector<16x512xf32>
    %broadcast_in_dim3A_1136 = arith.constant 0.000000e+00 : f32
    %broadcast_in_dim3A_1137 = vector.broadcast %broadcast_in_dim3A_1136 : f32 to vector<16x512xf32>
    %broadcast_in_dim3A_1138 = arith.constant 0.000000e+00 : f32
    %broadcast_in_dim3A_1139 = vector.broadcast %broadcast_in_dim3A_1138 : f32 to vector<16x512xf32>
    %get3A_1140 = arith.constant 0 : index
    %get3A_1141 = arith.constant 0 : index
    %get3A_1142 = vector.load %arg2[%get3A_1140, %get3A_1141] : memref<256x512xf32, #tpu.memory_space<vmem>>, vector<16x512xf32>
    %get3A_1143 = arith.constant 8 : index
    %get3A_1144 = arith.constant 0 : index
    %get3A_1145 = vector.load %arg1[%get3A_1143, %get3A_1144] : memref<256x512xf32, #tpu.memory_space<vmem>>, vector<1x512xf32>
    %get3A_1146 = vector.shape_cast %get3A_1145 : vector<1x512xf32> to vector<512xf32>
    %broadcast_in_dim3A_1147 = vector.shape_cast %get3A_1146 : vector<512xf32> to vector<1x512xf32>
    %mul3A_1148 = vector.broadcast %broadcast_in_dim3A_1147 : vector<1x512xf32> to vector<16x512xf32>
    %mul3A_1149 = arith.mulf %mul3A_1148, %get3A_1142 : vector<16x512xf32>
    %add3A_1150 = arith.addf %broadcast_in_dim3A_1133, %mul3A_1149 : vector<16x512xf32>
    %get3A_1151 = arith.constant 9 : index
    %get3A_1152 = arith.constant 0 : index
    %get3A_1153 = vector.load %arg1[%get3A_1151, %get3A_1152] : memref<256x512xf32, #tpu.memory_space<vmem>>, vector<1x512xf32>
    %get3A_1154 = vector.shape_cast %get3A_1153 : vector<1x512xf32> to vector<512xf32>
    %broadcast_in_dim3A_1155 = vector.shape_cast %get3A_1154 : vector<512xf32> to vector<1x512xf32>
    %mul3A_1156 = vector.broadcast %broadcast_in_dim3A_1155 : vector<1x512xf32> to vector<16x512xf32>
    %mul3A_1157 = arith.mulf %mul3A_1156, %get3A_1142 : vector<16x512xf32>
    %add3A_1158 = arith.addf %broadcast_in_dim3A_1135, %mul3A_1157 : vector<16x512xf32>
    %get3A_1159 = arith.constant 10 : index
    %get3A_1160 = arith.constant 0 : index
    %get3A_1161 = vector.load %arg1[%get3A_1159, %get3A_1160] : memref<256x512xf32, #tpu.memory_space<vmem>>, vector<1x512xf32>
    %get3A_1162 = vector.shape_cast %get3A_1161 : vector<1x512xf32> to vector<512xf32>
    %broadcast_in_dim3A_1163 = vector.shape_cast %get3A_1162 : vector<512xf32> to vector<1x512xf32>
    %mul3A_1164 = vector.broadcast %broadcast_in_dim3A_1163 : vector<1x512xf32> to vector<16x512xf32>
    %mul3A_1165 = arith.mulf %mul3A_1164, %get3A_1142 : vector<16x512xf32>
    %add3A_1166 = arith.addf %broadcast_in_dim3A_1137, %mul3A_1165 : vector<16x512xf32>
    %get3A_1167 = arith.constant 11 : index
    %get3A_1168 = arith.constant 0 : index
    %get3A_1169 = vector.load %arg1[%get3A_1167, %get3A_1168] : memref<256x512xf32, #tpu.memory_space<vmem>>, vector<1x512xf32>
    %get3A_1170 = vector.shape_cast %get3A_1169 : vector<1x512xf32> to vector<512xf32>
    %broadcast_in_dim3A_1171 = vector.shape_cast %get3A_1170 : vector<512xf32> to vector<1x512xf32>
    %mul3A_1172 = vector.broadcast %broadcast_in_dim3A_1171 : vector<1x512xf32> to vector<16x512xf32>
    %mul3A_1173 = arith.mulf %mul3A_1172, %get3A_1142 : vector<16x512xf32>
    %add3A_1174 = arith.addf %broadcast_in_dim3A_1139, %mul3A_1173 : vector<16x512xf32>
    %get3A_1175 = arith.constant 16 : index
    %get3A_1176 = arith.constant 0 : index
    %get3A_1177 = vector.load %arg2[%get3A_1175, %get3A_1176] : memref<256x512xf32, #tpu.memory_space<vmem>>, vector<16x512xf32>
    %get3A_1178 = arith.constant 24 : index
    %get3A_1179 = arith.constant 0 : index
    %get3A_1180 = vector.load %arg1[%get3A_1178, %get3A_1179] : memref<256x512xf32, #tpu.memory_space<vmem>>, vector<1x512xf32>
    %get3A_1181 = vector.shape_cast %get3A_1180 : vector<1x512xf32> to vector<512xf32>
    %broadcast_in_dim3A_1182 = vector.shape_cast %get3A_1181 : vector<512xf32> to vector<1x512xf32>
    %mul3A_1183 = vector.broadcast %broadcast_in_dim3A_1182 : vector<1x512xf32> to vector<16x512xf32>
    %mul3A_1184 = arith.mulf %mul3A_1183, %get3A_1177 : vector<16x512xf32>
    %add3A_1185 = arith.addf %add3A_1150, %mul3A_1184 : vector<16x512xf32>
    %get3A_1186 = arith.constant 25 : index
    %get3A_1187 = arith.constant 0 : index
    %get3A_1188 = vector.load %arg1[%get3A_1186, %get3A_1187] : memref<256x512xf32, #tpu.memory_space<vmem>>, vector<1x512xf32>
    %get3A_1189 = vector.shape_cast %get3A_1188 : vector<1x512xf32> to vector<512xf32>
    %broadcast_in_dim3A_1190 = vector.shape_cast %get3A_1189 : vector<512xf32> to vector<1x512xf32>
    %mul3A_1191 = vector.broadcast %broadcast_in_dim3A_1190 : vector<1x512xf32> to vector<16x512xf32>
    %mul3A_1192 = arith.mulf %mul3A_1191, %get3A_1177 : vector<16x512xf32>
    %add3A_1193 = arith.addf %add3A_1158, %mul3A_1192 : vector<16x512xf32>
    %get3A_1194 = arith.constant 26 : index
    %get3A_1195 = arith.constant 0 : index
    %get3A_1196 = vector.load %arg1[%get3A_1194, %get3A_1195] : memref<256x512xf32, #tpu.memory_space<vmem>>, vector<1x512xf32>
    %get3A_1197 = vector.shape_cast %get3A_1196 : vector<1x512xf32> to vector<512xf32>
    %broadcast_in_dim3A_1198 = vector.shape_cast %get3A_1197 : vector<512xf32> to vector<1x512xf32>
    %mul3A_1199 = vector.broadcast %broadcast_in_dim3A_1198 : vector<1x512xf32> to vector<16x512xf32>
    %mul3A_1200 = arith.mulf %mul3A_1199, %get3A_1177 : vector<16x512xf32>
    %add3A_1201 = arith.addf %add3A_1166, %mul3A_1200 : vector<16x512xf32>
    %get3A_1202 = arith.constant 27 : index
    %get3A_1203 = arith.constant 0 : index
    %get3A_1204 = vector.load %arg1[%get3A_1202, %get3A_1203] : memref<256x512xf32, #tpu.memory_space<vmem>>, vector<1x512xf32>
    %get3A_1205 = vector.shape_cast %get3A_1204 : vector<1x512xf32> to vector<512xf32>
    %broadcast_in_dim3A_1206 = vector.shape_cast %get3A_1205 : vector<512xf32> to vector<1x512xf32>
    %mul3A_1207 = vector.broadcast %broadcast_in_dim3A_1206 : vector<1x512xf32> to vector<16x512xf32>
    %mul3A_1208 = arith.mulf %mul3A_1207, %get3A_1177 : vector<16x512xf32>
    %add3A_1209 = arith.addf %add3A_1174, %mul3A_1208 : vector<16x512xf32>
    %get3A_1210 = arith.constant 32 : index
    %get3A_1211 = arith.constant 0 : index
    %get3A_1212 = vector.load %arg2[%get3A_1210, %get3A_1211] : memref<256x512xf32, #tpu.memory_space<vmem>>, vector<16x512xf32>
    %get3A_1213 = arith.constant 40 : index
    %get3A_1214 = arith.constant 0 : index
    %get3A_1215 = vector.load %arg1[%get3A_1213, %get3A_1214] : memref<256x512xf32, #tpu.memory_space<vmem>>, vector<1x512xf32>
    %get3A_1216 = vector.shape_cast %get3A_1215 : vector<1x512xf32> to vector<512xf32>
    %broadcast_in_dim3A_1217 = vector.shape_cast %get3A_1216 : vector<512xf32> to vector<1x512xf32>
    %mul3A_1218 = vector.broadcast %broadcast_in_dim3A_1217 : vector<1x512xf32> to vector<16x512xf32>
    %mul3A_1219 = arith.mulf %mul3A_1218, %get3A_1212 : vector<16x512xf32>
    %add3A_1220 = arith.addf %add3A_1185, %mul3A_1219 : vector<16x512xf32>
    %get3A_1221 = arith.constant 41 : index
    %get3A_1222 = arith.constant 0 : index
    %get3A_1223 = vector.load %arg1[%get3A_1221, %get3A_1222] : memref<256x512xf32, #tpu.memory_space<vmem>>, vector<1x512xf32>
    %get3A_1224 = vector.shape_cast %get3A_1223 : vector<1x512xf32> to vector<512xf32>
    %broadcast_in_dim3A_1225 = vector.shape_cast %get3A_1224 : vector<512xf32> to vector<1x512xf32>
    %mul3A_1226 = vector.broadcast %broadcast_in_dim3A_1225 : vector<1x512xf32> to vector<16x512xf32>
    %mul3A_1227 = arith.mulf %mul3A_1226, %get3A_1212 : vector<16x512xf32>
    %add3A_1228 = arith.addf %add3A_1193, %mul3A_1227 : vector<16x512xf32>
    %get3A_1229 = arith.constant 42 : index
    %get3A_1230 = arith.constant 0 : index
    %get3A_1231 = vector.load %arg1[%get3A_1229, %get3A_1230] : memref<256x512xf32, #tpu.memory_space<vmem>>, vector<1x512xf32>
    %get3A_1232 = vector.shape_cast %get3A_1231 : vector<1x512xf32> to vector<512xf32>
    %broadcast_in_dim3A_1233 = vector.shape_cast %get3A_1232 : vector<512xf32> to vector<1x512xf32>
    %mul3A_1234 = vector.broadcast %broadcast_in_dim3A_1233 : vector<1x512xf32> to vector<16x512xf32>
    %mul3A_1235 = arith.mulf %mul3A_1234, %get3A_1212 : vector<16x512xf32>
    %add3A_1236 = arith.addf %add3A_1201, %mul3A_1235 : vector<16x512xf32>
    %get3A_1237 = arith.constant 43 : index
    %get3A_1238 = arith.constant 0 : index
    %get3A_1239 = vector.load %arg1[%get3A_1237, %get3A_1238] : memref<256x512xf32, #tpu.memory_space<vmem>>, vector<1x512xf32>
    %get3A_1240 = vector.shape_cast %get3A_1239 : vector<1x512xf32> to vector<512xf32>
    %broadcast_in_dim3A_1241 = vector.shape_cast %get3A_1240 : vector<512xf32> to vector<1x512xf32>
    %mul3A_1242 = vector.broadcast %broadcast_in_dim3A_1241 : vector<1x512xf32> to vector<16x512xf32>
    %mul3A_1243 = arith.mulf %mul3A_1242, %get3A_1212 : vector<16x512xf32>
    %add3A_1244 = arith.addf %add3A_1209, %mul3A_1243 : vector<16x512xf32>
    %get3A_1245 = arith.constant 48 : index
    %get3A_1246 = arith.constant 0 : index
    %get3A_1247 = vector.load %arg2[%get3A_1245, %get3A_1246] : memref<256x512xf32, #tpu.memory_space<vmem>>, vector<16x512xf32>
    %get3A_1248 = arith.constant 56 : index
    %get3A_1249 = arith.constant 0 : index
    %get3A_1250 = vector.load %arg1[%get3A_1248, %get3A_1249] : memref<256x512xf32, #tpu.memory_space<vmem>>, vector<1x512xf32>
    %get3A_1251 = vector.shape_cast %get3A_1250 : vector<1x512xf32> to vector<512xf32>
    %broadcast_in_dim3A_1252 = vector.shape_cast %get3A_1251 : vector<512xf32> to vector<1x512xf32>
    %mul3A_1253 = vector.broadcast %broadcast_in_dim3A_1252 : vector<1x512xf32> to vector<16x512xf32>
    %mul3A_1254 = arith.mulf %mul3A_1253, %get3A_1247 : vector<16x512xf32>
    %add3A_1255 = arith.addf %add3A_1220, %mul3A_1254 : vector<16x512xf32>
    %get3A_1256 = arith.constant 57 : index
    %get3A_1257 = arith.constant 0 : index
    %get3A_1258 = vector.load %arg1[%get3A_1256, %get3A_1257] : memref<256x512xf32, #tpu.memory_space<vmem>>, vector<1x512xf32>
    %get3A_1259 = vector.shape_cast %get3A_1258 : vector<1x512xf32> to vector<512xf32>
    %broadcast_in_dim3A_1260 = vector.shape_cast %get3A_1259 : vector<512xf32> to vector<1x512xf32>
    %mul3A_1261 = vector.broadcast %broadcast_in_dim3A_1260 : vector<1x512xf32> to vector<16x512xf32>
    %mul3A_1262 = arith.mulf %mul3A_1261, %get3A_1247 : vector<16x512xf32>
    %add3A_1263 = arith.addf %add3A_1228, %mul3A_1262 : vector<16x512xf32>
    %get3A_1264 = arith.constant 58 : index
    %get3A_1265 = arith.constant 0 : index
    %get3A_1266 = vector.load %arg1[%get3A_1264, %get3A_1265] : memref<256x512xf32, #tpu.memory_space<vmem>>, vector<1x512xf32>
    %get3A_1267 = vector.shape_cast %get3A_1266 : vector<1x512xf32> to vector<512xf32>
    %broadcast_in_dim3A_1268 = vector.shape_cast %get3A_1267 : vector<512xf32> to vector<1x512xf32>
    %mul3A_1269 = vector.broadcast %broadcast_in_dim3A_1268 : vector<1x512xf32> to vector<16x512xf32>
    %mul3A_1270 = arith.mulf %mul3A_1269, %get3A_1247 : vector<16x512xf32>
    %add3A_1271 = arith.addf %add3A_1236, %mul3A_1270 : vector<16x512xf32>
    %get3A_1272 = arith.constant 59 : index
    %get3A_1273 = arith.constant 0 : index
    %get3A_1274 = vector.load %arg1[%get3A_1272, %get3A_1273] : memref<256x512xf32, #tpu.memory_space<vmem>>, vector<1x512xf32>
    %get3A_1275 = vector.shape_cast %get3A_1274 : vector<1x512xf32> to vector<512xf32>
    %broadcast_in_dim3A_1276 = vector.shape_cast %get3A_1275 : vector<512xf32> to vector<1x512xf32>
    %mul3A_1277 = vector.broadcast %broadcast_in_dim3A_1276 : vector<1x512xf32> to vector<16x512xf32>
    %mul3A_1278 = arith.mulf %mul3A_1277, %get3A_1247 : vector<16x512xf32>
    %add3A_1279 = arith.addf %add3A_1244, %mul3A_1278 : vector<16x512xf32>
    %get3A_1280 = arith.constant 64 : index
    %get3A_1281 = arith.constant 0 : index
    %get3A_1282 = vector.load %arg2[%get3A_1280, %get3A_1281] : memref<256x512xf32, #tpu.memory_space<vmem>>, vector<16x512xf32>
    %get3A_1283 = arith.constant 72 : index
    %get3A_1284 = arith.constant 0 : index
    %get3A_1285 = vector.load %arg1[%get3A_1283, %get3A_1284] : memref<256x512xf32, #tpu.memory_space<vmem>>, vector<1x512xf32>
    %get3A_1286 = vector.shape_cast %get3A_1285 : vector<1x512xf32> to vector<512xf32>
    %broadcast_in_dim3A_1287 = vector.shape_cast %get3A_1286 : vector<512xf32> to vector<1x512xf32>
    %mul3A_1288 = vector.broadcast %broadcast_in_dim3A_1287 : vector<1x512xf32> to vector<16x512xf32>
    %mul3A_1289 = arith.mulf %mul3A_1288, %get3A_1282 : vector<16x512xf32>
    %add3A_1290 = arith.addf %add3A_1255, %mul3A_1289 : vector<16x512xf32>
    %get3A_1291 = arith.constant 73 : index
    %get3A_1292 = arith.constant 0 : index
    %get3A_1293 = vector.load %arg1[%get3A_1291, %get3A_1292] : memref<256x512xf32, #tpu.memory_space<vmem>>, vector<1x512xf32>
    %get3A_1294 = vector.shape_cast %get3A_1293 : vector<1x512xf32> to vector<512xf32>
    %broadcast_in_dim3A_1295 = vector.shape_cast %get3A_1294 : vector<512xf32> to vector<1x512xf32>
    %mul3A_1296 = vector.broadcast %broadcast_in_dim3A_1295 : vector<1x512xf32> to vector<16x512xf32>
    %mul3A_1297 = arith.mulf %mul3A_1296, %get3A_1282 : vector<16x512xf32>
    %add3A_1298 = arith.addf %add3A_1263, %mul3A_1297 : vector<16x512xf32>
    %get3A_1299 = arith.constant 74 : index
    %get3A_1300 = arith.constant 0 : index
    %get3A_1301 = vector.load %arg1[%get3A_1299, %get3A_1300] : memref<256x512xf32, #tpu.memory_space<vmem>>, vector<1x512xf32>
    %get3A_1302 = vector.shape_cast %get3A_1301 : vector<1x512xf32> to vector<512xf32>
    %broadcast_in_dim3A_1303 = vector.shape_cast %get3A_1302 : vector<512xf32> to vector<1x512xf32>
    %mul3A_1304 = vector.broadcast %broadcast_in_dim3A_1303 : vector<1x512xf32> to vector<16x512xf32>
    %mul3A_1305 = arith.mulf %mul3A_1304, %get3A_1282 : vector<16x512xf32>
    %add3A_1306 = arith.addf %add3A_1271, %mul3A_1305 : vector<16x512xf32>
    %get3A_1307 = arith.constant 75 : index
    %get3A_1308 = arith.constant 0 : index
    %get3A_1309 = vector.load %arg1[%get3A_1307, %get3A_1308] : memref<256x512xf32, #tpu.memory_space<vmem>>, vector<1x512xf32>
    %get3A_1310 = vector.shape_cast %get3A_1309 : vector<1x512xf32> to vector<512xf32>
    %broadcast_in_dim3A_1311 = vector.shape_cast %get3A_1310 : vector<512xf32> to vector<1x512xf32>
    %mul3A_1312 = vector.broadcast %broadcast_in_dim3A_1311 : vector<1x512xf32> to vector<16x512xf32>
    %mul3A_1313 = arith.mulf %mul3A_1312, %get3A_1282 : vector<16x512xf32>
    %add3A_1314 = arith.addf %add3A_1279, %mul3A_1313 : vector<16x512xf32>
    %get3A_1315 = arith.constant 80 : index
    %get3A_1316 = arith.constant 0 : index
    %get3A_1317 = vector.load %arg2[%get3A_1315, %get3A_1316] : memref<256x512xf32, #tpu.memory_space<vmem>>, vector<16x512xf32>
    %get3A_1318 = arith.constant 88 : index
    %get3A_1319 = arith.constant 0 : index
    %get3A_1320 = vector.load %arg1[%get3A_1318, %get3A_1319] : memref<256x512xf32, #tpu.memory_space<vmem>>, vector<1x512xf32>
    %get3A_1321 = vector.shape_cast %get3A_1320 : vector<1x512xf32> to vector<512xf32>
    %broadcast_in_dim3A_1322 = vector.shape_cast %get3A_1321 : vector<512xf32> to vector<1x512xf32>
    %mul3A_1323 = vector.broadcast %broadcast_in_dim3A_1322 : vector<1x512xf32> to vector<16x512xf32>
    %mul3A_1324 = arith.mulf %mul3A_1323, %get3A_1317 : vector<16x512xf32>
    %add3A_1325 = arith.addf %add3A_1290, %mul3A_1324 : vector<16x512xf32>
    %get3A_1326 = arith.constant 89 : index
    %get3A_1327 = arith.constant 0 : index
    %get3A_1328 = vector.load %arg1[%get3A_1326, %get3A_1327] : memref<256x512xf32, #tpu.memory_space<vmem>>, vector<1x512xf32>
    %get3A_1329 = vector.shape_cast %get3A_1328 : vector<1x512xf32> to vector<512xf32>
    %broadcast_in_dim3A_1330 = vector.shape_cast %get3A_1329 : vector<512xf32> to vector<1x512xf32>
    %mul3A_1331 = vector.broadcast %broadcast_in_dim3A_1330 : vector<1x512xf32> to vector<16x512xf32>
    %mul3A_1332 = arith.mulf %mul3A_1331, %get3A_1317 : vector<16x512xf32>
    %add3A_1333 = arith.addf %add3A_1298, %mul3A_1332 : vector<16x512xf32>
    %get3A_1334 = arith.constant 90 : index
    %get3A_1335 = arith.constant 0 : index
    %get3A_1336 = vector.load %arg1[%get3A_1334, %get3A_1335] : memref<256x512xf32, #tpu.memory_space<vmem>>, vector<1x512xf32>
    %get3A_1337 = vector.shape_cast %get3A_1336 : vector<1x512xf32> to vector<512xf32>
    %broadcast_in_dim3A_1338 = vector.shape_cast %get3A_1337 : vector<512xf32> to vector<1x512xf32>
    %mul3A_1339 = vector.broadcast %broadcast_in_dim3A_1338 : vector<1x512xf32> to vector<16x512xf32>
    %mul3A_1340 = arith.mulf %mul3A_1339, %get3A_1317 : vector<16x512xf32>
    %add3A_1341 = arith.addf %add3A_1306, %mul3A_1340 : vector<16x512xf32>
    %get3A_1342 = arith.constant 91 : index
    %get3A_1343 = arith.constant 0 : index
    %get3A_1344 = vector.load %arg1[%get3A_1342, %get3A_1343] : memref<256x512xf32, #tpu.memory_space<vmem>>, vector<1x512xf32>
    %get3A_1345 = vector.shape_cast %get3A_1344 : vector<1x512xf32> to vector<512xf32>
    %broadcast_in_dim3A_1346 = vector.shape_cast %get3A_1345 : vector<512xf32> to vector<1x512xf32>
    %mul3A_1347 = vector.broadcast %broadcast_in_dim3A_1346 : vector<1x512xf32> to vector<16x512xf32>
    %mul3A_1348 = arith.mulf %mul3A_1347, %get3A_1317 : vector<16x512xf32>
    %add3A_1349 = arith.addf %add3A_1314, %mul3A_1348 : vector<16x512xf32>
    %get3A_1350 = arith.constant 96 : index
    %get3A_1351 = arith.constant 0 : index
    %get3A_1352 = vector.load %arg2[%get3A_1350, %get3A_1351] : memref<256x512xf32, #tpu.memory_space<vmem>>, vector<16x512xf32>
    %get3A_1353 = arith.constant 104 : index
    %get3A_1354 = arith.constant 0 : index
    %get3A_1355 = vector.load %arg1[%get3A_1353, %get3A_1354] : memref<256x512xf32, #tpu.memory_space<vmem>>, vector<1x512xf32>
    %get3A_1356 = vector.shape_cast %get3A_1355 : vector<1x512xf32> to vector<512xf32>
    %broadcast_in_dim3A_1357 = vector.shape_cast %get3A_1356 : vector<512xf32> to vector<1x512xf32>
    %mul3A_1358 = vector.broadcast %broadcast_in_dim3A_1357 : vector<1x512xf32> to vector<16x512xf32>
    %mul3A_1359 = arith.mulf %mul3A_1358, %get3A_1352 : vector<16x512xf32>
    %add3A_1360 = arith.addf %add3A_1325, %mul3A_1359 : vector<16x512xf32>
    %get3A_1361 = arith.constant 105 : index
    %get3A_1362 = arith.constant 0 : index
    %get3A_1363 = vector.load %arg1[%get3A_1361, %get3A_1362] : memref<256x512xf32, #tpu.memory_space<vmem>>, vector<1x512xf32>
    %get3A_1364 = vector.shape_cast %get3A_1363 : vector<1x512xf32> to vector<512xf32>
    %broadcast_in_dim3A_1365 = vector.shape_cast %get3A_1364 : vector<512xf32> to vector<1x512xf32>
    %mul3A_1366 = vector.broadcast %broadcast_in_dim3A_1365 : vector<1x512xf32> to vector<16x512xf32>
    %mul3A_1367 = arith.mulf %mul3A_1366, %get3A_1352 : vector<16x512xf32>
    %add3A_1368 = arith.addf %add3A_1333, %mul3A_1367 : vector<16x512xf32>
    %get3A_1369 = arith.constant 106 : index
    %get3A_1370 = arith.constant 0 : index
    %get3A_1371 = vector.load %arg1[%get3A_1369, %get3A_1370] : memref<256x512xf32, #tpu.memory_space<vmem>>, vector<1x512xf32>
    %get3A_1372 = vector.shape_cast %get3A_1371 : vector<1x512xf32> to vector<512xf32>
    %broadcast_in_dim3A_1373 = vector.shape_cast %get3A_1372 : vector<512xf32> to vector<1x512xf32>
    %mul3A_1374 = vector.broadcast %broadcast_in_dim3A_1373 : vector<1x512xf32> to vector<16x512xf32>
    %mul3A_1375 = arith.mulf %mul3A_1374, %get3A_1352 : vector<16x512xf32>
    %add3A_1376 = arith.addf %add3A_1341, %mul3A_1375 : vector<16x512xf32>
    %get3A_1377 = arith.constant 107 : index
    %get3A_1378 = arith.constant 0 : index
    %get3A_1379 = vector.load %arg1[%get3A_1377, %get3A_1378] : memref<256x512xf32, #tpu.memory_space<vmem>>, vector<1x512xf32>
    %get3A_1380 = vector.shape_cast %get3A_1379 : vector<1x512xf32> to vector<512xf32>
    %broadcast_in_dim3A_1381 = vector.shape_cast %get3A_1380 : vector<512xf32> to vector<1x512xf32>
    %mul3A_1382 = vector.broadcast %broadcast_in_dim3A_1381 : vector<1x512xf32> to vector<16x512xf32>
    %mul3A_1383 = arith.mulf %mul3A_1382, %get3A_1352 : vector<16x512xf32>
    %add3A_1384 = arith.addf %add3A_1349, %mul3A_1383 : vector<16x512xf32>
    %get3A_1385 = arith.constant 112 : index
    %get3A_1386 = arith.constant 0 : index
    %get3A_1387 = vector.load %arg2[%get3A_1385, %get3A_1386] : memref<256x512xf32, #tpu.memory_space<vmem>>, vector<16x512xf32>
    %get3A_1388 = arith.constant 120 : index
    %get3A_1389 = arith.constant 0 : index
    %get3A_1390 = vector.load %arg1[%get3A_1388, %get3A_1389] : memref<256x512xf32, #tpu.memory_space<vmem>>, vector<1x512xf32>
    %get3A_1391 = vector.shape_cast %get3A_1390 : vector<1x512xf32> to vector<512xf32>
    %broadcast_in_dim3A_1392 = vector.shape_cast %get3A_1391 : vector<512xf32> to vector<1x512xf32>
    %mul3A_1393 = vector.broadcast %broadcast_in_dim3A_1392 : vector<1x512xf32> to vector<16x512xf32>
    %mul3A_1394 = arith.mulf %mul3A_1393, %get3A_1387 : vector<16x512xf32>
    %add3A_1395 = arith.addf %add3A_1360, %mul3A_1394 : vector<16x512xf32>
    %get3A_1396 = arith.constant 121 : index
    %get3A_1397 = arith.constant 0 : index
    %get3A_1398 = vector.load %arg1[%get3A_1396, %get3A_1397] : memref<256x512xf32, #tpu.memory_space<vmem>>, vector<1x512xf32>
    %get3A_1399 = vector.shape_cast %get3A_1398 : vector<1x512xf32> to vector<512xf32>
    %broadcast_in_dim3A_1400 = vector.shape_cast %get3A_1399 : vector<512xf32> to vector<1x512xf32>
    %mul3A_1401 = vector.broadcast %broadcast_in_dim3A_1400 : vector<1x512xf32> to vector<16x512xf32>
    %mul3A_1402 = arith.mulf %mul3A_1401, %get3A_1387 : vector<16x512xf32>
    %add3A_1403 = arith.addf %add3A_1368, %mul3A_1402 : vector<16x512xf32>
    %get3A_1404 = arith.constant 122 : index
    %get3A_1405 = arith.constant 0 : index
    %get3A_1406 = vector.load %arg1[%get3A_1404, %get3A_1405] : memref<256x512xf32, #tpu.memory_space<vmem>>, vector<1x512xf32>
    %get3A_1407 = vector.shape_cast %get3A_1406 : vector<1x512xf32> to vector<512xf32>
    %broadcast_in_dim3A_1408 = vector.shape_cast %get3A_1407 : vector<512xf32> to vector<1x512xf32>
    %mul3A_1409 = vector.broadcast %broadcast_in_dim3A_1408 : vector<1x512xf32> to vector<16x512xf32>
    %mul3A_1410 = arith.mulf %mul3A_1409, %get3A_1387 : vector<16x512xf32>
    %add3A_1411 = arith.addf %add3A_1376, %mul3A_1410 : vector<16x512xf32>
    %get3A_1412 = arith.constant 123 : index
    %get3A_1413 = arith.constant 0 : index
    %get3A_1414 = vector.load %arg1[%get3A_1412, %get3A_1413] : memref<256x512xf32, #tpu.memory_space<vmem>>, vector<1x512xf32>
    %get3A_1415 = vector.shape_cast %get3A_1414 : vector<1x512xf32> to vector<512xf32>
    %broadcast_in_dim3A_1416 = vector.shape_cast %get3A_1415 : vector<512xf32> to vector<1x512xf32>
    %mul3A_1417 = vector.broadcast %broadcast_in_dim3A_1416 : vector<1x512xf32> to vector<16x512xf32>
    %mul3A_1418 = arith.mulf %mul3A_1417, %get3A_1387 : vector<16x512xf32>
    %add3A_1419 = arith.addf %add3A_1384, %mul3A_1418 : vector<16x512xf32>
    %get3A_1420 = arith.constant 128 : index
    %get3A_1421 = arith.constant 0 : index
    %get3A_1422 = vector.load %arg2[%get3A_1420, %get3A_1421] : memref<256x512xf32, #tpu.memory_space<vmem>>, vector<16x512xf32>
    %get3A_1423 = arith.constant 136 : index
    %get3A_1424 = arith.constant 0 : index
    %get3A_1425 = vector.load %arg1[%get3A_1423, %get3A_1424] : memref<256x512xf32, #tpu.memory_space<vmem>>, vector<1x512xf32>
    %get3A_1426 = vector.shape_cast %get3A_1425 : vector<1x512xf32> to vector<512xf32>
    %broadcast_in_dim3A_1427 = vector.shape_cast %get3A_1426 : vector<512xf32> to vector<1x512xf32>
    %mul3A_1428 = vector.broadcast %broadcast_in_dim3A_1427 : vector<1x512xf32> to vector<16x512xf32>
    %mul3A_1429 = arith.mulf %mul3A_1428, %get3A_1422 : vector<16x512xf32>
    %add3A_1430 = arith.addf %add3A_1395, %mul3A_1429 : vector<16x512xf32>
    %get3A_1431 = arith.constant 137 : index
    %get3A_1432 = arith.constant 0 : index
    %get3A_1433 = vector.load %arg1[%get3A_1431, %get3A_1432] : memref<256x512xf32, #tpu.memory_space<vmem>>, vector<1x512xf32>
    %get3A_1434 = vector.shape_cast %get3A_1433 : vector<1x512xf32> to vector<512xf32>
    %broadcast_in_dim3A_1435 = vector.shape_cast %get3A_1434 : vector<512xf32> to vector<1x512xf32>
    %mul3A_1436 = vector.broadcast %broadcast_in_dim3A_1435 : vector<1x512xf32> to vector<16x512xf32>
    %mul3A_1437 = arith.mulf %mul3A_1436, %get3A_1422 : vector<16x512xf32>
    %add3A_1438 = arith.addf %add3A_1403, %mul3A_1437 : vector<16x512xf32>
    %get3A_1439 = arith.constant 138 : index
    %get3A_1440 = arith.constant 0 : index
    %get3A_1441 = vector.load %arg1[%get3A_1439, %get3A_1440] : memref<256x512xf32, #tpu.memory_space<vmem>>, vector<1x512xf32>
    %get3A_1442 = vector.shape_cast %get3A_1441 : vector<1x512xf32> to vector<512xf32>
    %broadcast_in_dim3A_1443 = vector.shape_cast %get3A_1442 : vector<512xf32> to vector<1x512xf32>
    %mul3A_1444 = vector.broadcast %broadcast_in_dim3A_1443 : vector<1x512xf32> to vector<16x512xf32>
    %mul3A_1445 = arith.mulf %mul3A_1444, %get3A_1422 : vector<16x512xf32>
    %add3A_1446 = arith.addf %add3A_1411, %mul3A_1445 : vector<16x512xf32>
    %get3A_1447 = arith.constant 139 : index
    %get3A_1448 = arith.constant 0 : index
    %get3A_1449 = vector.load %arg1[%get3A_1447, %get3A_1448] : memref<256x512xf32, #tpu.memory_space<vmem>>, vector<1x512xf32>
    %get3A_1450 = vector.shape_cast %get3A_1449 : vector<1x512xf32> to vector<512xf32>
    %broadcast_in_dim3A_1451 = vector.shape_cast %get3A_1450 : vector<512xf32> to vector<1x512xf32>
    %mul3A_1452 = vector.broadcast %broadcast_in_dim3A_1451 : vector<1x512xf32> to vector<16x512xf32>
    %mul3A_1453 = arith.mulf %mul3A_1452, %get3A_1422 : vector<16x512xf32>
    %add3A_1454 = arith.addf %add3A_1419, %mul3A_1453 : vector<16x512xf32>
    %get3A_1455 = arith.constant 144 : index
    %get3A_1456 = arith.constant 0 : index
    %get3A_1457 = vector.load %arg2[%get3A_1455, %get3A_1456] : memref<256x512xf32, #tpu.memory_space<vmem>>, vector<16x512xf32>
    %get3A_1458 = arith.constant 152 : index
    %get3A_1459 = arith.constant 0 : index
    %get3A_1460 = vector.load %arg1[%get3A_1458, %get3A_1459] : memref<256x512xf32, #tpu.memory_space<vmem>>, vector<1x512xf32>
    %get3A_1461 = vector.shape_cast %get3A_1460 : vector<1x512xf32> to vector<512xf32>
    %broadcast_in_dim3A_1462 = vector.shape_cast %get3A_1461 : vector<512xf32> to vector<1x512xf32>
    %mul3A_1463 = vector.broadcast %broadcast_in_dim3A_1462 : vector<1x512xf32> to vector<16x512xf32>
    %mul3A_1464 = arith.mulf %mul3A_1463, %get3A_1457 : vector<16x512xf32>
    %add3A_1465 = arith.addf %add3A_1430, %mul3A_1464 : vector<16x512xf32>
    %get3A_1466 = arith.constant 153 : index
    %get3A_1467 = arith.constant 0 : index
    %get3A_1468 = vector.load %arg1[%get3A_1466, %get3A_1467] : memref<256x512xf32, #tpu.memory_space<vmem>>, vector<1x512xf32>
    %get3A_1469 = vector.shape_cast %get3A_1468 : vector<1x512xf32> to vector<512xf32>
    %broadcast_in_dim3A_1470 = vector.shape_cast %get3A_1469 : vector<512xf32> to vector<1x512xf32>
    %mul3A_1471 = vector.broadcast %broadcast_in_dim3A_1470 : vector<1x512xf32> to vector<16x512xf32>
    %mul3A_1472 = arith.mulf %mul3A_1471, %get3A_1457 : vector<16x512xf32>
    %add3A_1473 = arith.addf %add3A_1438, %mul3A_1472 : vector<16x512xf32>
    %get3A_1474 = arith.constant 154 : index
    %get3A_1475 = arith.constant 0 : index
    %get3A_1476 = vector.load %arg1[%get3A_1474, %get3A_1475] : memref<256x512xf32, #tpu.memory_space<vmem>>, vector<1x512xf32>
    %get3A_1477 = vector.shape_cast %get3A_1476 : vector<1x512xf32> to vector<512xf32>
    %broadcast_in_dim3A_1478 = vector.shape_cast %get3A_1477 : vector<512xf32> to vector<1x512xf32>
    %mul3A_1479 = vector.broadcast %broadcast_in_dim3A_1478 : vector<1x512xf32> to vector<16x512xf32>
    %mul3A_1480 = arith.mulf %mul3A_1479, %get3A_1457 : vector<16x512xf32>
    %add3A_1481 = arith.addf %add3A_1446, %mul3A_1480 : vector<16x512xf32>
    %get3A_1482 = arith.constant 155 : index
    %get3A_1483 = arith.constant 0 : index
    %get3A_1484 = vector.load %arg1[%get3A_1482, %get3A_1483] : memref<256x512xf32, #tpu.memory_space<vmem>>, vector<1x512xf32>
    %get3A_1485 = vector.shape_cast %get3A_1484 : vector<1x512xf32> to vector<512xf32>
    %broadcast_in_dim3A_1486 = vector.shape_cast %get3A_1485 : vector<512xf32> to vector<1x512xf32>
    %mul3A_1487 = vector.broadcast %broadcast_in_dim3A_1486 : vector<1x512xf32> to vector<16x512xf32>
    %mul3A_1488 = arith.mulf %mul3A_1487, %get3A_1457 : vector<16x512xf32>
    %add3A_1489 = arith.addf %add3A_1454, %mul3A_1488 : vector<16x512xf32>
    %get3A_1490 = arith.constant 160 : index
    %get3A_1491 = arith.constant 0 : index
    %get3A_1492 = vector.load %arg2[%get3A_1490, %get3A_1491] : memref<256x512xf32, #tpu.memory_space<vmem>>, vector<16x512xf32>
    %get3A_1493 = arith.constant 168 : index
    %get3A_1494 = arith.constant 0 : index
    %get3A_1495 = vector.load %arg1[%get3A_1493, %get3A_1494] : memref<256x512xf32, #tpu.memory_space<vmem>>, vector<1x512xf32>
    %get3A_1496 = vector.shape_cast %get3A_1495 : vector<1x512xf32> to vector<512xf32>
    %broadcast_in_dim3A_1497 = vector.shape_cast %get3A_1496 : vector<512xf32> to vector<1x512xf32>
    %mul3A_1498 = vector.broadcast %broadcast_in_dim3A_1497 : vector<1x512xf32> to vector<16x512xf32>
    %mul3A_1499 = arith.mulf %mul3A_1498, %get3A_1492 : vector<16x512xf32>
    %add3A_1500 = arith.addf %add3A_1465, %mul3A_1499 : vector<16x512xf32>
    %get3A_1501 = arith.constant 169 : index
    %get3A_1502 = arith.constant 0 : index
    %get3A_1503 = vector.load %arg1[%get3A_1501, %get3A_1502] : memref<256x512xf32, #tpu.memory_space<vmem>>, vector<1x512xf32>
    %get3A_1504 = vector.shape_cast %get3A_1503 : vector<1x512xf32> to vector<512xf32>
    %broadcast_in_dim3A_1505 = vector.shape_cast %get3A_1504 : vector<512xf32> to vector<1x512xf32>
    %mul3A_1506 = vector.broadcast %broadcast_in_dim3A_1505 : vector<1x512xf32> to vector<16x512xf32>
    %mul3A_1507 = arith.mulf %mul3A_1506, %get3A_1492 : vector<16x512xf32>
    %add3A_1508 = arith.addf %add3A_1473, %mul3A_1507 : vector<16x512xf32>
    %get3A_1509 = arith.constant 170 : index
    %get3A_1510 = arith.constant 0 : index
    %get3A_1511 = vector.load %arg1[%get3A_1509, %get3A_1510] : memref<256x512xf32, #tpu.memory_space<vmem>>, vector<1x512xf32>
    %get3A_1512 = vector.shape_cast %get3A_1511 : vector<1x512xf32> to vector<512xf32>
    %broadcast_in_dim3A_1513 = vector.shape_cast %get3A_1512 : vector<512xf32> to vector<1x512xf32>
    %mul3A_1514 = vector.broadcast %broadcast_in_dim3A_1513 : vector<1x512xf32> to vector<16x512xf32>
    %mul3A_1515 = arith.mulf %mul3A_1514, %get3A_1492 : vector<16x512xf32>
    %add3A_1516 = arith.addf %add3A_1481, %mul3A_1515 : vector<16x512xf32>
    %get3A_1517 = arith.constant 171 : index
    %get3A_1518 = arith.constant 0 : index
    %get3A_1519 = vector.load %arg1[%get3A_1517, %get3A_1518] : memref<256x512xf32, #tpu.memory_space<vmem>>, vector<1x512xf32>
    %get3A_1520 = vector.shape_cast %get3A_1519 : vector<1x512xf32> to vector<512xf32>
    %broadcast_in_dim3A_1521 = vector.shape_cast %get3A_1520 : vector<512xf32> to vector<1x512xf32>
    %mul3A_1522 = vector.broadcast %broadcast_in_dim3A_1521 : vector<1x512xf32> to vector<16x512xf32>
    %mul3A_1523 = arith.mulf %mul3A_1522, %get3A_1492 : vector<16x512xf32>
    %add3A_1524 = arith.addf %add3A_1489, %mul3A_1523 : vector<16x512xf32>
    %get3A_1525 = arith.constant 176 : index
    %get3A_1526 = arith.constant 0 : index
    %get3A_1527 = vector.load %arg2[%get3A_1525, %get3A_1526] : memref<256x512xf32, #tpu.memory_space<vmem>>, vector<16x512xf32>
    %get3A_1528 = arith.constant 184 : index
    %get3A_1529 = arith.constant 0 : index
    %get3A_1530 = vector.load %arg1[%get3A_1528, %get3A_1529] : memref<256x512xf32, #tpu.memory_space<vmem>>, vector<1x512xf32>
    %get3A_1531 = vector.shape_cast %get3A_1530 : vector<1x512xf32> to vector<512xf32>
    %broadcast_in_dim3A_1532 = vector.shape_cast %get3A_1531 : vector<512xf32> to vector<1x512xf32>
    %mul3A_1533 = vector.broadcast %broadcast_in_dim3A_1532 : vector<1x512xf32> to vector<16x512xf32>
    %mul3A_1534 = arith.mulf %mul3A_1533, %get3A_1527 : vector<16x512xf32>
    %add3A_1535 = arith.addf %add3A_1500, %mul3A_1534 : vector<16x512xf32>
    %get3A_1536 = arith.constant 185 : index
    %get3A_1537 = arith.constant 0 : index
    %get3A_1538 = vector.load %arg1[%get3A_1536, %get3A_1537] : memref<256x512xf32, #tpu.memory_space<vmem>>, vector<1x512xf32>
    %get3A_1539 = vector.shape_cast %get3A_1538 : vector<1x512xf32> to vector<512xf32>
    %broadcast_in_dim3A_1540 = vector.shape_cast %get3A_1539 : vector<512xf32> to vector<1x512xf32>
    %mul3A_1541 = vector.broadcast %broadcast_in_dim3A_1540 : vector<1x512xf32> to vector<16x512xf32>
    %mul3A_1542 = arith.mulf %mul3A_1541, %get3A_1527 : vector<16x512xf32>
    %add3A_1543 = arith.addf %add3A_1508, %mul3A_1542 : vector<16x512xf32>
    %get3A_1544 = arith.constant 186 : index
    %get3A_1545 = arith.constant 0 : index
    %get3A_1546 = vector.load %arg1[%get3A_1544, %get3A_1545] : memref<256x512xf32, #tpu.memory_space<vmem>>, vector<1x512xf32>
    %get3A_1547 = vector.shape_cast %get3A_1546 : vector<1x512xf32> to vector<512xf32>
    %broadcast_in_dim3A_1548 = vector.shape_cast %get3A_1547 : vector<512xf32> to vector<1x512xf32>
    %mul3A_1549 = vector.broadcast %broadcast_in_dim3A_1548 : vector<1x512xf32> to vector<16x512xf32>
    %mul3A_1550 = arith.mulf %mul3A_1549, %get3A_1527 : vector<16x512xf32>
    %add3A_1551 = arith.addf %add3A_1516, %mul3A_1550 : vector<16x512xf32>
    %get3A_1552 = arith.constant 187 : index
    %get3A_1553 = arith.constant 0 : index
    %get3A_1554 = vector.load %arg1[%get3A_1552, %get3A_1553] : memref<256x512xf32, #tpu.memory_space<vmem>>, vector<1x512xf32>
    %get3A_1555 = vector.shape_cast %get3A_1554 : vector<1x512xf32> to vector<512xf32>
    %broadcast_in_dim3A_1556 = vector.shape_cast %get3A_1555 : vector<512xf32> to vector<1x512xf32>
    %mul3A_1557 = vector.broadcast %broadcast_in_dim3A_1556 : vector<1x512xf32> to vector<16x512xf32>
    %mul3A_1558 = arith.mulf %mul3A_1557, %get3A_1527 : vector<16x512xf32>
    %add3A_1559 = arith.addf %add3A_1524, %mul3A_1558 : vector<16x512xf32>
    %get3A_1560 = arith.constant 192 : index
    %get3A_1561 = arith.constant 0 : index
    %get3A_1562 = vector.load %arg2[%get3A_1560, %get3A_1561] : memref<256x512xf32, #tpu.memory_space<vmem>>, vector<16x512xf32>
    %get3A_1563 = arith.constant 200 : index
    %get3A_1564 = arith.constant 0 : index
    %get3A_1565 = vector.load %arg1[%get3A_1563, %get3A_1564] : memref<256x512xf32, #tpu.memory_space<vmem>>, vector<1x512xf32>
    %get3A_1566 = vector.shape_cast %get3A_1565 : vector<1x512xf32> to vector<512xf32>
    %broadcast_in_dim3A_1567 = vector.shape_cast %get3A_1566 : vector<512xf32> to vector<1x512xf32>
    %mul3A_1568 = vector.broadcast %broadcast_in_dim3A_1567 : vector<1x512xf32> to vector<16x512xf32>
    %mul3A_1569 = arith.mulf %mul3A_1568, %get3A_1562 : vector<16x512xf32>
    %add3A_1570 = arith.addf %add3A_1535, %mul3A_1569 : vector<16x512xf32>
    %get3A_1571 = arith.constant 201 : index
    %get3A_1572 = arith.constant 0 : index
    %get3A_1573 = vector.load %arg1[%get3A_1571, %get3A_1572] : memref<256x512xf32, #tpu.memory_space<vmem>>, vector<1x512xf32>
    %get3A_1574 = vector.shape_cast %get3A_1573 : vector<1x512xf32> to vector<512xf32>
    %broadcast_in_dim3A_1575 = vector.shape_cast %get3A_1574 : vector<512xf32> to vector<1x512xf32>
    %mul3A_1576 = vector.broadcast %broadcast_in_dim3A_1575 : vector<1x512xf32> to vector<16x512xf32>
    %mul3A_1577 = arith.mulf %mul3A_1576, %get3A_1562 : vector<16x512xf32>
    %add3A_1578 = arith.addf %add3A_1543, %mul3A_1577 : vector<16x512xf32>
    %get3A_1579 = arith.constant 202 : index
    %get3A_1580 = arith.constant 0 : index
    %get3A_1581 = vector.load %arg1[%get3A_1579, %get3A_1580] : memref<256x512xf32, #tpu.memory_space<vmem>>, vector<1x512xf32>
    %get3A_1582 = vector.shape_cast %get3A_1581 : vector<1x512xf32> to vector<512xf32>
    %broadcast_in_dim3A_1583 = vector.shape_cast %get3A_1582 : vector<512xf32> to vector<1x512xf32>
    %mul3A_1584 = vector.broadcast %broadcast_in_dim3A_1583 : vector<1x512xf32> to vector<16x512xf32>
    %mul3A_1585 = arith.mulf %mul3A_1584, %get3A_1562 : vector<16x512xf32>
    %add3A_1586 = arith.addf %add3A_1551, %mul3A_1585 : vector<16x512xf32>
    %get3A_1587 = arith.constant 203 : index
    %get3A_1588 = arith.constant 0 : index
    %get3A_1589 = vector.load %arg1[%get3A_1587, %get3A_1588] : memref<256x512xf32, #tpu.memory_space<vmem>>, vector<1x512xf32>
    %get3A_1590 = vector.shape_cast %get3A_1589 : vector<1x512xf32> to vector<512xf32>
    %broadcast_in_dim3A_1591 = vector.shape_cast %get3A_1590 : vector<512xf32> to vector<1x512xf32>
    %mul3A_1592 = vector.broadcast %broadcast_in_dim3A_1591 : vector<1x512xf32> to vector<16x512xf32>
    %mul3A_1593 = arith.mulf %mul3A_1592, %get3A_1562 : vector<16x512xf32>
    %add3A_1594 = arith.addf %add3A_1559, %mul3A_1593 : vector<16x512xf32>
    %get3A_1595 = arith.constant 208 : index
    %get3A_1596 = arith.constant 0 : index
    %get3A_1597 = vector.load %arg2[%get3A_1595, %get3A_1596] : memref<256x512xf32, #tpu.memory_space<vmem>>, vector<16x512xf32>
    %get3A_1598 = arith.constant 216 : index
    %get3A_1599 = arith.constant 0 : index
    %get3A_1600 = vector.load %arg1[%get3A_1598, %get3A_1599] : memref<256x512xf32, #tpu.memory_space<vmem>>, vector<1x512xf32>
    %get3A_1601 = vector.shape_cast %get3A_1600 : vector<1x512xf32> to vector<512xf32>
    %broadcast_in_dim3A_1602 = vector.shape_cast %get3A_1601 : vector<512xf32> to vector<1x512xf32>
    %mul3A_1603 = vector.broadcast %broadcast_in_dim3A_1602 : vector<1x512xf32> to vector<16x512xf32>
    %mul3A_1604 = arith.mulf %mul3A_1603, %get3A_1597 : vector<16x512xf32>
    %add3A_1605 = arith.addf %add3A_1570, %mul3A_1604 : vector<16x512xf32>
    %get3A_1606 = arith.constant 217 : index
    %get3A_1607 = arith.constant 0 : index
    %get3A_1608 = vector.load %arg1[%get3A_1606, %get3A_1607] : memref<256x512xf32, #tpu.memory_space<vmem>>, vector<1x512xf32>
    %get3A_1609 = vector.shape_cast %get3A_1608 : vector<1x512xf32> to vector<512xf32>
    %broadcast_in_dim3A_1610 = vector.shape_cast %get3A_1609 : vector<512xf32> to vector<1x512xf32>
    %mul3A_1611 = vector.broadcast %broadcast_in_dim3A_1610 : vector<1x512xf32> to vector<16x512xf32>
    %mul3A_1612 = arith.mulf %mul3A_1611, %get3A_1597 : vector<16x512xf32>
    %add3A_1613 = arith.addf %add3A_1578, %mul3A_1612 : vector<16x512xf32>
    %get3A_1614 = arith.constant 218 : index
    %get3A_1615 = arith.constant 0 : index
    %get3A_1616 = vector.load %arg1[%get3A_1614, %get3A_1615] : memref<256x512xf32, #tpu.memory_space<vmem>>, vector<1x512xf32>
    %get3A_1617 = vector.shape_cast %get3A_1616 : vector<1x512xf32> to vector<512xf32>
    %broadcast_in_dim3A_1618 = vector.shape_cast %get3A_1617 : vector<512xf32> to vector<1x512xf32>
    %mul3A_1619 = vector.broadcast %broadcast_in_dim3A_1618 : vector<1x512xf32> to vector<16x512xf32>
    %mul3A_1620 = arith.mulf %mul3A_1619, %get3A_1597 : vector<16x512xf32>
    %add3A_1621 = arith.addf %add3A_1586, %mul3A_1620 : vector<16x512xf32>
    %get3A_1622 = arith.constant 219 : index
    %get3A_1623 = arith.constant 0 : index
    %get3A_1624 = vector.load %arg1[%get3A_1622, %get3A_1623] : memref<256x512xf32, #tpu.memory_space<vmem>>, vector<1x512xf32>
    %get3A_1625 = vector.shape_cast %get3A_1624 : vector<1x512xf32> to vector<512xf32>
    %broadcast_in_dim3A_1626 = vector.shape_cast %get3A_1625 : vector<512xf32> to vector<1x512xf32>
    %mul3A_1627 = vector.broadcast %broadcast_in_dim3A_1626 : vector<1x512xf32> to vector<16x512xf32>
    %mul3A_1628 = arith.mulf %mul3A_1627, %get3A_1597 : vector<16x512xf32>
    %add3A_1629 = arith.addf %add3A_1594, %mul3A_1628 : vector<16x512xf32>
    %get3A_1630 = arith.constant 224 : index
    %get3A_1631 = arith.constant 0 : index
    %get3A_1632 = vector.load %arg2[%get3A_1630, %get3A_1631] : memref<256x512xf32, #tpu.memory_space<vmem>>, vector<16x512xf32>
    %get3A_1633 = arith.constant 232 : index
    %get3A_1634 = arith.constant 0 : index
    %get3A_1635 = vector.load %arg1[%get3A_1633, %get3A_1634] : memref<256x512xf32, #tpu.memory_space<vmem>>, vector<1x512xf32>
    %get3A_1636 = vector.shape_cast %get3A_1635 : vector<1x512xf32> to vector<512xf32>
    %broadcast_in_dim3A_1637 = vector.shape_cast %get3A_1636 : vector<512xf32> to vector<1x512xf32>
    %mul3A_1638 = vector.broadcast %broadcast_in_dim3A_1637 : vector<1x512xf32> to vector<16x512xf32>
    %mul3A_1639 = arith.mulf %mul3A_1638, %get3A_1632 : vector<16x512xf32>
    %add3A_1640 = arith.addf %add3A_1605, %mul3A_1639 : vector<16x512xf32>
    %get3A_1641 = arith.constant 233 : index
    %get3A_1642 = arith.constant 0 : index
    %get3A_1643 = vector.load %arg1[%get3A_1641, %get3A_1642] : memref<256x512xf32, #tpu.memory_space<vmem>>, vector<1x512xf32>
    %get3A_1644 = vector.shape_cast %get3A_1643 : vector<1x512xf32> to vector<512xf32>
    %broadcast_in_dim3A_1645 = vector.shape_cast %get3A_1644 : vector<512xf32> to vector<1x512xf32>
    %mul3A_1646 = vector.broadcast %broadcast_in_dim3A_1645 : vector<1x512xf32> to vector<16x512xf32>
    %mul3A_1647 = arith.mulf %mul3A_1646, %get3A_1632 : vector<16x512xf32>
    %add3A_1648 = arith.addf %add3A_1613, %mul3A_1647 : vector<16x512xf32>
    %get3A_1649 = arith.constant 234 : index
    %get3A_1650 = arith.constant 0 : index
    %get3A_1651 = vector.load %arg1[%get3A_1649, %get3A_1650] : memref<256x512xf32, #tpu.memory_space<vmem>>, vector<1x512xf32>
    %get3A_1652 = vector.shape_cast %get3A_1651 : vector<1x512xf32> to vector<512xf32>
    %broadcast_in_dim3A_1653 = vector.shape_cast %get3A_1652 : vector<512xf32> to vector<1x512xf32>
    %mul3A_1654 = vector.broadcast %broadcast_in_dim3A_1653 : vector<1x512xf32> to vector<16x512xf32>
    %mul3A_1655 = arith.mulf %mul3A_1654, %get3A_1632 : vector<16x512xf32>
    %add3A_1656 = arith.addf %add3A_1621, %mul3A_1655 : vector<16x512xf32>
    %get3A_1657 = arith.constant 235 : index
    %get3A_1658 = arith.constant 0 : index
    %get3A_1659 = vector.load %arg1[%get3A_1657, %get3A_1658] : memref<256x512xf32, #tpu.memory_space<vmem>>, vector<1x512xf32>
    %get3A_1660 = vector.shape_cast %get3A_1659 : vector<1x512xf32> to vector<512xf32>
    %broadcast_in_dim3A_1661 = vector.shape_cast %get3A_1660 : vector<512xf32> to vector<1x512xf32>
    %mul3A_1662 = vector.broadcast %broadcast_in_dim3A_1661 : vector<1x512xf32> to vector<16x512xf32>
    %mul3A_1663 = arith.mulf %mul3A_1662, %get3A_1632 : vector<16x512xf32>
    %add3A_1664 = arith.addf %add3A_1629, %mul3A_1663 : vector<16x512xf32>
    %get3A_1665 = arith.constant 240 : index
    %get3A_1666 = arith.constant 0 : index
    %get3A_1667 = vector.load %arg2[%get3A_1665, %get3A_1666] : memref<256x512xf32, #tpu.memory_space<vmem>>, vector<16x512xf32>
    %get3A_1668 = arith.constant 248 : index
    %get3A_1669 = arith.constant 0 : index
    %get3A_1670 = vector.load %arg1[%get3A_1668, %get3A_1669] : memref<256x512xf32, #tpu.memory_space<vmem>>, vector<1x512xf32>
    %get3A_1671 = vector.shape_cast %get3A_1670 : vector<1x512xf32> to vector<512xf32>
    %broadcast_in_dim3A_1672 = vector.shape_cast %get3A_1671 : vector<512xf32> to vector<1x512xf32>
    %mul3A_1673 = vector.broadcast %broadcast_in_dim3A_1672 : vector<1x512xf32> to vector<16x512xf32>
    %mul3A_1674 = arith.mulf %mul3A_1673, %get3A_1667 : vector<16x512xf32>
    %add3A_1675 = arith.addf %add3A_1640, %mul3A_1674 : vector<16x512xf32>
    %get3A_1676 = arith.constant 249 : index
    %get3A_1677 = arith.constant 0 : index
    %get3A_1678 = vector.load %arg1[%get3A_1676, %get3A_1677] : memref<256x512xf32, #tpu.memory_space<vmem>>, vector<1x512xf32>
    %get3A_1679 = vector.shape_cast %get3A_1678 : vector<1x512xf32> to vector<512xf32>
    %broadcast_in_dim3A_1680 = vector.shape_cast %get3A_1679 : vector<512xf32> to vector<1x512xf32>
    %mul3A_1681 = vector.broadcast %broadcast_in_dim3A_1680 : vector<1x512xf32> to vector<16x512xf32>
    %mul3A_1682 = arith.mulf %mul3A_1681, %get3A_1667 : vector<16x512xf32>
    %add3A_1683 = arith.addf %add3A_1648, %mul3A_1682 : vector<16x512xf32>
    %get3A_1684 = arith.constant 250 : index
    %get3A_1685 = arith.constant 0 : index
    %get3A_1686 = vector.load %arg1[%get3A_1684, %get3A_1685] : memref<256x512xf32, #tpu.memory_space<vmem>>, vector<1x512xf32>
    %get3A_1687 = vector.shape_cast %get3A_1686 : vector<1x512xf32> to vector<512xf32>
    %broadcast_in_dim3A_1688 = vector.shape_cast %get3A_1687 : vector<512xf32> to vector<1x512xf32>
    %mul3A_1689 = vector.broadcast %broadcast_in_dim3A_1688 : vector<1x512xf32> to vector<16x512xf32>
    %mul3A_1690 = arith.mulf %mul3A_1689, %get3A_1667 : vector<16x512xf32>
    %add3A_1691 = arith.addf %add3A_1656, %mul3A_1690 : vector<16x512xf32>
    %get3A_1692 = arith.constant 251 : index
    %get3A_1693 = arith.constant 0 : index
    %get3A_1694 = vector.load %arg1[%get3A_1692, %get3A_1693] : memref<256x512xf32, #tpu.memory_space<vmem>>, vector<1x512xf32>
    %get3A_1695 = vector.shape_cast %get3A_1694 : vector<1x512xf32> to vector<512xf32>
    %broadcast_in_dim3A_1696 = vector.shape_cast %get3A_1695 : vector<512xf32> to vector<1x512xf32>
    %mul3A_1697 = vector.broadcast %broadcast_in_dim3A_1696 : vector<1x512xf32> to vector<16x512xf32>
    %mul3A_1698 = arith.mulf %mul3A_1697, %get3A_1667 : vector<16x512xf32>
    %add3A_1699 = arith.addf %add3A_1664, %mul3A_1698 : vector<16x512xf32>
    %broadcast_in_dim3A_1700 = arith.constant 0.000000e+00 : f32
    %broadcast_in_dim3A_1701 = vector.broadcast %broadcast_in_dim3A_1700 : f32 to vector<16x512xf32>
    %broadcast_in_dim3A_1702 = arith.constant 0.000000e+00 : f32
    %broadcast_in_dim3A_1703 = vector.broadcast %broadcast_in_dim3A_1702 : f32 to vector<16x512xf32>
    %broadcast_in_dim3A_1704 = arith.constant 0.000000e+00 : f32
    %broadcast_in_dim3A_1705 = vector.broadcast %broadcast_in_dim3A_1704 : f32 to vector<16x512xf32>
    %broadcast_in_dim3A_1706 = arith.constant 0.000000e+00 : f32
    %broadcast_in_dim3A_1707 = vector.broadcast %broadcast_in_dim3A_1706 : f32 to vector<16x512xf32>
    %get3A_1708 = arith.constant 0 : index
    %get3A_1709 = arith.constant 0 : index
    %get3A_1710 = vector.load %arg2[%get3A_1708, %get3A_1709] : memref<256x512xf32, #tpu.memory_space<vmem>>, vector<16x512xf32>
    %get3A_1711 = arith.constant 12 : index
    %get3A_1712 = arith.constant 0 : index
    %get3A_1713 = vector.load %arg1[%get3A_1711, %get3A_1712] : memref<256x512xf32, #tpu.memory_space<vmem>>, vector<1x512xf32>
    %get3A_1714 = vector.shape_cast %get3A_1713 : vector<1x512xf32> to vector<512xf32>
    %broadcast_in_dim3A_1715 = vector.shape_cast %get3A_1714 : vector<512xf32> to vector<1x512xf32>
    %mul3A_1716 = vector.broadcast %broadcast_in_dim3A_1715 : vector<1x512xf32> to vector<16x512xf32>
    %mul3A_1717 = arith.mulf %mul3A_1716, %get3A_1710 : vector<16x512xf32>
    %add3A_1718 = arith.addf %broadcast_in_dim3A_1701, %mul3A_1717 : vector<16x512xf32>
    %get3A_1719 = arith.constant 13 : index
    %get3A_1720 = arith.constant 0 : index
    %get3A_1721 = vector.load %arg1[%get3A_1719, %get3A_1720] : memref<256x512xf32, #tpu.memory_space<vmem>>, vector<1x512xf32>
    %get3A_1722 = vector.shape_cast %get3A_1721 : vector<1x512xf32> to vector<512xf32>
    %broadcast_in_dim3A_1723 = vector.shape_cast %get3A_1722 : vector<512xf32> to vector<1x512xf32>
    %mul3A_1724 = vector.broadcast %broadcast_in_dim3A_1723 : vector<1x512xf32> to vector<16x512xf32>
    %mul3A_1725 = arith.mulf %mul3A_1724, %get3A_1710 : vector<16x512xf32>
    %add3A_1726 = arith.addf %broadcast_in_dim3A_1703, %mul3A_1725 : vector<16x512xf32>
    %get3A_1727 = arith.constant 14 : index
    %get3A_1728 = arith.constant 0 : index
    %get3A_1729 = vector.load %arg1[%get3A_1727, %get3A_1728] : memref<256x512xf32, #tpu.memory_space<vmem>>, vector<1x512xf32>
    %get3A_1730 = vector.shape_cast %get3A_1729 : vector<1x512xf32> to vector<512xf32>
    %broadcast_in_dim3A_1731 = vector.shape_cast %get3A_1730 : vector<512xf32> to vector<1x512xf32>
    %mul3A_1732 = vector.broadcast %broadcast_in_dim3A_1731 : vector<1x512xf32> to vector<16x512xf32>
    %mul3A_1733 = arith.mulf %mul3A_1732, %get3A_1710 : vector<16x512xf32>
    %add3A_1734 = arith.addf %broadcast_in_dim3A_1705, %mul3A_1733 : vector<16x512xf32>
    %get3A_1735 = arith.constant 15 : index
    %get3A_1736 = arith.constant 0 : index
    %get3A_1737 = vector.load %arg1[%get3A_1735, %get3A_1736] : memref<256x512xf32, #tpu.memory_space<vmem>>, vector<1x512xf32>
    %get3A_1738 = vector.shape_cast %get3A_1737 : vector<1x512xf32> to vector<512xf32>
    %broadcast_in_dim3A_1739 = vector.shape_cast %get3A_1738 : vector<512xf32> to vector<1x512xf32>
    %mul3A_1740 = vector.broadcast %broadcast_in_dim3A_1739 : vector<1x512xf32> to vector<16x512xf32>
    %mul3A_1741 = arith.mulf %mul3A_1740, %get3A_1710 : vector<16x512xf32>
    %add3A_1742 = arith.addf %broadcast_in_dim3A_1707, %mul3A_1741 : vector<16x512xf32>
    %get3A_1743 = arith.constant 16 : index
    %get3A_1744 = arith.constant 0 : index
    %get3A_1745 = vector.load %arg2[%get3A_1743, %get3A_1744] : memref<256x512xf32, #tpu.memory_space<vmem>>, vector<16x512xf32>
    %get3A_1746 = arith.constant 28 : index
    %get3A_1747 = arith.constant 0 : index
    %get3A_1748 = vector.load %arg1[%get3A_1746, %get3A_1747] : memref<256x512xf32, #tpu.memory_space<vmem>>, vector<1x512xf32>
    %get3A_1749 = vector.shape_cast %get3A_1748 : vector<1x512xf32> to vector<512xf32>
    %broadcast_in_dim3A_1750 = vector.shape_cast %get3A_1749 : vector<512xf32> to vector<1x512xf32>
    %mul3A_1751 = vector.broadcast %broadcast_in_dim3A_1750 : vector<1x512xf32> to vector<16x512xf32>
    %mul3A_1752 = arith.mulf %mul3A_1751, %get3A_1745 : vector<16x512xf32>
    %add3A_1753 = arith.addf %add3A_1718, %mul3A_1752 : vector<16x512xf32>
    %get3A_1754 = arith.constant 29 : index
    %get3A_1755 = arith.constant 0 : index
    %get3A_1756 = vector.load %arg1[%get3A_1754, %get3A_1755] : memref<256x512xf32, #tpu.memory_space<vmem>>, vector<1x512xf32>
    %get3A_1757 = vector.shape_cast %get3A_1756 : vector<1x512xf32> to vector<512xf32>
    %broadcast_in_dim3A_1758 = vector.shape_cast %get3A_1757 : vector<512xf32> to vector<1x512xf32>
    %mul3A_1759 = vector.broadcast %broadcast_in_dim3A_1758 : vector<1x512xf32> to vector<16x512xf32>
    %mul3A_1760 = arith.mulf %mul3A_1759, %get3A_1745 : vector<16x512xf32>
    %add3A_1761 = arith.addf %add3A_1726, %mul3A_1760 : vector<16x512xf32>
    %get3A_1762 = arith.constant 30 : index
    %get3A_1763 = arith.constant 0 : index
    %get3A_1764 = vector.load %arg1[%get3A_1762, %get3A_1763] : memref<256x512xf32, #tpu.memory_space<vmem>>, vector<1x512xf32>
    %get3A_1765 = vector.shape_cast %get3A_1764 : vector<1x512xf32> to vector<512xf32>
    %broadcast_in_dim3A_1766 = vector.shape_cast %get3A_1765 : vector<512xf32> to vector<1x512xf32>
    %mul3A_1767 = vector.broadcast %broadcast_in_dim3A_1766 : vector<1x512xf32> to vector<16x512xf32>
    %mul3A_1768 = arith.mulf %mul3A_1767, %get3A_1745 : vector<16x512xf32>
    %add3A_1769 = arith.addf %add3A_1734, %mul3A_1768 : vector<16x512xf32>
    %get3A_1770 = arith.constant 31 : index
    %get3A_1771 = arith.constant 0 : index
    %get3A_1772 = vector.load %arg1[%get3A_1770, %get3A_1771] : memref<256x512xf32, #tpu.memory_space<vmem>>, vector<1x512xf32>
    %get3A_1773 = vector.shape_cast %get3A_1772 : vector<1x512xf32> to vector<512xf32>
    %broadcast_in_dim3A_1774 = vector.shape_cast %get3A_1773 : vector<512xf32> to vector<1x512xf32>
    %mul3A_1775 = vector.broadcast %broadcast_in_dim3A_1774 : vector<1x512xf32> to vector<16x512xf32>
    %mul3A_1776 = arith.mulf %mul3A_1775, %get3A_1745 : vector<16x512xf32>
    %add3A_1777 = arith.addf %add3A_1742, %mul3A_1776 : vector<16x512xf32>
    %get3A_1778 = arith.constant 32 : index
    %get3A_1779 = arith.constant 0 : index
    %get3A_1780 = vector.load %arg2[%get3A_1778, %get3A_1779] : memref<256x512xf32, #tpu.memory_space<vmem>>, vector<16x512xf32>
    %get3A_1781 = arith.constant 44 : index
    %get3A_1782 = arith.constant 0 : index
    %get3A_1783 = vector.load %arg1[%get3A_1781, %get3A_1782] : memref<256x512xf32, #tpu.memory_space<vmem>>, vector<1x512xf32>
    %get3A_1784 = vector.shape_cast %get3A_1783 : vector<1x512xf32> to vector<512xf32>
    %broadcast_in_dim3A_1785 = vector.shape_cast %get3A_1784 : vector<512xf32> to vector<1x512xf32>
    %mul3A_1786 = vector.broadcast %broadcast_in_dim3A_1785 : vector<1x512xf32> to vector<16x512xf32>
    %mul3A_1787 = arith.mulf %mul3A_1786, %get3A_1780 : vector<16x512xf32>
    %add3A_1788 = arith.addf %add3A_1753, %mul3A_1787 : vector<16x512xf32>
    %get3A_1789 = arith.constant 45 : index
    %get3A_1790 = arith.constant 0 : index
    %get3A_1791 = vector.load %arg1[%get3A_1789, %get3A_1790] : memref<256x512xf32, #tpu.memory_space<vmem>>, vector<1x512xf32>
    %get3A_1792 = vector.shape_cast %get3A_1791 : vector<1x512xf32> to vector<512xf32>
    %broadcast_in_dim3A_1793 = vector.shape_cast %get3A_1792 : vector<512xf32> to vector<1x512xf32>
    %mul3A_1794 = vector.broadcast %broadcast_in_dim3A_1793 : vector<1x512xf32> to vector<16x512xf32>
    %mul3A_1795 = arith.mulf %mul3A_1794, %get3A_1780 : vector<16x512xf32>
    %add3A_1796 = arith.addf %add3A_1761, %mul3A_1795 : vector<16x512xf32>
    %get3A_1797 = arith.constant 46 : index
    %get3A_1798 = arith.constant 0 : index
    %get3A_1799 = vector.load %arg1[%get3A_1797, %get3A_1798] : memref<256x512xf32, #tpu.memory_space<vmem>>, vector<1x512xf32>
    %get3A_1800 = vector.shape_cast %get3A_1799 : vector<1x512xf32> to vector<512xf32>
    %broadcast_in_dim3A_1801 = vector.shape_cast %get3A_1800 : vector<512xf32> to vector<1x512xf32>
    %mul3A_1802 = vector.broadcast %broadcast_in_dim3A_1801 : vector<1x512xf32> to vector<16x512xf32>
    %mul3A_1803 = arith.mulf %mul3A_1802, %get3A_1780 : vector<16x512xf32>
    %add3A_1804 = arith.addf %add3A_1769, %mul3A_1803 : vector<16x512xf32>
    %get3A_1805 = arith.constant 47 : index
    %get3A_1806 = arith.constant 0 : index
    %get3A_1807 = vector.load %arg1[%get3A_1805, %get3A_1806] : memref<256x512xf32, #tpu.memory_space<vmem>>, vector<1x512xf32>
    %get3A_1808 = vector.shape_cast %get3A_1807 : vector<1x512xf32> to vector<512xf32>
    %broadcast_in_dim3A_1809 = vector.shape_cast %get3A_1808 : vector<512xf32> to vector<1x512xf32>
    %mul3A_1810 = vector.broadcast %broadcast_in_dim3A_1809 : vector<1x512xf32> to vector<16x512xf32>
    %mul3A_1811 = arith.mulf %mul3A_1810, %get3A_1780 : vector<16x512xf32>
    %add3A_1812 = arith.addf %add3A_1777, %mul3A_1811 : vector<16x512xf32>
    %get3A_1813 = arith.constant 48 : index
    %get3A_1814 = arith.constant 0 : index
    %get3A_1815 = vector.load %arg2[%get3A_1813, %get3A_1814] : memref<256x512xf32, #tpu.memory_space<vmem>>, vector<16x512xf32>
    %get3A_1816 = arith.constant 60 : index
    %get3A_1817 = arith.constant 0 : index
    %get3A_1818 = vector.load %arg1[%get3A_1816, %get3A_1817] : memref<256x512xf32, #tpu.memory_space<vmem>>, vector<1x512xf32>
    %get3A_1819 = vector.shape_cast %get3A_1818 : vector<1x512xf32> to vector<512xf32>
    %broadcast_in_dim3A_1820 = vector.shape_cast %get3A_1819 : vector<512xf32> to vector<1x512xf32>
    %mul3A_1821 = vector.broadcast %broadcast_in_dim3A_1820 : vector<1x512xf32> to vector<16x512xf32>
    %mul3A_1822 = arith.mulf %mul3A_1821, %get3A_1815 : vector<16x512xf32>
    %add3A_1823 = arith.addf %add3A_1788, %mul3A_1822 : vector<16x512xf32>
    %get3A_1824 = arith.constant 61 : index
    %get3A_1825 = arith.constant 0 : index
    %get3A_1826 = vector.load %arg1[%get3A_1824, %get3A_1825] : memref<256x512xf32, #tpu.memory_space<vmem>>, vector<1x512xf32>
    %get3A_1827 = vector.shape_cast %get3A_1826 : vector<1x512xf32> to vector<512xf32>
    %broadcast_in_dim3A_1828 = vector.shape_cast %get3A_1827 : vector<512xf32> to vector<1x512xf32>
    %mul3A_1829 = vector.broadcast %broadcast_in_dim3A_1828 : vector<1x512xf32> to vector<16x512xf32>
    %mul3A_1830 = arith.mulf %mul3A_1829, %get3A_1815 : vector<16x512xf32>
    %add3A_1831 = arith.addf %add3A_1796, %mul3A_1830 : vector<16x512xf32>
    %get3A_1832 = arith.constant 62 : index
    %get3A_1833 = arith.constant 0 : index
    %get3A_1834 = vector.load %arg1[%get3A_1832, %get3A_1833] : memref<256x512xf32, #tpu.memory_space<vmem>>, vector<1x512xf32>
    %get3A_1835 = vector.shape_cast %get3A_1834 : vector<1x512xf32> to vector<512xf32>
    %broadcast_in_dim3A_1836 = vector.shape_cast %get3A_1835 : vector<512xf32> to vector<1x512xf32>
    %mul3A_1837 = vector.broadcast %broadcast_in_dim3A_1836 : vector<1x512xf32> to vector<16x512xf32>
    %mul3A_1838 = arith.mulf %mul3A_1837, %get3A_1815 : vector<16x512xf32>
    %add3A_1839 = arith.addf %add3A_1804, %mul3A_1838 : vector<16x512xf32>
    %get3A_1840 = arith.constant 63 : index
    %get3A_1841 = arith.constant 0 : index
    %get3A_1842 = vector.load %arg1[%get3A_1840, %get3A_1841] : memref<256x512xf32, #tpu.memory_space<vmem>>, vector<1x512xf32>
    %get3A_1843 = vector.shape_cast %get3A_1842 : vector<1x512xf32> to vector<512xf32>
    %broadcast_in_dim3A_1844 = vector.shape_cast %get3A_1843 : vector<512xf32> to vector<1x512xf32>
    %mul3A_1845 = vector.broadcast %broadcast_in_dim3A_1844 : vector<1x512xf32> to vector<16x512xf32>
    %mul3A_1846 = arith.mulf %mul3A_1845, %get3A_1815 : vector<16x512xf32>
    %add3A_1847 = arith.addf %add3A_1812, %mul3A_1846 : vector<16x512xf32>
    %get3A_1848 = arith.constant 64 : index
    %get3A_1849 = arith.constant 0 : index
    %get3A_1850 = vector.load %arg2[%get3A_1848, %get3A_1849] : memref<256x512xf32, #tpu.memory_space<vmem>>, vector<16x512xf32>
    %get3A_1851 = arith.constant 76 : index
    %get3A_1852 = arith.constant 0 : index
    %get3A_1853 = vector.load %arg1[%get3A_1851, %get3A_1852] : memref<256x512xf32, #tpu.memory_space<vmem>>, vector<1x512xf32>
    %get3A_1854 = vector.shape_cast %get3A_1853 : vector<1x512xf32> to vector<512xf32>
    %broadcast_in_dim3A_1855 = vector.shape_cast %get3A_1854 : vector<512xf32> to vector<1x512xf32>
    %mul3A_1856 = vector.broadcast %broadcast_in_dim3A_1855 : vector<1x512xf32> to vector<16x512xf32>
    %mul3A_1857 = arith.mulf %mul3A_1856, %get3A_1850 : vector<16x512xf32>
    %add3A_1858 = arith.addf %add3A_1823, %mul3A_1857 : vector<16x512xf32>
    %get3A_1859 = arith.constant 77 : index
    %get3A_1860 = arith.constant 0 : index
    %get3A_1861 = vector.load %arg1[%get3A_1859, %get3A_1860] : memref<256x512xf32, #tpu.memory_space<vmem>>, vector<1x512xf32>
    %get3A_1862 = vector.shape_cast %get3A_1861 : vector<1x512xf32> to vector<512xf32>
    %broadcast_in_dim3A_1863 = vector.shape_cast %get3A_1862 : vector<512xf32> to vector<1x512xf32>
    %mul3A_1864 = vector.broadcast %broadcast_in_dim3A_1863 : vector<1x512xf32> to vector<16x512xf32>
    %mul3A_1865 = arith.mulf %mul3A_1864, %get3A_1850 : vector<16x512xf32>
    %add3A_1866 = arith.addf %add3A_1831, %mul3A_1865 : vector<16x512xf32>
    %get3A_1867 = arith.constant 78 : index
    %get3A_1868 = arith.constant 0 : index
    %get3A_1869 = vector.load %arg1[%get3A_1867, %get3A_1868] : memref<256x512xf32, #tpu.memory_space<vmem>>, vector<1x512xf32>
    %get3A_1870 = vector.shape_cast %get3A_1869 : vector<1x512xf32> to vector<512xf32>
    %broadcast_in_dim3A_1871 = vector.shape_cast %get3A_1870 : vector<512xf32> to vector<1x512xf32>
    %mul3A_1872 = vector.broadcast %broadcast_in_dim3A_1871 : vector<1x512xf32> to vector<16x512xf32>
    %mul3A_1873 = arith.mulf %mul3A_1872, %get3A_1850 : vector<16x512xf32>
    %add3A_1874 = arith.addf %add3A_1839, %mul3A_1873 : vector<16x512xf32>
    %get3A_1875 = arith.constant 79 : index
    %get3A_1876 = arith.constant 0 : index
    %get3A_1877 = vector.load %arg1[%get3A_1875, %get3A_1876] : memref<256x512xf32, #tpu.memory_space<vmem>>, vector<1x512xf32>
    %get3A_1878 = vector.shape_cast %get3A_1877 : vector<1x512xf32> to vector<512xf32>
    %broadcast_in_dim3A_1879 = vector.shape_cast %get3A_1878 : vector<512xf32> to vector<1x512xf32>
    %mul3A_1880 = vector.broadcast %broadcast_in_dim3A_1879 : vector<1x512xf32> to vector<16x512xf32>
    %mul3A_1881 = arith.mulf %mul3A_1880, %get3A_1850 : vector<16x512xf32>
    %add3A_1882 = arith.addf %add3A_1847, %mul3A_1881 : vector<16x512xf32>
    %get3A_1883 = arith.constant 80 : index
    %get3A_1884 = arith.constant 0 : index
    %get3A_1885 = vector.load %arg2[%get3A_1883, %get3A_1884] : memref<256x512xf32, #tpu.memory_space<vmem>>, vector<16x512xf32>
    %get3A_1886 = arith.constant 92 : index
    %get3A_1887 = arith.constant 0 : index
    %get3A_1888 = vector.load %arg1[%get3A_1886, %get3A_1887] : memref<256x512xf32, #tpu.memory_space<vmem>>, vector<1x512xf32>
    %get3A_1889 = vector.shape_cast %get3A_1888 : vector<1x512xf32> to vector<512xf32>
    %broadcast_in_dim3A_1890 = vector.shape_cast %get3A_1889 : vector<512xf32> to vector<1x512xf32>
    %mul3A_1891 = vector.broadcast %broadcast_in_dim3A_1890 : vector<1x512xf32> to vector<16x512xf32>
    %mul3A_1892 = arith.mulf %mul3A_1891, %get3A_1885 : vector<16x512xf32>
    %add3A_1893 = arith.addf %add3A_1858, %mul3A_1892 : vector<16x512xf32>
    %get3A_1894 = arith.constant 93 : index
    %get3A_1895 = arith.constant 0 : index
    %get3A_1896 = vector.load %arg1[%get3A_1894, %get3A_1895] : memref<256x512xf32, #tpu.memory_space<vmem>>, vector<1x512xf32>
    %get3A_1897 = vector.shape_cast %get3A_1896 : vector<1x512xf32> to vector<512xf32>
    %broadcast_in_dim3A_1898 = vector.shape_cast %get3A_1897 : vector<512xf32> to vector<1x512xf32>
    %mul3A_1899 = vector.broadcast %broadcast_in_dim3A_1898 : vector<1x512xf32> to vector<16x512xf32>
    %mul3A_1900 = arith.mulf %mul3A_1899, %get3A_1885 : vector<16x512xf32>
    %add3A_1901 = arith.addf %add3A_1866, %mul3A_1900 : vector<16x512xf32>
    %get3A_1902 = arith.constant 94 : index
    %get3A_1903 = arith.constant 0 : index
    %get3A_1904 = vector.load %arg1[%get3A_1902, %get3A_1903] : memref<256x512xf32, #tpu.memory_space<vmem>>, vector<1x512xf32>
    %get3A_1905 = vector.shape_cast %get3A_1904 : vector<1x512xf32> to vector<512xf32>
    %broadcast_in_dim3A_1906 = vector.shape_cast %get3A_1905 : vector<512xf32> to vector<1x512xf32>
    %mul3A_1907 = vector.broadcast %broadcast_in_dim3A_1906 : vector<1x512xf32> to vector<16x512xf32>
    %mul3A_1908 = arith.mulf %mul3A_1907, %get3A_1885 : vector<16x512xf32>
    %add3A_1909 = arith.addf %add3A_1874, %mul3A_1908 : vector<16x512xf32>
    %get3A_1910 = arith.constant 95 : index
    %get3A_1911 = arith.constant 0 : index
    %get3A_1912 = vector.load %arg1[%get3A_1910, %get3A_1911] : memref<256x512xf32, #tpu.memory_space<vmem>>, vector<1x512xf32>
    %get3A_1913 = vector.shape_cast %get3A_1912 : vector<1x512xf32> to vector<512xf32>
    %broadcast_in_dim3A_1914 = vector.shape_cast %get3A_1913 : vector<512xf32> to vector<1x512xf32>
    %mul3A_1915 = vector.broadcast %broadcast_in_dim3A_1914 : vector<1x512xf32> to vector<16x512xf32>
    %mul3A_1916 = arith.mulf %mul3A_1915, %get3A_1885 : vector<16x512xf32>
    %add3A_1917 = arith.addf %add3A_1882, %mul3A_1916 : vector<16x512xf32>
    %get3A_1918 = arith.constant 96 : index
    %get3A_1919 = arith.constant 0 : index
    %get3A_1920 = vector.load %arg2[%get3A_1918, %get3A_1919] : memref<256x512xf32, #tpu.memory_space<vmem>>, vector<16x512xf32>
    %get3A_1921 = arith.constant 108 : index
    %get3A_1922 = arith.constant 0 : index
    %get3A_1923 = vector.load %arg1[%get3A_1921, %get3A_1922] : memref<256x512xf32, #tpu.memory_space<vmem>>, vector<1x512xf32>
    %get3A_1924 = vector.shape_cast %get3A_1923 : vector<1x512xf32> to vector<512xf32>
    %broadcast_in_dim3A_1925 = vector.shape_cast %get3A_1924 : vector<512xf32> to vector<1x512xf32>
    %mul3A_1926 = vector.broadcast %broadcast_in_dim3A_1925 : vector<1x512xf32> to vector<16x512xf32>
    %mul3A_1927 = arith.mulf %mul3A_1926, %get3A_1920 : vector<16x512xf32>
    %add3A_1928 = arith.addf %add3A_1893, %mul3A_1927 : vector<16x512xf32>
    %get3A_1929 = arith.constant 109 : index
    %get3A_1930 = arith.constant 0 : index
    %get3A_1931 = vector.load %arg1[%get3A_1929, %get3A_1930] : memref<256x512xf32, #tpu.memory_space<vmem>>, vector<1x512xf32>
    %get3A_1932 = vector.shape_cast %get3A_1931 : vector<1x512xf32> to vector<512xf32>
    %broadcast_in_dim3A_1933 = vector.shape_cast %get3A_1932 : vector<512xf32> to vector<1x512xf32>
    %mul3A_1934 = vector.broadcast %broadcast_in_dim3A_1933 : vector<1x512xf32> to vector<16x512xf32>
    %mul3A_1935 = arith.mulf %mul3A_1934, %get3A_1920 : vector<16x512xf32>
    %add3A_1936 = arith.addf %add3A_1901, %mul3A_1935 : vector<16x512xf32>
    %get3A_1937 = arith.constant 110 : index
    %get3A_1938 = arith.constant 0 : index
    %get3A_1939 = vector.load %arg1[%get3A_1937, %get3A_1938] : memref<256x512xf32, #tpu.memory_space<vmem>>, vector<1x512xf32>
    %get3A_1940 = vector.shape_cast %get3A_1939 : vector<1x512xf32> to vector<512xf32>
    %broadcast_in_dim3A_1941 = vector.shape_cast %get3A_1940 : vector<512xf32> to vector<1x512xf32>
    %mul3A_1942 = vector.broadcast %broadcast_in_dim3A_1941 : vector<1x512xf32> to vector<16x512xf32>
    %mul3A_1943 = arith.mulf %mul3A_1942, %get3A_1920 : vector<16x512xf32>
    %add3A_1944 = arith.addf %add3A_1909, %mul3A_1943 : vector<16x512xf32>
    %get3A_1945 = arith.constant 111 : index
    %get3A_1946 = arith.constant 0 : index
    %get3A_1947 = vector.load %arg1[%get3A_1945, %get3A_1946] : memref<256x512xf32, #tpu.memory_space<vmem>>, vector<1x512xf32>
    %get3A_1948 = vector.shape_cast %get3A_1947 : vector<1x512xf32> to vector<512xf32>
    %broadcast_in_dim3A_1949 = vector.shape_cast %get3A_1948 : vector<512xf32> to vector<1x512xf32>
    %mul3A_1950 = vector.broadcast %broadcast_in_dim3A_1949 : vector<1x512xf32> to vector<16x512xf32>
    %mul3A_1951 = arith.mulf %mul3A_1950, %get3A_1920 : vector<16x512xf32>
    %add3A_1952 = arith.addf %add3A_1917, %mul3A_1951 : vector<16x512xf32>
    %get3A_1953 = arith.constant 112 : index
    %get3A_1954 = arith.constant 0 : index
    %get3A_1955 = vector.load %arg2[%get3A_1953, %get3A_1954] : memref<256x512xf32, #tpu.memory_space<vmem>>, vector<16x512xf32>
    %get3A_1956 = arith.constant 124 : index
    %get3A_1957 = arith.constant 0 : index
    %get3A_1958 = vector.load %arg1[%get3A_1956, %get3A_1957] : memref<256x512xf32, #tpu.memory_space<vmem>>, vector<1x512xf32>
    %get3A_1959 = vector.shape_cast %get3A_1958 : vector<1x512xf32> to vector<512xf32>
    %broadcast_in_dim3A_1960 = vector.shape_cast %get3A_1959 : vector<512xf32> to vector<1x512xf32>
    %mul3A_1961 = vector.broadcast %broadcast_in_dim3A_1960 : vector<1x512xf32> to vector<16x512xf32>
    %mul3A_1962 = arith.mulf %mul3A_1961, %get3A_1955 : vector<16x512xf32>
    %add3A_1963 = arith.addf %add3A_1928, %mul3A_1962 : vector<16x512xf32>
    %get3A_1964 = arith.constant 125 : index
    %get3A_1965 = arith.constant 0 : index
    %get3A_1966 = vector.load %arg1[%get3A_1964, %get3A_1965] : memref<256x512xf32, #tpu.memory_space<vmem>>, vector<1x512xf32>
    %get3A_1967 = vector.shape_cast %get3A_1966 : vector<1x512xf32> to vector<512xf32>
    %broadcast_in_dim3A_1968 = vector.shape_cast %get3A_1967 : vector<512xf32> to vector<1x512xf32>
    %mul3A_1969 = vector.broadcast %broadcast_in_dim3A_1968 : vector<1x512xf32> to vector<16x512xf32>
    %mul3A_1970 = arith.mulf %mul3A_1969, %get3A_1955 : vector<16x512xf32>
    %add3A_1971 = arith.addf %add3A_1936, %mul3A_1970 : vector<16x512xf32>
    %get3A_1972 = arith.constant 126 : index
    %get3A_1973 = arith.constant 0 : index
    %get3A_1974 = vector.load %arg1[%get3A_1972, %get3A_1973] : memref<256x512xf32, #tpu.memory_space<vmem>>, vector<1x512xf32>
    %get3A_1975 = vector.shape_cast %get3A_1974 : vector<1x512xf32> to vector<512xf32>
    %broadcast_in_dim3A_1976 = vector.shape_cast %get3A_1975 : vector<512xf32> to vector<1x512xf32>
    %mul3A_1977 = vector.broadcast %broadcast_in_dim3A_1976 : vector<1x512xf32> to vector<16x512xf32>
    %mul3A_1978 = arith.mulf %mul3A_1977, %get3A_1955 : vector<16x512xf32>
    %add3A_1979 = arith.addf %add3A_1944, %mul3A_1978 : vector<16x512xf32>
    %get3A_1980 = arith.constant 127 : index
    %get3A_1981 = arith.constant 0 : index
    %get3A_1982 = vector.load %arg1[%get3A_1980, %get3A_1981] : memref<256x512xf32, #tpu.memory_space<vmem>>, vector<1x512xf32>
    %get3A_1983 = vector.shape_cast %get3A_1982 : vector<1x512xf32> to vector<512xf32>
    %broadcast_in_dim3A_1984 = vector.shape_cast %get3A_1983 : vector<512xf32> to vector<1x512xf32>
    %mul3A_1985 = vector.broadcast %broadcast_in_dim3A_1984 : vector<1x512xf32> to vector<16x512xf32>
    %mul3A_1986 = arith.mulf %mul3A_1985, %get3A_1955 : vector<16x512xf32>
    %add3A_1987 = arith.addf %add3A_1952, %mul3A_1986 : vector<16x512xf32>
    %get3A_1988 = arith.constant 128 : index
    %get3A_1989 = arith.constant 0 : index
    %get3A_1990 = vector.load %arg2[%get3A_1988, %get3A_1989] : memref<256x512xf32, #tpu.memory_space<vmem>>, vector<16x512xf32>
    %get3A_1991 = arith.constant 140 : index
    %get3A_1992 = arith.constant 0 : index
    %get3A_1993 = vector.load %arg1[%get3A_1991, %get3A_1992] : memref<256x512xf32, #tpu.memory_space<vmem>>, vector<1x512xf32>
    %get3A_1994 = vector.shape_cast %get3A_1993 : vector<1x512xf32> to vector<512xf32>
    %broadcast_in_dim3A_1995 = vector.shape_cast %get3A_1994 : vector<512xf32> to vector<1x512xf32>
    %mul3A_1996 = vector.broadcast %broadcast_in_dim3A_1995 : vector<1x512xf32> to vector<16x512xf32>
    %mul3A_1997 = arith.mulf %mul3A_1996, %get3A_1990 : vector<16x512xf32>
    %add3A_1998 = arith.addf %add3A_1963, %mul3A_1997 : vector<16x512xf32>
    %get3A_1999 = arith.constant 141 : index
    %get3A_2000 = arith.constant 0 : index
    %get3A_2001 = vector.load %arg1[%get3A_1999, %get3A_2000] : memref<256x512xf32, #tpu.memory_space<vmem>>, vector<1x512xf32>
    %get3A_2002 = vector.shape_cast %get3A_2001 : vector<1x512xf32> to vector<512xf32>
    %broadcast_in_dim3A_2003 = vector.shape_cast %get3A_2002 : vector<512xf32> to vector<1x512xf32>
    %mul3A_2004 = vector.broadcast %broadcast_in_dim3A_2003 : vector<1x512xf32> to vector<16x512xf32>
    %mul3A_2005 = arith.mulf %mul3A_2004, %get3A_1990 : vector<16x512xf32>
    %add3A_2006 = arith.addf %add3A_1971, %mul3A_2005 : vector<16x512xf32>
    %get3A_2007 = arith.constant 142 : index
    %get3A_2008 = arith.constant 0 : index
    %get3A_2009 = vector.load %arg1[%get3A_2007, %get3A_2008] : memref<256x512xf32, #tpu.memory_space<vmem>>, vector<1x512xf32>
    %get3A_2010 = vector.shape_cast %get3A_2009 : vector<1x512xf32> to vector<512xf32>
    %broadcast_in_dim3A_2011 = vector.shape_cast %get3A_2010 : vector<512xf32> to vector<1x512xf32>
    %mul3A_2012 = vector.broadcast %broadcast_in_dim3A_2011 : vector<1x512xf32> to vector<16x512xf32>
    %mul3A_2013 = arith.mulf %mul3A_2012, %get3A_1990 : vector<16x512xf32>
    %add3A_2014 = arith.addf %add3A_1979, %mul3A_2013 : vector<16x512xf32>
    %get3A_2015 = arith.constant 143 : index
    %get3A_2016 = arith.constant 0 : index
    %get3A_2017 = vector.load %arg1[%get3A_2015, %get3A_2016] : memref<256x512xf32, #tpu.memory_space<vmem>>, vector<1x512xf32>
    %get3A_2018 = vector.shape_cast %get3A_2017 : vector<1x512xf32> to vector<512xf32>
    %broadcast_in_dim3A_2019 = vector.shape_cast %get3A_2018 : vector<512xf32> to vector<1x512xf32>
    %mul3A_2020 = vector.broadcast %broadcast_in_dim3A_2019 : vector<1x512xf32> to vector<16x512xf32>
    %mul3A_2021 = arith.mulf %mul3A_2020, %get3A_1990 : vector<16x512xf32>
    %add3A_2022 = arith.addf %add3A_1987, %mul3A_2021 : vector<16x512xf32>
    %get3A_2023 = arith.constant 144 : index
    %get3A_2024 = arith.constant 0 : index
    %get3A_2025 = vector.load %arg2[%get3A_2023, %get3A_2024] : memref<256x512xf32, #tpu.memory_space<vmem>>, vector<16x512xf32>
    %get3A_2026 = arith.constant 156 : index
    %get3A_2027 = arith.constant 0 : index
    %get3A_2028 = vector.load %arg1[%get3A_2026, %get3A_2027] : memref<256x512xf32, #tpu.memory_space<vmem>>, vector<1x512xf32>
    %get3A_2029 = vector.shape_cast %get3A_2028 : vector<1x512xf32> to vector<512xf32>
    %broadcast_in_dim3A_2030 = vector.shape_cast %get3A_2029 : vector<512xf32> to vector<1x512xf32>
    %mul3A_2031 = vector.broadcast %broadcast_in_dim3A_2030 : vector<1x512xf32> to vector<16x512xf32>
    %mul3A_2032 = arith.mulf %mul3A_2031, %get3A_2025 : vector<16x512xf32>
    %add3A_2033 = arith.addf %add3A_1998, %mul3A_2032 : vector<16x512xf32>
    %get3A_2034 = arith.constant 157 : index
    %get3A_2035 = arith.constant 0 : index
    %get3A_2036 = vector.load %arg1[%get3A_2034, %get3A_2035] : memref<256x512xf32, #tpu.memory_space<vmem>>, vector<1x512xf32>
    %get3A_2037 = vector.shape_cast %get3A_2036 : vector<1x512xf32> to vector<512xf32>
    %broadcast_in_dim3A_2038 = vector.shape_cast %get3A_2037 : vector<512xf32> to vector<1x512xf32>
    %mul3A_2039 = vector.broadcast %broadcast_in_dim3A_2038 : vector<1x512xf32> to vector<16x512xf32>
    %mul3A_2040 = arith.mulf %mul3A_2039, %get3A_2025 : vector<16x512xf32>
    %add3A_2041 = arith.addf %add3A_2006, %mul3A_2040 : vector<16x512xf32>
    %get3A_2042 = arith.constant 158 : index
    %get3A_2043 = arith.constant 0 : index
    %get3A_2044 = vector.load %arg1[%get3A_2042, %get3A_2043] : memref<256x512xf32, #tpu.memory_space<vmem>>, vector<1x512xf32>
    %get3A_2045 = vector.shape_cast %get3A_2044 : vector<1x512xf32> to vector<512xf32>
    %broadcast_in_dim3A_2046 = vector.shape_cast %get3A_2045 : vector<512xf32> to vector<1x512xf32>
    %mul3A_2047 = vector.broadcast %broadcast_in_dim3A_2046 : vector<1x512xf32> to vector<16x512xf32>
    %mul3A_2048 = arith.mulf %mul3A_2047, %get3A_2025 : vector<16x512xf32>
    %add3A_2049 = arith.addf %add3A_2014, %mul3A_2048 : vector<16x512xf32>
    %get3A_2050 = arith.constant 159 : index
    %get3A_2051 = arith.constant 0 : index
    %get3A_2052 = vector.load %arg1[%get3A_2050, %get3A_2051] : memref<256x512xf32, #tpu.memory_space<vmem>>, vector<1x512xf32>
    %get3A_2053 = vector.shape_cast %get3A_2052 : vector<1x512xf32> to vector<512xf32>
    %broadcast_in_dim3A_2054 = vector.shape_cast %get3A_2053 : vector<512xf32> to vector<1x512xf32>
    %mul3A_2055 = vector.broadcast %broadcast_in_dim3A_2054 : vector<1x512xf32> to vector<16x512xf32>
    %mul3A_2056 = arith.mulf %mul3A_2055, %get3A_2025 : vector<16x512xf32>
    %add3A_2057 = arith.addf %add3A_2022, %mul3A_2056 : vector<16x512xf32>
    %get3A_2058 = arith.constant 160 : index
    %get3A_2059 = arith.constant 0 : index
    %get3A_2060 = vector.load %arg2[%get3A_2058, %get3A_2059] : memref<256x512xf32, #tpu.memory_space<vmem>>, vector<16x512xf32>
    %get3A_2061 = arith.constant 172 : index
    %get3A_2062 = arith.constant 0 : index
    %get3A_2063 = vector.load %arg1[%get3A_2061, %get3A_2062] : memref<256x512xf32, #tpu.memory_space<vmem>>, vector<1x512xf32>
    %get3A_2064 = vector.shape_cast %get3A_2063 : vector<1x512xf32> to vector<512xf32>
    %broadcast_in_dim3A_2065 = vector.shape_cast %get3A_2064 : vector<512xf32> to vector<1x512xf32>
    %mul3A_2066 = vector.broadcast %broadcast_in_dim3A_2065 : vector<1x512xf32> to vector<16x512xf32>
    %mul3A_2067 = arith.mulf %mul3A_2066, %get3A_2060 : vector<16x512xf32>
    %add3A_2068 = arith.addf %add3A_2033, %mul3A_2067 : vector<16x512xf32>
    %get3A_2069 = arith.constant 173 : index
    %get3A_2070 = arith.constant 0 : index
    %get3A_2071 = vector.load %arg1[%get3A_2069, %get3A_2070] : memref<256x512xf32, #tpu.memory_space<vmem>>, vector<1x512xf32>
    %get3A_2072 = vector.shape_cast %get3A_2071 : vector<1x512xf32> to vector<512xf32>
    %broadcast_in_dim3A_2073 = vector.shape_cast %get3A_2072 : vector<512xf32> to vector<1x512xf32>
    %mul3A_2074 = vector.broadcast %broadcast_in_dim3A_2073 : vector<1x512xf32> to vector<16x512xf32>
    %mul3A_2075 = arith.mulf %mul3A_2074, %get3A_2060 : vector<16x512xf32>
    %add3A_2076 = arith.addf %add3A_2041, %mul3A_2075 : vector<16x512xf32>
    %get3A_2077 = arith.constant 174 : index
    %get3A_2078 = arith.constant 0 : index
    %get3A_2079 = vector.load %arg1[%get3A_2077, %get3A_2078] : memref<256x512xf32, #tpu.memory_space<vmem>>, vector<1x512xf32>
    %get3A_2080 = vector.shape_cast %get3A_2079 : vector<1x512xf32> to vector<512xf32>
    %broadcast_in_dim3A_2081 = vector.shape_cast %get3A_2080 : vector<512xf32> to vector<1x512xf32>
    %mul3A_2082 = vector.broadcast %broadcast_in_dim3A_2081 : vector<1x512xf32> to vector<16x512xf32>
    %mul3A_2083 = arith.mulf %mul3A_2082, %get3A_2060 : vector<16x512xf32>
    %add3A_2084 = arith.addf %add3A_2049, %mul3A_2083 : vector<16x512xf32>
    %get3A_2085 = arith.constant 175 : index
    %get3A_2086 = arith.constant 0 : index
    %get3A_2087 = vector.load %arg1[%get3A_2085, %get3A_2086] : memref<256x512xf32, #tpu.memory_space<vmem>>, vector<1x512xf32>
    %get3A_2088 = vector.shape_cast %get3A_2087 : vector<1x512xf32> to vector<512xf32>
    %broadcast_in_dim3A_2089 = vector.shape_cast %get3A_2088 : vector<512xf32> to vector<1x512xf32>
    %mul3A_2090 = vector.broadcast %broadcast_in_dim3A_2089 : vector<1x512xf32> to vector<16x512xf32>
    %mul3A_2091 = arith.mulf %mul3A_2090, %get3A_2060 : vector<16x512xf32>
    %add3A_2092 = arith.addf %add3A_2057, %mul3A_2091 : vector<16x512xf32>
    %get3A_2093 = arith.constant 176 : index
    %get3A_2094 = arith.constant 0 : index
    %get3A_2095 = vector.load %arg2[%get3A_2093, %get3A_2094] : memref<256x512xf32, #tpu.memory_space<vmem>>, vector<16x512xf32>
    %get3A_2096 = arith.constant 188 : index
    %get3A_2097 = arith.constant 0 : index
    %get3A_2098 = vector.load %arg1[%get3A_2096, %get3A_2097] : memref<256x512xf32, #tpu.memory_space<vmem>>, vector<1x512xf32>
    %get3A_2099 = vector.shape_cast %get3A_2098 : vector<1x512xf32> to vector<512xf32>
    %broadcast_in_dim3A_2100 = vector.shape_cast %get3A_2099 : vector<512xf32> to vector<1x512xf32>
    %mul3A_2101 = vector.broadcast %broadcast_in_dim3A_2100 : vector<1x512xf32> to vector<16x512xf32>
    %mul3A_2102 = arith.mulf %mul3A_2101, %get3A_2095 : vector<16x512xf32>
    %add3A_2103 = arith.addf %add3A_2068, %mul3A_2102 : vector<16x512xf32>
    %get3A_2104 = arith.constant 189 : index
    %get3A_2105 = arith.constant 0 : index
    %get3A_2106 = vector.load %arg1[%get3A_2104, %get3A_2105] : memref<256x512xf32, #tpu.memory_space<vmem>>, vector<1x512xf32>
    %get3A_2107 = vector.shape_cast %get3A_2106 : vector<1x512xf32> to vector<512xf32>
    %broadcast_in_dim3A_2108 = vector.shape_cast %get3A_2107 : vector<512xf32> to vector<1x512xf32>
    %mul3A_2109 = vector.broadcast %broadcast_in_dim3A_2108 : vector<1x512xf32> to vector<16x512xf32>
    %mul3A_2110 = arith.mulf %mul3A_2109, %get3A_2095 : vector<16x512xf32>
    %add3A_2111 = arith.addf %add3A_2076, %mul3A_2110 : vector<16x512xf32>
    %get3A_2112 = arith.constant 190 : index
    %get3A_2113 = arith.constant 0 : index
    %get3A_2114 = vector.load %arg1[%get3A_2112, %get3A_2113] : memref<256x512xf32, #tpu.memory_space<vmem>>, vector<1x512xf32>
    %get3A_2115 = vector.shape_cast %get3A_2114 : vector<1x512xf32> to vector<512xf32>
    %broadcast_in_dim3A_2116 = vector.shape_cast %get3A_2115 : vector<512xf32> to vector<1x512xf32>
    %mul3A_2117 = vector.broadcast %broadcast_in_dim3A_2116 : vector<1x512xf32> to vector<16x512xf32>
    %mul3A_2118 = arith.mulf %mul3A_2117, %get3A_2095 : vector<16x512xf32>
    %add3A_2119 = arith.addf %add3A_2084, %mul3A_2118 : vector<16x512xf32>
    %get3A_2120 = arith.constant 191 : index
    %get3A_2121 = arith.constant 0 : index
    %get3A_2122 = vector.load %arg1[%get3A_2120, %get3A_2121] : memref<256x512xf32, #tpu.memory_space<vmem>>, vector<1x512xf32>
    %get3A_2123 = vector.shape_cast %get3A_2122 : vector<1x512xf32> to vector<512xf32>
    %broadcast_in_dim3A_2124 = vector.shape_cast %get3A_2123 : vector<512xf32> to vector<1x512xf32>
    %mul3A_2125 = vector.broadcast %broadcast_in_dim3A_2124 : vector<1x512xf32> to vector<16x512xf32>
    %mul3A_2126 = arith.mulf %mul3A_2125, %get3A_2095 : vector<16x512xf32>
    %add3A_2127 = arith.addf %add3A_2092, %mul3A_2126 : vector<16x512xf32>
    %get3A_2128 = arith.constant 192 : index
    %get3A_2129 = arith.constant 0 : index
    %get3A_2130 = vector.load %arg2[%get3A_2128, %get3A_2129] : memref<256x512xf32, #tpu.memory_space<vmem>>, vector<16x512xf32>
    %get3A_2131 = arith.constant 204 : index
    %get3A_2132 = arith.constant 0 : index
    %get3A_2133 = vector.load %arg1[%get3A_2131, %get3A_2132] : memref<256x512xf32, #tpu.memory_space<vmem>>, vector<1x512xf32>
    %get3A_2134 = vector.shape_cast %get3A_2133 : vector<1x512xf32> to vector<512xf32>
    %broadcast_in_dim3A_2135 = vector.shape_cast %get3A_2134 : vector<512xf32> to vector<1x512xf32>
    %mul3A_2136 = vector.broadcast %broadcast_in_dim3A_2135 : vector<1x512xf32> to vector<16x512xf32>
    %mul3A_2137 = arith.mulf %mul3A_2136, %get3A_2130 : vector<16x512xf32>
    %add3A_2138 = arith.addf %add3A_2103, %mul3A_2137 : vector<16x512xf32>
    %get3A_2139 = arith.constant 205 : index
    %get3A_2140 = arith.constant 0 : index
    %get3A_2141 = vector.load %arg1[%get3A_2139, %get3A_2140] : memref<256x512xf32, #tpu.memory_space<vmem>>, vector<1x512xf32>
    %get3A_2142 = vector.shape_cast %get3A_2141 : vector<1x512xf32> to vector<512xf32>
    %broadcast_in_dim3A_2143 = vector.shape_cast %get3A_2142 : vector<512xf32> to vector<1x512xf32>
    %mul3A_2144 = vector.broadcast %broadcast_in_dim3A_2143 : vector<1x512xf32> to vector<16x512xf32>
    %mul3A_2145 = arith.mulf %mul3A_2144, %get3A_2130 : vector<16x512xf32>
    %add3A_2146 = arith.addf %add3A_2111, %mul3A_2145 : vector<16x512xf32>
    %get3A_2147 = arith.constant 206 : index
    %get3A_2148 = arith.constant 0 : index
    %get3A_2149 = vector.load %arg1[%get3A_2147, %get3A_2148] : memref<256x512xf32, #tpu.memory_space<vmem>>, vector<1x512xf32>
    %get3A_2150 = vector.shape_cast %get3A_2149 : vector<1x512xf32> to vector<512xf32>
    %broadcast_in_dim3A_2151 = vector.shape_cast %get3A_2150 : vector<512xf32> to vector<1x512xf32>
    %mul3A_2152 = vector.broadcast %broadcast_in_dim3A_2151 : vector<1x512xf32> to vector<16x512xf32>
    %mul3A_2153 = arith.mulf %mul3A_2152, %get3A_2130 : vector<16x512xf32>
    %add3A_2154 = arith.addf %add3A_2119, %mul3A_2153 : vector<16x512xf32>
    %get3A_2155 = arith.constant 207 : index
    %get3A_2156 = arith.constant 0 : index
    %get3A_2157 = vector.load %arg1[%get3A_2155, %get3A_2156] : memref<256x512xf32, #tpu.memory_space<vmem>>, vector<1x512xf32>
    %get3A_2158 = vector.shape_cast %get3A_2157 : vector<1x512xf32> to vector<512xf32>
    %broadcast_in_dim3A_2159 = vector.shape_cast %get3A_2158 : vector<512xf32> to vector<1x512xf32>
    %mul3A_2160 = vector.broadcast %broadcast_in_dim3A_2159 : vector<1x512xf32> to vector<16x512xf32>
    %mul3A_2161 = arith.mulf %mul3A_2160, %get3A_2130 : vector<16x512xf32>
    %add3A_2162 = arith.addf %add3A_2127, %mul3A_2161 : vector<16x512xf32>
    %get3A_2163 = arith.constant 208 : index
    %get3A_2164 = arith.constant 0 : index
    %get3A_2165 = vector.load %arg2[%get3A_2163, %get3A_2164] : memref<256x512xf32, #tpu.memory_space<vmem>>, vector<16x512xf32>
    %get3A_2166 = arith.constant 220 : index
    %get3A_2167 = arith.constant 0 : index
    %get3A_2168 = vector.load %arg1[%get3A_2166, %get3A_2167] : memref<256x512xf32, #tpu.memory_space<vmem>>, vector<1x512xf32>
    %get3A_2169 = vector.shape_cast %get3A_2168 : vector<1x512xf32> to vector<512xf32>
    %broadcast_in_dim3A_2170 = vector.shape_cast %get3A_2169 : vector<512xf32> to vector<1x512xf32>
    %mul3A_2171 = vector.broadcast %broadcast_in_dim3A_2170 : vector<1x512xf32> to vector<16x512xf32>
    %mul3A_2172 = arith.mulf %mul3A_2171, %get3A_2165 : vector<16x512xf32>
    %add3A_2173 = arith.addf %add3A_2138, %mul3A_2172 : vector<16x512xf32>
    %get3A_2174 = arith.constant 221 : index
    %get3A_2175 = arith.constant 0 : index
    %get3A_2176 = vector.load %arg1[%get3A_2174, %get3A_2175] : memref<256x512xf32, #tpu.memory_space<vmem>>, vector<1x512xf32>
    %get3A_2177 = vector.shape_cast %get3A_2176 : vector<1x512xf32> to vector<512xf32>
    %broadcast_in_dim3A_2178 = vector.shape_cast %get3A_2177 : vector<512xf32> to vector<1x512xf32>
    %mul3A_2179 = vector.broadcast %broadcast_in_dim3A_2178 : vector<1x512xf32> to vector<16x512xf32>
    %mul3A_2180 = arith.mulf %mul3A_2179, %get3A_2165 : vector<16x512xf32>
    %add3A_2181 = arith.addf %add3A_2146, %mul3A_2180 : vector<16x512xf32>
    %get3A_2182 = arith.constant 222 : index
    %get3A_2183 = arith.constant 0 : index
    %get3A_2184 = vector.load %arg1[%get3A_2182, %get3A_2183] : memref<256x512xf32, #tpu.memory_space<vmem>>, vector<1x512xf32>
    %get3A_2185 = vector.shape_cast %get3A_2184 : vector<1x512xf32> to vector<512xf32>
    %broadcast_in_dim3A_2186 = vector.shape_cast %get3A_2185 : vector<512xf32> to vector<1x512xf32>
    %mul3A_2187 = vector.broadcast %broadcast_in_dim3A_2186 : vector<1x512xf32> to vector<16x512xf32>
    %mul3A_2188 = arith.mulf %mul3A_2187, %get3A_2165 : vector<16x512xf32>
    %add3A_2189 = arith.addf %add3A_2154, %mul3A_2188 : vector<16x512xf32>
    %get3A_2190 = arith.constant 223 : index
    %get3A_2191 = arith.constant 0 : index
    %get3A_2192 = vector.load %arg1[%get3A_2190, %get3A_2191] : memref<256x512xf32, #tpu.memory_space<vmem>>, vector<1x512xf32>
    %get3A_2193 = vector.shape_cast %get3A_2192 : vector<1x512xf32> to vector<512xf32>
    %broadcast_in_dim3A_2194 = vector.shape_cast %get3A_2193 : vector<512xf32> to vector<1x512xf32>
    %mul3A_2195 = vector.broadcast %broadcast_in_dim3A_2194 : vector<1x512xf32> to vector<16x512xf32>
    %mul3A_2196 = arith.mulf %mul3A_2195, %get3A_2165 : vector<16x512xf32>
    %add3A_2197 = arith.addf %add3A_2162, %mul3A_2196 : vector<16x512xf32>
    %get3A_2198 = arith.constant 224 : index
    %get3A_2199 = arith.constant 0 : index
    %get3A_2200 = vector.load %arg2[%get3A_2198, %get3A_2199] : memref<256x512xf32, #tpu.memory_space<vmem>>, vector<16x512xf32>
    %get3A_2201 = arith.constant 236 : index
    %get3A_2202 = arith.constant 0 : index
    %get3A_2203 = vector.load %arg1[%get3A_2201, %get3A_2202] : memref<256x512xf32, #tpu.memory_space<vmem>>, vector<1x512xf32>
    %get3A_2204 = vector.shape_cast %get3A_2203 : vector<1x512xf32> to vector<512xf32>
    %broadcast_in_dim3A_2205 = vector.shape_cast %get3A_2204 : vector<512xf32> to vector<1x512xf32>
    %mul3A_2206 = vector.broadcast %broadcast_in_dim3A_2205 : vector<1x512xf32> to vector<16x512xf32>
    %mul3A_2207 = arith.mulf %mul3A_2206, %get3A_2200 : vector<16x512xf32>
    %add3A_2208 = arith.addf %add3A_2173, %mul3A_2207 : vector<16x512xf32>
    %get3A_2209 = arith.constant 237 : index
    %get3A_2210 = arith.constant 0 : index
    %get3A_2211 = vector.load %arg1[%get3A_2209, %get3A_2210] : memref<256x512xf32, #tpu.memory_space<vmem>>, vector<1x512xf32>
    %get3A_2212 = vector.shape_cast %get3A_2211 : vector<1x512xf32> to vector<512xf32>
    %broadcast_in_dim3A_2213 = vector.shape_cast %get3A_2212 : vector<512xf32> to vector<1x512xf32>
    %mul3A_2214 = vector.broadcast %broadcast_in_dim3A_2213 : vector<1x512xf32> to vector<16x512xf32>
    %mul3A_2215 = arith.mulf %mul3A_2214, %get3A_2200 : vector<16x512xf32>
    %add3A_2216 = arith.addf %add3A_2181, %mul3A_2215 : vector<16x512xf32>
    %get3A_2217 = arith.constant 238 : index
    %get3A_2218 = arith.constant 0 : index
    %get3A_2219 = vector.load %arg1[%get3A_2217, %get3A_2218] : memref<256x512xf32, #tpu.memory_space<vmem>>, vector<1x512xf32>
    %get3A_2220 = vector.shape_cast %get3A_2219 : vector<1x512xf32> to vector<512xf32>
    %broadcast_in_dim3A_2221 = vector.shape_cast %get3A_2220 : vector<512xf32> to vector<1x512xf32>
    %mul3A_2222 = vector.broadcast %broadcast_in_dim3A_2221 : vector<1x512xf32> to vector<16x512xf32>
    %mul3A_2223 = arith.mulf %mul3A_2222, %get3A_2200 : vector<16x512xf32>
    %add3A_2224 = arith.addf %add3A_2189, %mul3A_2223 : vector<16x512xf32>
    %get3A_2225 = arith.constant 239 : index
    %get3A_2226 = arith.constant 0 : index
    %get3A_2227 = vector.load %arg1[%get3A_2225, %get3A_2226] : memref<256x512xf32, #tpu.memory_space<vmem>>, vector<1x512xf32>
    %get3A_2228 = vector.shape_cast %get3A_2227 : vector<1x512xf32> to vector<512xf32>
    %broadcast_in_dim3A_2229 = vector.shape_cast %get3A_2228 : vector<512xf32> to vector<1x512xf32>
    %mul3A_2230 = vector.broadcast %broadcast_in_dim3A_2229 : vector<1x512xf32> to vector<16x512xf32>
    %mul3A_2231 = arith.mulf %mul3A_2230, %get3A_2200 : vector<16x512xf32>
    %add3A_2232 = arith.addf %add3A_2197, %mul3A_2231 : vector<16x512xf32>
    %get3A_2233 = arith.constant 240 : index
    %get3A_2234 = arith.constant 0 : index
    %get3A_2235 = vector.load %arg2[%get3A_2233, %get3A_2234] : memref<256x512xf32, #tpu.memory_space<vmem>>, vector<16x512xf32>
    %get3A_2236 = arith.constant 252 : index
    %get3A_2237 = arith.constant 0 : index
    %get3A_2238 = vector.load %arg1[%get3A_2236, %get3A_2237] : memref<256x512xf32, #tpu.memory_space<vmem>>, vector<1x512xf32>
    %get3A_2239 = vector.shape_cast %get3A_2238 : vector<1x512xf32> to vector<512xf32>
    %broadcast_in_dim3A_2240 = vector.shape_cast %get3A_2239 : vector<512xf32> to vector<1x512xf32>
    %mul3A_2241 = vector.broadcast %broadcast_in_dim3A_2240 : vector<1x512xf32> to vector<16x512xf32>
    %mul3A_2242 = arith.mulf %mul3A_2241, %get3A_2235 : vector<16x512xf32>
    %add3A_2243 = arith.addf %add3A_2208, %mul3A_2242 : vector<16x512xf32>
    %get3A_2244 = arith.constant 253 : index
    %get3A_2245 = arith.constant 0 : index
    %get3A_2246 = vector.load %arg1[%get3A_2244, %get3A_2245] : memref<256x512xf32, #tpu.memory_space<vmem>>, vector<1x512xf32>
    %get3A_2247 = vector.shape_cast %get3A_2246 : vector<1x512xf32> to vector<512xf32>
    %broadcast_in_dim3A_2248 = vector.shape_cast %get3A_2247 : vector<512xf32> to vector<1x512xf32>
    %mul3A_2249 = vector.broadcast %broadcast_in_dim3A_2248 : vector<1x512xf32> to vector<16x512xf32>
    %mul3A_2250 = arith.mulf %mul3A_2249, %get3A_2235 : vector<16x512xf32>
    %add3A_2251 = arith.addf %add3A_2216, %mul3A_2250 : vector<16x512xf32>
    %get3A_2252 = arith.constant 254 : index
    %get3A_2253 = arith.constant 0 : index
    %get3A_2254 = vector.load %arg1[%get3A_2252, %get3A_2253] : memref<256x512xf32, #tpu.memory_space<vmem>>, vector<1x512xf32>
    %get3A_2255 = vector.shape_cast %get3A_2254 : vector<1x512xf32> to vector<512xf32>
    %broadcast_in_dim3A_2256 = vector.shape_cast %get3A_2255 : vector<512xf32> to vector<1x512xf32>
    %mul3A_2257 = vector.broadcast %broadcast_in_dim3A_2256 : vector<1x512xf32> to vector<16x512xf32>
    %mul3A_2258 = arith.mulf %mul3A_2257, %get3A_2235 : vector<16x512xf32>
    %add3A_2259 = arith.addf %add3A_2224, %mul3A_2258 : vector<16x512xf32>
    %get3A_2260 = arith.constant 255 : index
    %get3A_2261 = arith.constant 0 : index
    %get3A_2262 = vector.load %arg1[%get3A_2260, %get3A_2261] : memref<256x512xf32, #tpu.memory_space<vmem>>, vector<1x512xf32>
    %get3A_2263 = vector.shape_cast %get3A_2262 : vector<1x512xf32> to vector<512xf32>
    %broadcast_in_dim3A_2264 = vector.shape_cast %get3A_2263 : vector<512xf32> to vector<1x512xf32>
    %mul3A_2265 = vector.broadcast %broadcast_in_dim3A_2264 : vector<1x512xf32> to vector<16x512xf32>
    %mul3A_2266 = arith.mulf %mul3A_2265, %get3A_2235 : vector<16x512xf32>
    %add3A_2267 = arith.addf %add3A_2232, %mul3A_2266 : vector<16x512xf32>
    %concatenate3A = tpu.concatenate %add3A_539, %add3A_547, %add3A_555, %add3A_563, %add3A_1107, %add3A_1115, %add3A_1123, %add3A_1131, %add3A_1675, %add3A_1683, %add3A_1691, %add3A_1699, %add3A_2243, %add3A_2251, %add3A_2259, %add3A_2267 in 0 : vector<16x512xf32>, vector<16x512xf32>, vector<16x512xf32>, vector<16x512xf32>, vector<16x512xf32>, vector<16x512xf32>, vector<16x512xf32>, vector<16x512xf32>, vector<16x512xf32>, vector<16x512xf32>, vector<16x512xf32>, vector<16x512xf32>, vector<16x512xf32>, vector<16x512xf32>, vector<16x512xf32>, vector<16x512xf32> -> vector<256x512xf32>
    %get3A_2268 = arith.constant 0 : index
    %get3A_2269 = arith.constant 0 : index
    %get3A_2270 = vector.load %arg3[%get3A_2268, %get3A_2269] : memref<64x256xf32, #tpu.memory_space<vmem>>, vector<64x256xf32>
    %dot_general3A = arith.constant dense<0.000000e+00> : vector<64x512xf32>
    %dot_general3A_2271 = tpu.matmul %get3A_2270, %concatenate3A, %dot_general3A {dimension_numbers = #tpu.dot_dimension_numbers<[1], [0], [0], [1], [0, 0, 1, 1], [], []>, transpose_lhs_hint = false} : vector<64x256xf32>, vector<256x512xf32>, vector<64x512xf32> -> vector<64x512xf32>
    %get3A_2272 = arith.constant 0 : index
    %get3A_2273 = arith.constant 0 : index
    %get3A_2274 = vector.load %arg4[%get3A_2272, %get3A_2273] : memref<64x512xf32, #tpu.memory_space<vmem>>, vector<64x512xf32>
    %add3A_2275 = arith.addf %dot_general3A_2271, %get3A_2274 : vector<64x512xf32>
    %swap3A = arith.constant 0 : index
    %swap3A_2276 = arith.constant 0 : index
    %swap3A_2277 = vector.load %arg5[%swap3A, %swap3A_2276] : memref<64x512xf32, #tpu.memory_space<vmem>>, vector<64x512xf32>
    tpu.vector_store %arg5[%swap3A, %swap3A_2276], %add3A_2275 {strides = array<i32>} : memref<64x512xf32, #tpu.memory_space<vmem>>, vector<64x512xf32>,
    return
  }
  func.func @transform_0(%arg0: i32) -> (i32, i32) {
    %c0_i32 = arith.constant 0 : i32
    %c0_i32_0 = arith.constant 0 : i32
    return %c0_i32, %arg0 : i32, i32
  }
  func.func @transform_1(%arg0: i32) -> (i32, i32) {
    %c0_i32 = arith.constant 0 : i32
    %c0_i32_0 = arith.constant 0 : i32
    return %c0_i32, %arg0 : i32, i32
  }
  func.func @transform_2(%arg0: i32) -> (i32, i32) {
    %c0_i32 = arith.constant 0 : i32
    %c0_i32_0 = arith.constant 0 : i32
    %c0_i32_1 = arith.constant 0 : i32
    return %c0_i32, %c0_i32_0 : i32, i32
  }
  func.func @transform_3(%arg0: i32) -> (i32, i32) {
    %c0_i32 = arith.constant 0 : i32
    %c0_i32_0 = arith.constant 0 : i32
    %c0_i32_1 = arith.constant 0 : i32
    return %c0_i32, %c0_i32_0 : i32, i32
  }
  func.func @transform_4(%arg0: i32) -> (i32, i32) {
    %c0_i32 = arith.constant 0 : i32
    %c0_i32_0 = arith.constant 0 : i32
    return %c0_i32, %arg0 : i32, i32
  }
}

</mosaic_0001>

<sc_bundles>
// kernel: kernel.4.cloned.1.call-start
scs
__scs_entry_jumppad:
0x0: {  	(pc) =	sbr.rel $0x88, $3  }
0x1: {  	(tag) =	ssettag $0x0;
	lr =	simm.s32 $0x1  }
0x2: {  	[smem:$0x3F9C] =	sst lr;
	_ =	strace $0xD0000000  }
0x3: {  	_ = 	snop  }
0x4: {  	_ = 	snop  }
0x5: {  	_ = 	snop  }
0x6: {  	_ = 	snop  }
0x7: {  	_ = 	snop  }
__scs_overlays_trampoline_lowered:
0x8: {  	[smem:$0x3FAB] =	sst s0  }
0x9: {  	[smem:$0x3FAC] =	sst s1  }
0xa: {  	[smem:$0x3FAD] =	sst s2  }
0xb: {  	[smem:$0x3FAE] =	sst s3  }
0xc: {  	[smem:$0x3FAF] =	sst s4  }
0xd: {  	[smem:$0x3FB0] =	sst s5  }
0xe: {  	[smem:$0x3FB1] =	sst s6  }
0xf: {  	[smem:$0x3FB2] =	sst s7  }
0x10: {  	[smem:$0x3FB3] =	sst s8  }
0x11: {  	[smem:$0x3FB4] =	sst s9;
	s0 =	simm.s32 @!p0 $0x0  }
0x12: {  	s1 =	sld [smem:$0x3F9A];
	s0 =	simm.s32 @p0 $0x1  }
0x13: {  	[smem:$0x3FB5] =	sst s0;
	s0 =	simm.s32 @!p1 $0x0  }
0x14: {  	s2 =	sld [smem:$0x3F99];
	s0 =	simm.s32 @p1 $0x1  }
0x15: {  	[smem:$0x3FB6] =	sst s0;
	s0 =	simm.s32 @!p2 $0x0  }
0x16: {  	s3 =	sld [smem:$0x3FDB];
	s0 =	simm.s32 @p2 $0x1  }
0x17: {  	s4 =	simm.s32 $0x1BF5;
	[smem:$0x3FB8] =	sst s0  }
0x18: {  	s0 =	sld [smem:$0x3F9B];
	_ =	swait.ge [sflag:s4], $0x0  }
0x19: {  	s7 =	sld [smem:$0x3F9C]  }
0x1a: {  	s8 =	sadd.s32 $0xFFFFE003, lr  }
0x1b: {  	s9 =	sadd.s32 $0xFFFFFEF7, lr;
	s5 =	simm.s32 $0xFFFFFFFF;
	p2 =	slt.u32 s8, $0xFFFFF086  }
0x1c: {  	p1 =	slt.u32 s9, $0xF7A;
	s5 =	simm.s32 @!p2 $0x0  }
0x1d: {  	s5 =	simm.s32 @p1 $0x1;
	p0 =	seq.s32 s7, s2  }
0x1e: {  	s7 =	smul.u32 @!p0 $0xF7A, s2;
	p2 =	seq.s32 @!p0 s5, $0x0  }
0x1f: {  	s9 =	smul.u32 $0xF7A, s1;
	s8 =	simm.s32 @!p0 $0x1BF5;
	p2 =	por !p2, p0  }
0x20: {  	[sflag:s8] =	ssyncset.s32 @!p0 $0xFFFFF086;
	s6 =	sadd.s32 @!p0 s3, s7;
	s7 =	simm.s32 @!p0 $0x108  }
0x21: {  	s3 =	sadd.s32 s3, s9;
	s6 =	sadd.s32 @!p0 $0x88, s6;
	s7 =	simm.s32 @p2 $0x1082  }
0x22: {  	[simem:s7], [sflag:s8] =	dma.local @!p0 [hbm:s6], $0xF7A  }
0x23: {  	s9 =	sor.u32 $0xD0000000, s2;
	s6 =	simm.s32 $0x108;
	_ =	swait.ge @!p0 [sflag:s8], $0x0  }
0x24: {  	s3 =	sadd.s32 $0x88, s3;
	s6 =	simm.s32 @!p1 $0x1082;
	[sflag:s4] =	ssyncset.s32 $0xFFFFF086  }
0x25: {  	[simem:s6], [sflag:s4] =	dma.local [hbm:s3], $0xF7A  }
0x26: {  	[smem:$0x3F9C] =	sst s1;
	(tag) =	ssettag s2;
	_ =	strace s9  }
0x27: {  	s1 =	sld [smem:$0x3FAC]  }
0x28: {  	s2 =	sld [smem:$0x3FAD]  }
0x29: {  	s4 =	sld [smem:$0x3FAF]  }
0x2a: {  	p0 =	seq.s32 s5, $0x0;
	s5 =	sld [smem:$0x3FB0]  }
0x2b: {  	s6 =	sld [smem:$0x3FB1]  }
0x2c: {  	s7 =	sld [smem:$0x3FB2]  }
0x2d: {  	s3 =	simm.s32 $0x108;
	s8 =	sld [smem:$0x3FB3]  }
0x2e: {  	s3 =	simm.s32 @!p0 $0x1082;
	s9 =	sld [smem:$0x3FB4]  }
0x2f: {  	lr =	sadd.s32 s0, s3;
	s0 =	sld [smem:$0x3FAB]  }
0x30: {  	s3 =	sld [smem:$0x3FAE]  }
0x31: {  	[smem:$0x3FB7] =	sst s10  }
0x32: {  	s10 =	sld [smem:$0x3FB5];
	_ =	sdelay $0x3  }
0x33: {  	p0 =	seq.s32 s10, $0x1;
	s10 =	sld [smem:$0x3FB7];
	_ =	sdelay $0x3  }
0x34: {  	[smem:$0x3FB7] =	sst s10  }
0x35: {  	s10 =	sld [smem:$0x3FB6];
	_ =	sdelay $0x3  }
0x36: {  	p1 =	seq.s32 s10, $0x1;
	s10 =	sld [smem:$0x3FB7];
	_ =	sdelay $0x3  }
0x37: {  	[smem:$0x3FB7] =	sst s10  }
0x38: {  	s10 =	sld [smem:$0x3FB8]  }
0x39: {  	_ = 	snop;
	(pc) =	sbr.ind lr, $3  }
0x3a: {  	_ = 	snop  }
0x3b: {  	_ = 	snop  }
0x3c: {  	p2 =	seq.s32 s10, $0x1;
	s10 =	sld [smem:$0x3FB7]  }
0x3d: {  	_ =	shalt  }
0x3e: {  	_ =	shalt  }
0x3f: {  	_ =	shalt  }
0x40: {  	_ =	shalt  }
0x41: {  	_ =	shalt  }
0x42: {  	_ =	shalt  }
0x43: {  	_ =	shalt  }
0x44: {  	_ =	shalt  }
0x45: {  	_ =	shalt  }
0x46: {  	_ =	shalt  }
0x47: {  	_ =	shalt  }
0x48: {  	_ =	shalt  }
0x49: {  	_ =	shalt  }
0x4a: {  	_ =	shalt  }
0x4b: {  	_ =	shalt  }
0x4c: {  	_ =	shalt  }
0x4d: {  	_ =	shalt  }
0x4e: {  	_ =	shalt  }
0x4f: {  	_ =	shalt  }
0x50: {  	_ =	shalt  }
0x51: {  	_ =	shalt  }
0x52: {  	_ =	shalt  }
0x53: {  	_ =	shalt  }
0x54: {  	_ =	shalt  }
0x55: {  	_ =	shalt  }
0x56: {  	_ =	shalt  }
0x57: {  	_ =	shalt  }
0x58: {  	_ =	shalt  }
0x59: {  	_ =	shalt  }
0x5a: {  	_ =	shalt  }
0x5b: {  	_ =	shalt  }
0x5c: {  	_ =	shalt  }
0x5d: {  	_ =	shalt  }
0x5e: {  	_ =	shalt  }
0x5f: {  	_ =	shalt  }
0x60: {  	_ =	shalt  }
0x61: {  	_ =	shalt  }
0x62: {  	_ =	shalt  }
0x63: {  	_ =	shalt  }
0x64: {  	_ =	shalt  }
0x65: {  	_ =	shalt  }
0x66: {  	_ =	shalt  }
0x67: {  	_ =	shalt  }
0x68: {  	_ =	shalt  }
0x69: {  	_ =	shalt  }
0x6a: {  	_ =	shalt  }
0x6b: {  	_ =	shalt  }
0x6c: {  	_ =	shalt  }
0x6d: {  	_ =	shalt  }
0x6e: {  	_ =	shalt  }
0x6f: {  	_ =	shalt  }
0x70: {  	_ =	shalt  }
0x71: {  	_ =	shalt  }
0x72: {  	_ =	shalt  }
0x73: {  	_ =	shalt  }
0x74: {  	_ =	shalt  }
0x75: {  	_ =	shalt  }
0x76: {  	_ =	shalt  }
0x77: {  	_ =	shalt  }
0x78: {  	_ =	shalt  }
0x79: {  	_ =	shalt  }
0x7a: {  	_ =	shalt  }
0x7b: {  	_ =	shalt  }
0x7c: {  	_ =	shalt  }
0x7d: {  	_ =	shalt  }
0x7e: {  	_ =	shalt  }
0x7f: {  	_ =	shalt  }
0x80: {  	_ =	shalt  }
0x81: {  	_ =	shalt  }
0x82: {  	_ =	shalt  }
0x83: {  	_ =	shalt  }
0x84: {  	_ =	shalt  }
0x85: {  	_ =	shalt  }
0x86: {  	_ =	shalt  }
0x87: {  	_ =	shalt  }
.Lfunc_end0:
.L_simem_size_0:
called_computation.1_lowered:
.L_overlay_start_0:
0x88: {  	s2 =	sld [smem:$0x3FD9]  }
0x89: {  	s3 =	sld [smem:$0x3FFE];
	_ =	sdelay $0x1  }
0x8a: {  	s1 =	srdreg.scid  }
0x8b: {  	s0 =	sand.u32 $0x1, s1  }
0x8c: {  	s17 =	sshll.u32 s0, $0xA;
	s2 =	sadd.s32 s3, s2  }
0x8d: {  	s2 =	sadd.s32 s2, s17  }
0x8e: {  	[smem:$0x3FC3] =	sst s2  }
0x8f: {  	_ = 	snop  }
0x90: {  	s2 =	sld [smem:$0x3FD0];
	(tm) =	ssettm $0x1  }
0x91: {  	s18 =	sld [smem:$0x3FFB];
	_ =	sdelay $0x3  }
0x92: {  	_ =	strace s18  }
0x93: {  	s3 =	sld [smem:$0x3FFC];
	_ =	sdelay $0x3  }
0x94: {  	_ =	strace s3  }
0x95: {  	s3 =	sld [smem:$0x3FFD];
	_ =	sdelay $0x3  }
0x96: {  	_ =	strace s3  }
0x97: {  	_ =	strace $0x8FFFFFFF  }
0x98: {  	s19 =	sld [smem:$0x3FDB];
	_ =	sdelay $0x1  }
0x99: {  	s4 =	simm.s32 $_scs_section_size  }
0x9a: {  	s5 =	simm.s32 $_size__tile_overlayer_lowered;
	s6 =	simm.s32 $_tile_overlayer_lowered  }
0x9b: {  	s22 =	simm.s32 $0x1BFF;
	s21 =	sshll.u32 s6, $0x1;
	s3 =	sadd.s32 s4, s19  }
0x9c: {  	s7 =	simm.s32 $0x0;
	s20 =	sshll.u32 s5, $0x1;
	s5 =	sadd.s32 s21, s3  }
0x9d: {  	[timem:s7], [sflag:s22] =	dma.local [hbm:s5], s20  }
0x9e: {  	_ =	swait.ge [sflag:s22], s20  }
0x9f: {  	s4 =	ssub.s32 $0x0, s20;
	[sflag:s22] =	ssyncset.done $0x0  }
0xa0: {  	[sflag:s22] =	ssyncadd.s32 s4;
	_ =	sdelay $0x1  }
0xa1: {  	s23 =	simm.s32 $0x1B8B  }
0xa2: {  	_ =	swait.ge [sflag:s23], $0x1  }
0xa3: {  	[sflag:s23] =	ssyncset.done $0x0  }
0xa4: {  	s25 =	simm.s32 $0x1B8E;
	s24 =	sld [smem:$0x3FFE];
	[sflag:s23] =	ssyncadd.s32 $0xFFFFFFFF  }
0xa5: {  	s26 =	simm.s32 $execute0_lowered;
	[smem:$0x3FD2] =	sst s25  }
0xa6: {  	s5 =	sshll.u32 s26, $0x1;
	_ =	strace $0x80000046;
	[dreg:$0x1] =	wrdreg $0xFFFFFFFF  }
0xa7: {  	s28 =	simm.s32 $_size_execute0_lowered;
	s3 =	sadd.s32 s3, s5;
	[dreg:$0x0] =	wrdreg $0x0  }
0xa8: {  	s5 =	sshll.u32 s28, $0x1;
	[dreg:$0x2] =	wrdreg s3  }
0xa9: {  	[dreg:$0x3] =	wrdreg s5  }
0xaa: {  	[dreg:$0x4] =	wrdreg $0xC0  }
0xab: {  	_ =	task [dreg:s7], $0x5FFFF  }
0xac: {  	[dreg:$0x1] =	wrdreg $0xFFFFFFFF  }
0xad: {  	[dreg:$0x0] =	wrdreg $0x60  }
0xae: {  	[dreg:$0x2] =	wrdreg s2  }
0xaf: {  	[dreg:$0x3] =	wrdreg s24  }
0xb0: {  	[dreg:$0x4] =	wrdreg $0x9  }
0xb1: {  	_ =	task.clear_ibuf [dreg:s7], $0x5FFFF;
	_ =	strace $0x90000046  }
0xb2: {  	s29 =	simm.s32 $0x9;
	_ =	strace $0x80000048  }
0xb3: {  	_ =	swait.ge [sflag:s29], $0x1  }
0xb4: {  	[sflag:s29] =	ssyncadd.s32 $0xFFFFFFFF  }
0xb5: {  	_ =	strace $0x90000048  }
0xb6: {  	_ =	sfence  }
0xb7: {  	s30 =	sld [smem:$0x0];
	_ =	sdelay $0x2  }
0xb8: {  	s31 =	sshll.u32 s1, $0xD;
	s1 =	sshrl.u32 s1, $0x2  }
0xb9: {  	s3 =	sand.u32 $0x4000, s31;
	s1 =	sadd.s32 s1, s30  }
0xba: {  	s0 =	sor.u32 s3, s0;
	s1 =	sshll.u32 s1, $0x11  }
0xbb: {  	s0 =	sor.u32 s1, s0  }
0xbc: {  	s0 =	sadd.s32 $0x8F2B, s0  }
0xbd: {  	[sflag:s0] =	ssyncadd.remote.s32 $0x1  }
0xbe: {  	_ =	sfence.sel $0xFFFF  }
0xbf: {  	[dreg:$0x0] =	wrdreg $0xFFFFFFFF;
	(pc) =	sbr.abs _section_cstart, $3  }
0xc0: {  	[dreg:$0x1] =	wrdreg $0xFFFFFFFF  }
0xc1: {  	_ =	task.clear_ibuf [dreg:s7], $0x2FFFF;
	_ =	strace $0x9FFFFFFF  }
0xc2: {  	(tm) =	ssettm $0x7FFFFFFF  }
0xc3: {  	_ =	shalt  }
tec
execute0_lowered:
.L_overlay_start_1:
0x0: {  	(tag) =	ssettag $0x1  }
0x1: {  	s4 =	rddreg [dreg:$0x0];
	s1 =	srdreg.scid  }
0x2: {  	s0 =	stileid.u32;
	s5 =	rddreg [dreg:$0x1];
	s2 =	simm.s32 $0x0  }
0x3: {  	s13 =	simm.s32 $0x1;
	s14 =	simm.s32 $0x101D0;
	s15 =	simm.s32 $0x2  }
0x4: {  	s16 =	simm.s32 $0x3;
	s17 =	simm.s32 $0x0;
	s6 =	sand.u32 $0x1, s1  }
0x5: {  	s3 =	sshll.u32 s0, $0x1;
	s1 =	rddreg [dreg:$0x2];
	s10 =	smul.u32 $0x186A0, s0  }
0x6: {  	s7 =	sor.u32 s6, s3;
	s9 =	ssub.s32 $0x2, s6;
	s6 =	smul.u32 $0xC350, s6  }
0x7: {  	[smem:$0x7FF] =	sst s2;
	s12 =	sadd.s32 $0x1B8C00, s5;
	s8 =	smul.u32 $0xC350, s7  }
0x8: {  	_ =	strace $0x80000047;
	s11 =	sshrl.u32 s9, $0x1;
	s28 =	smul.u32 $0xC3500, s7  }
0x9: {  	s3 =	sadd.s32 $0x187E00, s5;
	s7 =	smul.u32 $0x186A0, s7;
	s9 =	ssub.s32 s9, s11  }
0xa: {  	s6 =	sadd.s32 s6, s10;
	s10 =	simm.s32 $0x4;
	s11 =	simm.s32 $0x3E8  }
0xb: {  	s8 =	sshrl.u32 s8, $0x3;
	s29 =	sshrl.u32 s28, $0x3;
	s6 =	sshll.u32 s6, $0x1  }
0xc: {  	s5 =	sadd.s32 s12, s7;
	s7 =	smax.u32 s9, $0x1;
	s4 =	sadd.s32 s4, s8  }
0xd: {  	s30 =	sadd.s32 s12, s29;
	s31 =	sadd.s32 s12, s6;
	s12 =	simm.s32 $0xC350  }
0xe: {  	s6 =	sadd.s32 $0x7D0, s30;
	s8 =	sadd.s32 $0x1770, s31;
	s9 =	sadd.s32 $0xFA0, s31  }
.LBB2_1:
0xf: {  	[tilespmem:s2], [sflag:$0x4] =	stream.linear.gather [hbm4b:s4+s2], $0xC350, $0x38;
	[tilespmem:$0x14050] =	vst v63  }
0x10: {  	_ =	swait.ge [sflag:s10], $0xC350  }
0x11: {  	[sflag:s10] =	ssyncset.done $0x0  }
0x12: {  	[sflag:s10] =	ssyncadd.s32 $0xFFFF3CB0  }
0x13: {  	[tilespmem:s12], [sflag:$0x1] =	stream.indirect.gather [hbm4b:s3+s11], $0x10, s2, s11, $0xb8;
	[tilespmem:$0x14050] =	vst v63  }
0x14: {  	_ =	swait.ge [sflag:s13], $0x3E80  }
0x15: {  	[sflag:s13] =	ssyncset.done $0x0  }
0x16: {  	[sflag:s13] =	ssyncadd.s32 $0xFFFFC180  }
0x17: {  	[hbm4b:s5+s2] =	stream.linear.scatter [tilespmem:s12], [sflag:$0x2], $0x3E80, $0x38;
	[tilespmem:$0x14050] =	vst v63  }
0x18: {  	_ = 	snop  }
0x19: {  	[tilespmem:s14], [sflag:$0x1] =	stream.indirect.gather [hbm4b:s3+s11], $0x10, s11, s11, $0xb8;
	[tilespmem:$0x14050] =	vst v63  }
0x1a: {  	_ =	swait.ge [sflag:s13], $0x3E80  }
0x1b: {  	[sflag:s13] =	ssyncset.done $0x0  }
0x1c: {  	[sflag:s13] =	ssyncadd.s32 $0xFFFFC180  }
0x1d: {  	[hbm4b:s6+s2] =	stream.linear.scatter [tilespmem:s14], [sflag:$0x3], $0x3E80, $0x38;
	[tilespmem:$0x14050] =	vst v63  }
0x1e: {  	_ =	swait.ge [sflag:s15], $0x3E80  }
0x1f: {  	[sflag:s15] =	ssyncset.done $0x0  }
0x20: {  	s18 =	simm.s32 $0x7D0;
	[sflag:s15] =	ssyncadd.s32 $0xFFFFC180  }
0x21: {  	[tilespmem:s12], [sflag:$0x1] =	stream.indirect.gather [hbm4b:s3+s11], $0x10, s18, s11, $0xb8;
	[tilespmem:$0x14050] =	vst v63  }
0x22: {  	_ =	swait.ge [sflag:s13], $0x3E80  }
0x23: {  	[sflag:s13] =	ssyncset.done $0x0  }
0x24: {  	s30 =	sadd.s32 $0x0, s9;
	[sflag:s13] =	ssyncadd.s32 $0xFFFFC180  }
0x25: {  	[hbm4b:s30+s2] =	stream.linear.scatter [tilespmem:s12], [sflag:$0x2], $0x3E80, $0x38;
	[tilespmem:$0x14050] =	vst v63  }
0x26: {  	_ =	swait.ge [sflag:s16], $0x3E80  }
0x27: {  	[sflag:s16] =	ssyncset.done $0x0  }
0x28: {  	s31 =	simm.s32 $0xBB8;
	[sflag:s16] =	ssyncadd.s32 $0xFFFFC180  }
0x29: {  	[tilespmem:s14], [sflag:$0x1] =	stream.indirect.gather [hbm4b:s3+s11], $0x10, s31, s11, $0xb8;
	[tilespmem:$0x14050] =	vst v63  }
0x2a: {  	_ =	swait.ge [sflag:s13], $0x3E80  }
0x2b: {  	s20 =	sadd.s32 $0x0, s8;
	[sflag:s13] =	ssyncset.done $0x0  }
0x2c: {  	s19 =	simm.s32 $0x1388;
	s18 =	simm.s32 $0xFA0;
	[sflag:s13] =	ssyncadd.s32 $0xFFFFC180  }
.LBB2_2:
0x2d: {  	[hbm4b:s20+s2] =	stream.linear.scatter [tilespmem:s14], [sflag:$0x3], $0x3E80, $0x38;
	[tilespmem:$0x14050] =	vst v63  }
0x2e: {  	s20 =	smov.u32 s18  }
0x2f: {  	p0 =	sne.s32 s18, $0x16760;
	s18 =	sadd.s32 $0xFA0, s18;
	_ =	swait.ge [sflag:s15], $0x3E80  }
0x30: {  	[sflag:s15] =	ssyncset.done $0x0  }
0x31: {  	s21 =	sadd.s32 $0xFFFFFC18, s19;
	[sflag:s15] =	ssyncadd.s32 $0xFFFFC180  }
0x32: {  	[tilespmem:s12], [sflag:$0x1] =	stream.indirect.gather [hbm4b:s3+s11], $0x10, s21, s11, $0xb8;
	[tilespmem:$0x14050] =	vst v63  }
0x33: {  	_ =	swait.ge [sflag:s13], $0x3E80  }
0x34: {  	[sflag:s13] =	ssyncset.done $0x0  }
0x35: {  	s21 =	sadd.s32 s20, s9;
	[sflag:s13] =	ssyncadd.s32 $0xFFFFC180  }
0x36: {  	[hbm4b:s21+s2] =	stream.linear.scatter [tilespmem:s12], [sflag:$0x2], $0x3E80, $0x38;
	[tilespmem:$0x14050] =	vst v63  }
0x37: {  	_ =	swait.ge [sflag:s16], $0x3E80  }
0x38: {  	[sflag:s16] =	ssyncset.done $0x0  }
.Ltmp0:
0x39: {  	[sflag:s16] =	ssyncadd.s32 $0xFFFFC180;
	(pc) =	sbr.rel @p0 .LBB2_2-.Ltmp0, $4  }
0x3a: {  	[tilespmem:s14], [sflag:$0x1] =	stream.indirect.gather [hbm4b:s3+s11], $0x10, s19, s11, $0xb8;
	[tilespmem:$0x14050] =	vst v63  }
0x3b: {  	_ =	swait.ge [sflag:s13], $0x3E80  }
0x3c: {  	[sflag:s13] =	ssyncset.done $0x0  }
0x3d: {  	s20 =	sadd.s32 s20, s8;
	s19 =	sadd.s32 $0x7D0, s19;
	[sflag:s13] =	ssyncadd.s32 $0xFFFFC180  }
0x3e: {  	[hbm4b:s20+s2] =	stream.linear.scatter [tilespmem:s14], [sflag:$0x3], $0x3E80, $0x38;
	[tilespmem:$0x14050] =	vst v63  }
0x3f: {  	s17 =	sadd.s32 $0x1, s17  }
0x40: {  	_ =	swait.ge [sflag:s15], $0x3E80;
	p0 =	sne.s32 s17, s7  }
.Ltmp1:
0x41: {  	[sflag:s15] =	ssyncset.done $0x0;
	(pc) =	sbr.rel @p0 .LBB2_1-.Ltmp1, $4  }
0x42: {  	[sflag:s15] =	ssyncadd.s32 $0xFFFFC180  }
0x43: {  	_ =	swait.ge [sflag:s16], $0x3E80  }
0x44: {  	[sflag:s16] =	ssyncset.done $0x0  }
0x45: {  	[sflag:s16] =	ssyncadd.s32 $0xFFFFC180  }
0x46: {  	_ =	sfence.sel $0x180000  }
0x47: {  	[bflag:$0x0] =	sbarrier.arrive $0xFFFF  }
0x48: {  	p0 =	sne.s32 s0, $0x0;
	_ =	strace $0x90000047  }
0x49: {  	s0 =	sadd.s32 @!p0 $0x100000, s1;
	[bflag:$0x2] =	sbarrier.arrive $0xFFFF  }
0x4a: {  	[sflag:s0] =	ssyncadd.tile.s32 @!p0 $0x1;
	_ =	shalt  }
.Lfunc_end2:
_tile_overlayer_lowered:
.L_overlay_start_2:
0x4b: {  	(tag) =	ssettag $0x2  }
0x4c: {  	s0 =	rddreg [dreg:$0x0];
	s2 =	stileid.u32  }
0x4d: {  	s1 =	rddreg [dreg:$0x1];
	p0 =	sne.s32 s2, $0x0  }
0x4e: {  	s3 =	rddreg [dreg:$0x2];
	[bflag:$0x3] =	sbarrier.arrive $0xFFFF;
	s2 =	simm.s32 @!p0 $0x1C04  }
0x4f: {  	[timem:s3], [sflag:s2] =	dma.local @!p0 [hbm:s0], s1  }
0x50: {  	s0 =	simm.s32 @!p0 $0x4  }
0x51: {  	_ =	swait.ge @!p0 [sflag:s0], s1  }
0x52: {  	s1 =	ssub.s32 @!p0 $0x0, s1;
	[sflag:s0] =	ssyncset.done @!p0 $0x0  }
0x53: {  	[sflag:s0] =	ssyncadd.s32 @!p0 s1  }
0x54: {  	[bflag:$0x3] =	sbarrier.arrive $0xFFFF  }
0x55: {  	_ =	shalt  }

// kernel: sparse-core-data-format-call.cloned.1.call-start
scs
called_computation_lowered:
.L_overlay_start_0:
0x0: {  	s1 =	sld [smem:$0x3FD9]  }
0x1: {  	s2 =	sld [smem:$0x3FFE];
	_ =	sdelay $0x1  }
0x2: {  	s3 =	srdreg.scid  }
0x3: {  	s0 =	sand.u32 $0x1, s3  }
0x4: {  	s17 =	sshll.u32 s0, $0xA;
	s1 =	sadd.s32 s2, s1  }
0x5: {  	s1 =	sadd.s32 s1, s17  }
0x6: {  	[smem:$0x3FC3] =	sst s1  }
0x7: {  	_ = 	snop  }
0x8: {  	(tm) =	ssettm $0x1  }
0x9: {  	s18 =	sld [smem:$0x3FFB];
	_ =	sdelay $0x3  }
0xa: {  	_ =	strace s18  }
0xb: {  	s1 =	sld [smem:$0x3FFC];
	_ =	sdelay $0x3  }
0xc: {  	_ =	strace s1  }
0xd: {  	s1 =	sld [smem:$0x3FFD];
	_ =	sdelay $0x3  }
0xe: {  	_ =	strace s1  }
0xf: {  	_ =	strace $0x8FFFFFFF  }
0x10: {  	s19 =	sld [smem:$0x3FDB];
	_ =	sdelay $0x1  }
0x11: {  	s20 =	simm.s32 $_scs_section_size  }
0x12: {  	s4 =	simm.s32 $_size__tile_overlayer_lowered;
	s5 =	simm.s32 $_tile_overlayer_lowered  }
0x13: {  	s23 =	simm.s32 $0x1BFF;
	s22 =	sshll.u32 s5, $0x1;
	s1 =	sadd.s32 s20, s19  }
0x14: {  	s6 =	simm.s32 $0x0;
	s21 =	sshll.u32 s4, $0x1;
	s4 =	sadd.s32 s22, s1  }
0x15: {  	[timem:s6], [sflag:s23] =	dma.local [hbm:s4], s21  }
0x16: {  	_ =	swait.ge [sflag:s23], s21  }
0x17: {  	s2 =	ssub.s32 $0x0, s21;
	[sflag:s23] =	ssyncset.done $0x0  }
0x18: {  	[sflag:s23] =	ssyncadd.s32 s2;
	_ =	sdelay $0x1  }
0x19: {  	s24 =	simm.s32 $0x1B8B  }
0x1a: {  	_ =	swait.ge [sflag:s24], $0x1  }
0x1b: {  	[sflag:s24] =	ssyncset.done $0x0  }
0x1c: {  	s26 =	simm.s32 $0x1B8E;
	s25 =	sld [smem:$0x3FFE];
	[sflag:s24] =	ssyncadd.s32 $0xFFFFFFFF  }
0x1d: {  	s27 =	simm.s32 $execute0_lowered;
	[smem:$0x3FD2] =	sst s26  }
0x1e: {  	s4 =	sshll.u32 s27, $0x1;
	_ =	strace $0x80000049;
	[dreg:$0x1] =	wrdreg $0xFFFFFFFF  }
0x1f: {  	s28 =	simm.s32 $_size_execute0_lowered;
	s1 =	sadd.s32 s1, s4;
	[dreg:$0x0] =	wrdreg $0x0  }
0x20: {  	s4 =	sshll.u32 s28, $0x1;
	[dreg:$0x2] =	wrdreg s1  }
0x21: {  	[dreg:$0x3] =	wrdreg s4  }
0x22: {  	[dreg:$0x4] =	wrdreg $0xC0  }
0x23: {  	_ =	task [dreg:s6], $0x5FFFF  }
0x24: {  	[dreg:$0x1] =	wrdreg $0xFFFFFFFF  }
0x25: {  	[dreg:$0x0] =	wrdreg $0x60  }
0x26: {  	[dreg:$0x2] =	wrdreg s25  }
0x27: {  	[dreg:$0x3] =	wrdreg $0x9  }
0x28: {  	_ =	task.clear_ibuf [dreg:s6], $0x4FFFF;
	_ =	strace $0x90000049  }
0x29: {  	s29 =	simm.s32 $0x9;
	_ =	strace $0x8000004B  }
0x2a: {  	_ =	swait.ge [sflag:s29], $0x1  }
0x2b: {  	[sflag:s29] =	ssyncadd.s32 $0xFFFFFFFF  }
0x2c: {  	_ =	strace $0x9000004B  }
0x2d: {  	_ =	sfence  }
0x2e: {  	s30 =	sld [smem:$0x0];
	_ =	sdelay $0x2  }
0x2f: {  	s31 =	sshll.u32 s3, $0xD;
	s3 =	sshrl.u32 s3, $0x2  }
0x30: {  	s2 =	sand.u32 $0x4000, s31;
	s1 =	sadd.s32 s3, s30  }
0x31: {  	s0 =	sor.u32 s2, s0;
	s1 =	sshll.u32 s1, $0x11  }
0x32: {  	s0 =	sor.u32 s1, s0  }
0x33: {  	s0 =	sadd.s32 $0x8F2B, s0  }
0x34: {  	[sflag:s0] =	ssyncadd.remote.s32 $0x1  }
0x35: {  	_ =	sfence.sel $0xFFFF  }
0x36: {  	[dreg:$0x0] =	wrdreg $0xFFFFFFFF;
	(pc) =	sbr.abs _section_cstart, $3  }
0x37: {  	[dreg:$0x1] =	wrdreg $0xFFFFFFFF  }
0x38: {  	_ =	task.clear_ibuf [dreg:s6], $0x2FFFF;
	_ =	strace $0x9FFFFFFF  }
0x39: {  	(tm) =	ssettm $0x7FFFFFFF  }
tec
execute0_lowered:
.L_overlay_start_1:
0x0: {  	(tag) =	ssettag $0x1  }
0x1: {  	s0 =	srdreg.scid;
	s7 =	rddreg [dreg:$0x0]  }
0x2: {  	s1 =	stileid.u32;
	s31 =	simm.s32 $0x2;
	s14 =	simm.s32 $0x0  }
0x3: {  	p0 =	por $0x0, $0x0;
	s10 =	simm.s32 $0xC3800;
	s2 =	sshll.u32 s0, $0x7  }
0x4: {  	s13 =	simm.s32 $0x0;
	s3 =	sshll.u32 s1, $0x7;
	s2 =	sand.u32 $0x80, s2  }
0x5: {  	s12 =	simm.s32 $0x0;
	s6 =	ssub.s32 $0x18680, s3;
	s5 =	ssub.s32 $0x100, s2  }
0x6: {  	s0 =	rddreg [dreg:$0x1];
	s6 =	sshrl.u32 s6, $0xB;
	s8 =	sshrl.u32 s5, $0x7  }
.Ltmp0:
0x7: {  	s9 =	sshrl.u32 s5, $0x8;
	s8 =	sand.u32 $0x1, s8;
	(pc) =	sbr.rel .LBB1_1-.Ltmp0, $4  }
0x8: {  	_ =	strace $0x8000004A;
	s6 =	sadd.s32 $0x1, s6;
	s8 =	sadd.s32 s9, s8  }
0x9: {  	s4 =	sadd.s32 $0x4C6000, s7;
	s5 =	simm.s32 $0x1;
	s6 =	smul.u32 s6, s8  }
0xa: {  	s7 =	sadd.s32 $0x1400, s7;
	s11 =	smov.u32 s3;
	[sflag:s5] =	ssyncpa.u1 $0x0  }
0xb: {  	[sflag:s31] =	ssyncpa.u1 $0x0;
	s8 =	sshll.u32 s2, $0x3;
	s9 =	sadd.s32 $0x1, s6  }
.LBB1_4:
0xc: {  	s14 =	sshrl.u32 s14, $0x3  }
0xd: {  	s20 =	sshll.u32 s13, $0x3;
	s14 =	smul.u32 $0xC3800, s14  }
0xe: {  	v5 =	vld [tilespmem:s18+$0xFFFFFFD0];
	[tilespmem:s17+$0x2040 ss:$0x81] =	vst.msk $0xffff, v4;
	s20 =	sand.u32 $0xFFFFFC00, s20  }
0xf: {  	v58 =	vld [tilespmem:s18+$0xFFFFFFE0];
	[tilespmem:s17+$0x2850 ss:$0x81] =	vst.msk $0xffff, v3;
	s30 =	sand.u32 $0x7F, s13;
	s14 =	sadd.s32 s20, s14  }
0x10: {  	s19 =	sshra.s32 s19, $0x2;
	v59 =	vld [tilespmem:s18+$0xFFFFFFF0];
	[tilespmem:s17+$0x3060 ss:$0x81] =	vst.msk $0xffff, v2;
	s13 =	sor.u32 s30, s14  }
0x11: {  	v60 =	vld [tilespmem:s18+$0x0];
	[tilespmem:s17+$0x0 ss:$0x81] =	vst.msk $0xffff, v0;
	s16 =	sadd.s32 s19, s16;
	s31 =	smulhi.u32 $0xA79C7B17, s13  }
0x12: {  	v61 =	vld [tilespmem:s18+$0x10];
	[tilespmem:s16+$0x3870 ss:$0x81] =	vst.msk $0xffff, v1  }
0x13: {  	v62 =	vld [tilespmem:s18+$0x20];
	s14 =	smulhi.u32 $0xA79C7B17, s14;
	[tilespmem:s16+$0x810 ss:$0x81] =	vst.msk $0xffff, v5;
	s17 =	sshrl.u32 s31, $0x10  }
0x14: {  	v63 =	vld [tilespmem:s18+$0xFFFFFFC0];
	[tilespmem:s16+$0x1020 ss:$0x81] =	vst.msk $0xffff, v58;
	s17 =	smul.u32 $0x18700, s17  }
0x15: {  	[tilespmem:s16+$0x1830 ss:$0x81] =	vst.msk $0xffff, v59;
	s14 =	sshrl.u32 s14, $0x10  }
0x16: {  	[tilespmem:s16+$0x2040 ss:$0x81] =	vst.msk $0xffff, v60;
	s14 =	sand.u32 $0xFF, s14;
	s13 =	ssub.s32 s13, s17  }
0x17: {  	[tilespmem:s16+$0x2850 ss:$0x81] =	vst.msk $0xffff, v61;
	s14 =	smul.u32 $0x30E0, s14;
	s17 =	sshrl.u32 s13, $0x3;
	s13 =	sand.u32 $0x7, s13  }
0x18: {  	[tilespmem:s16+$0x3060 ss:$0x81] =	vst.msk $0xffff, v62;
	s17 =	sadd.s32 s7, s17;
	s13 =	sshll.u32 s13, $0x12  }
0x19: {  	[tilespmem:s16+$0x0 ss:$0x81] =	vst.msk $0xffff, v63;
	s14 =	sadd.s32 s14, s17;
	s13 =	sor.u32 $0x400, s13  }
0x1a: {  	[hbm4b:s14+s13] =	stream.strided.scatter [tilespmem:s15], [sflag:$0x2], $0x4000, s10, s13, $0x20;
	[tilespmem:$0x10100] =	vst v63  }
.LBB1_5:
0x1b: {  	s15 =	sadd.s32 $0x800, s11  }
0x1c: {  	p2 =	sgt.s32 s15, $0x1869F  }
0x1d: {  	s15 =	smov.u32 @p2 s3;
	p2 =	sne.s32 s12, s9  }
.Ltmp1:
0x1e: {  	p1 =	slt.u32 s12, $0x2;
	(pc) =	sbr.rel @!p2 .LBB1_6-.Ltmp1, $4  }
0x1f: {  	s14 =	simm.s32 @!p1 $0x2  }
0x20: {  	s16 =	sadd.s32 $0x1, s12;
	s13 =	smov.u32 s11;
	_ =	swait.ge @!p1 [sflag:s14], $0x4000  }
0x21: {  	p0 =	por !p0, !p0;
	s12 =	smov.u32 s16;
	[sflag:s14] =	ssyncset.done @!p1 $0x0  }
0x22: {  	s11 =	smov.u32 s15;
	[sflag:s14] =	ssyncadd.s32 @!p1 $0xFFFFC000;
	s14 =	smov.u32 s2  }
.LBB1_1:
0x23: {  	p1 =	sge.u32 s12, s6  }
0x24: {  	s15 =	sshll.u32 @!p1 s11, $0x8  }
0x25: {  	s16 =	sshll.u32 @!p1 s11, $0x7;
	s15 =	sand.u32 @!p1 $0xFFFFF800, s15  }
0x26: {  	s16 =	sand.u32 @!p1 $0x300, s16;
	s15 =	sor.u32 @!p1 s8, s15  }
0x27: {  	s15 =	sor.u32 @!p1 s16, s15  }
0x28: {  	s17 =	smov.u32 s11;
	p2 =	sgt.s32 @!p1 s11, $0x18620;
	s15 =	sshrl.u32 @!p1 s15, $0x8  }
0x29: {  	s18 =	sshra.s32 @!p1 s11, $0x1F;
	p2 =	por !p2, p1;
	s16 =	smulhi.u32 @!p1 $0x14F8B59, s15  }
0x2a: {  	s31 =	sadd.s32 $0xFFFFFFFF, s12;
	s18 =	sand.u32 @!p1 s18, s11;
	s17 =	simm.s32 @p2 $0x18620  }
0x2b: {  	s19 =	sxor.u32 @!p1 $0xFFFFFFFF, s12;
	s17 =	ssub.s32 @!p1 s17, s18;
	s16 =	sshrl.u32 @!p1 s16, $0x9  }
0x2c: {  	s18 =	sshll.u32 @!p1 s19, $0xE;
	s17 =	sadd.s32 @!p1 $0xFFFE79E0, s17;
	s16 =	smul.u32 @!p1 $0x186A0, s16  }
0x2d: {  	s19 =	simm.s32 @!p1 $0x800;
	s18 =	sand.u32 @!p1 $0x4000, s18;
	p2 =	sgt.s32 @!p1 s17, $0x7F  }
0x2e: {  	s15 =	ssub.s32 @!p1 s15, s16;
	s16 =	sshll.u32 @!p1 s17, $0x7;
	s17 =	sshll.u32 @!p1 s11, $0x4  }
0x2f: {  	p2 =	por !p2, p1;
	s16 =	ssub.s32 @!p1 $0x4000, s16;
	s17 =	sand.u32 @!p1 $0x10, s17  }
0x30: {  	s15 =	sshll.u32 @!p1 s15, $0x5;
	s16 =	sand.u32 @!p1 $0x3FFFFF80, s16;
	s17 =	sadd.s32 @!p1 s4, s17  }
0x31: {  	s16 =	simm.s32 @!p2 $0x0;
	s15 =	sadd.s32 @!p1 s15, s17;
	s17 =	simm.s32 @!p1 $0x400  }
0x32: {  	[tilespmem:s18], [sflag:$0x1] =	stream.strided.gather @!p1 [hbm4b:s15+s17], s16, s19, s17, $0x38;
	[tilespmem:$0x10100] =	vst v63  }
0x33: {  	p1 =	sge.u32 s31, s6  }
.Ltmp2:
0x34: {  	_ = 	snop;
	(pc) =	sbr.rel @p1 .LBB1_5-.Ltmp2, $1  }
0x35: {  	_ =	sdelay $0x3  }
0x36: {  	p1 =	sgt.s32 s13, $0x18620;
	s15 =	smov.u32 s13;
	s16 =	sshra.s32 s13, $0x1F  }
0x37: {  	s15 =	simm.s32 @!p1 $0x18620;
	s16 =	sand.u32 s16, s13  }
0x38: {  	s15 =	ssub.s32 s15, s16  }
0x39: {  	s15 =	sadd.s32 $0xFFFE79E0, s15  }
0x3a: {  	s29 =	sshll.u32 s15, $0x7  }
0x3b: {  	s16 =	ssub.s32 $0x4000, s29  }
0x3c: {  	p1 =	sgt.s32 s15, $0x7F;
	s15 =	sand.u32 $0x3FFFFF80, s16  }
0x3d: {  	s16 =	simm.s32 $0x1;
	s15 =	simm.s32 @p1 $0x0  }
0x3e: {  	s16 =	simm.s32 @!p0 $0x0;
	_ =	swait.ge [sflag:s5], s15  }
0x3f: {  	s17 =	sshll.u32 s16, $0xE;
	s15 =	ssub.s32 $0x0, s15;
	[sflag:s5] =	ssyncset.done $0x0  }
0x40: {  	s18 =	sor.u32 $0x40, s17;
	[sflag:s5] =	ssyncadd.s32 s15  }
0x41: {  	s30 =	smul.u32 $0x10200, s16;
	v0 =	vld [tilespmem:s18+$0x30]  }
0x42: {  	v1 =	vld [tilespmem:s18+$0xFFFFFFD0]  }
0x43: {  	s15 =	sshrl.u32 s30, $0x2;
	v5 =	vld [tilespmem:s18+$0xFFFFFFE0]  }
0x44: {  	s16 =	sor.u32 $0x8000, s15;
	v6 =	vld [tilespmem:s18+$0xFFFFFFF0]  }
0x45: {  	s31 =	sand.u32 $0x1, s12;
	v4 =	vld [tilespmem:s18+$0x0];
	s17 =	sadd.s32 $0x0, s16  }
0x46: {  	s15 =	smul.u32 $0x10200, s31;
	v3 =	vld [tilespmem:s18+$0x10];
	[tilespmem:s17+$0x3870 ss:$0x81] =	vst.msk $0xffff, v0  }
0x47: {  	v2 =	vld [tilespmem:s18+$0x20];
	[tilespmem:s17+$0x810 ss:$0x81] =	vst.msk $0xffff, v1  }
0x48: {  	s15 =	sshrl.u32 s15, $0x2;
	v0 =	vld [tilespmem:s18+$0xFFFFFFC0];
	[tilespmem:s17+$0x1020 ss:$0x81] =	vst.msk $0xffff, v5;
	s18 =	sadd.s32 $0x80, s18  }
0x49: {  	s19 =	simm.s32 $0x4;
	s20 =	simm.s32 $0x8;
	s15 =	sor.u32 $0x8000, s15;
	[tilespmem:s17+$0x1830 ss:$0x81] =	vst.msk $0xffff, v6;
	v1 =	vld [tilespmem:s18+$0x30]  }
.LBB1_3:
0x4a: {  	p1 =	sne.s32 s20, $0x1FC;
	v5 =	vld [tilespmem:s18+$0xFFFFFFD0];
	[tilespmem:s17+$0x2040 ss:$0x81] =	vst.msk $0xffff, v4  }
0x4b: {  	v6 =	vld [tilespmem:s18+$0xFFFFFFE0];
	[tilespmem:s17+$0x2850 ss:$0x81] =	vst.msk $0xffff, v3  }
0x4c: {  	s21 =	sshra.s32 s19, $0x2;
	s19 =	smov.u32 s20;
	v7 =	vld [tilespmem:s18+$0xFFFFFFF0];
	[tilespmem:s17+$0x3060 ss:$0x81] =	vst.msk $0xffff, v2  }
.Ltmp3:
0x4d: {  	v4 =	vld [tilespmem:s18+$0x0];
	[tilespmem:s17+$0x0 ss:$0x81] =	vst.msk $0xffff, v0;
	s17 =	sadd.s32 s21, s16;
	(pc) =	sbr.rel @p1 .LBB1_3-.Ltmp3, $4  }
0x4e: {  	v3 =	vld [tilespmem:s18+$0x10];
	[tilespmem:s17+$0x3870 ss:$0x81] =	vst.msk $0xffff, v1  }
0x4f: {  	[tilespmem:s17+$0x810 ss:$0x81] =	vst.msk $0xffff, v5;
	v2 =	vld [tilespmem:s18+$0x20]  }
0x50: {  	v0 =	vld [tilespmem:s18+$0xFFFFFFC0];
	[tilespmem:s17+$0x1020 ss:$0x81] =	vst.msk $0xffff, v6;
	s18 =	sadd.s32 $0x80, s18  }
0x51: {  	s20 =	sadd.s32 $0x4, s20;
	v1 =	vld [tilespmem:s18+$0x30];
	[tilespmem:s17+$0x1830 ss:$0x81] =	vst.msk $0xffff, v7  }
.Ltmp4:
0x52: {  	_ = 	snop;
	(pc) =	sbr.rel .LBB1_4-.Ltmp4, $1  }
0x53: {  	_ =	sdelay $0x3  }
.LBB1_6:
0x54: {  	_ =	sfence.sel $0x180000  }
0x55: {  	s2 =	simm.s32 $0x1;
	[bflag:$0x0] =	sbarrier.arrive $0xFFFF  }
0x56: {  	s31 =	simm.s32 $0x2;
	[sflag:s2] =	ssyncpa.u1 $0x1  }
0x57: {  	[sflag:s31] =	ssyncpa.u1 $0x1  }
0x58: {  	p0 =	sne.s32 s1, $0x0;
	_ =	strace $0x9000004A  }
0x59: {  	s0 =	sadd.s32 @!p0 $0x100000, s0;
	[bflag:$0x2] =	sbarrier.arrive $0xFFFF  }
0x5a: {  	[sflag:s0] =	ssyncadd.tile.s32 @!p0 $0x1;
	_ =	shalt  }
.Lfunc_end1:
_tile_overlayer_lowered:
.L_overlay_start_2:
0x5b: {  	(tag) =	ssettag $0x2  }
0x5c: {  	s0 =	rddreg [dreg:$0x0];
	s2 =	stileid.u32  }
0x5d: {  	s1 =	rddreg [dreg:$0x1];
	p0 =	sne.s32 s2, $0x0  }
0x5e: {  	s3 =	rddreg [dreg:$0x2];
	[bflag:$0x3] =	sbarrier.arrive $0xFFFF;
	s2 =	simm.s32 @!p0 $0x1C01  }
0x5f: {  	[timem:s3], [sflag:s2] =	dma.local @!p0 [hbm:s0], s1  }
0x60: {  	s0 =	simm.s32 @!p0 $0x1  }
0x61: {  	_ =	swait.ge @!p0 [sflag:s0], s1  }
0x62: {  	s1 =	ssub.s32 @!p0 $0x0, s1;
	[sflag:s0] =	ssyncset.done @!p0 $0x0  }
0x63: {  	[sflag:s0] =	ssyncadd.s32 @!p0 s1  }
0x64: {  	[bflag:$0x3] =	sbarrier.arrive $0xFFFF  }
0x65: {  	_ =	shalt  }

</sc_bundles>
